<compile_context>
chip_gen: v7x
topology: tpu7x:2x2x1
jax: 0.10.2.dev20260603
libtpu: 0.0.44.dev20260713+nightly
codegen_flags: <defaults>
</compile_context>

<pallas_src>
import dataclasses
import functools

import jax
import jax.numpy as jnp
from jax import lax
from jax.experimental import pallas as pl
from jax.experimental.pallas import tpu as pltpu
from jax.experimental.pallas import tpu_sc as plsc

N = 10000
E = 320000
D = 128
NC = 2
NS = 16
NW = NC * NS
EPT = E // NW
CH = 16
NCHUNK = EPT // CH
NBUF = 5
NGRP = NCHUNK // NBUF
N_PAD = 10240
RPT = N_PAD // NS

_mesh = plsc.VectorSubcoreMesh(core_axis_name="c", subcore_axis_name="s")

_sc_params = pltpu.CompilerParams()
if "needs_layout_passes" in pltpu.CompilerParams.__dataclass_fields__:
    _sc_params = dataclasses.replace(_sc_params, needs_layout_passes=False)
_sc_params = dataclasses.replace(_sc_params, use_tc_tiling_on_sc=False)


@functools.partial(
    pl.kernel,
    out_type=(
        jax.ShapeDtypeStruct((NW, N), jnp.float32),
        jax.ShapeDtypeStruct((NW, N), jnp.float32),
    ),
    mesh=_mesh,
    scratch_types=[
        pltpu.VMEM((EPT,), jnp.int32),
        pltpu.VMEM((EPT,), jnp.int32),
        pltpu.VMEM((N,), jnp.float32),
        pltpu.VMEM((N,), jnp.float32),
    ],
    compiler_params=_sc_params,
)
def _deg_kernel(src_hbm, dst_hbm, osrc_hbm, odst_hbm, src_v, dst_v, hs_v, hd_v):
    c = lax.axis_index("c")
    s = lax.axis_index("s")
    wid = c * NS + s
    pltpu.sync_copy(src_hbm.at[pl.ds(wid * EPT, EPT)], src_v)
    pltpu.sync_copy(dst_hbm.at[pl.ds(wid * EPT, EPT)], dst_v)

    zeros = jnp.zeros((16,), jnp.float32)

    @pl.loop(0, N, step=16)
    def _(i):
        hs_v[pl.ds(i, 16)] = zeros
        hd_v[pl.ds(i, 16)] = zeros

    ones = jnp.ones((16,), jnp.float32)

    @pl.loop(0, EPT, step=16)
    def _(i):
        plsc.addupdate_scatter(hs_v, [src_v[pl.ds(i, 16)]], ones)
        plsc.addupdate_scatter(hd_v, [dst_v[pl.ds(i, 16)]], ones)

    pltpu.sync_copy(hs_v, osrc_hbm.at[wid])
    pltpu.sync_copy(hd_v, odst_hbm.at[wid])


@functools.partial(
    pl.kernel,
    out_type=jax.ShapeDtypeStruct((NC, N_PAD, D), jnp.float32),
    mesh=_mesh,
    scratch_types=[
        pltpu.VMEM((EPT,), jnp.int32),
        pltpu.VMEM((NCHUNK, CH), jnp.int32),
        pltpu.VMEM((NBUF, CH, D), jnp.float32),
        pltpu.VMEM_SHARED((N_PAD, D), jnp.float32),
    ] + [pltpu.SemaphoreType.DMA] * (2 * NBUF),
    compiler_params=_sc_params,
)
def _agg_kernel(hw_hbm, src_hbm, dstr_hbm, zeros_hbm, out_hbm,
                src_v, dst_v, rows_v, acc_sh, *sems):
    gsems = sems[:NBUF]
    ssems = sems[NBUF:]
    c = lax.axis_index("c")
    s = lax.axis_index("s")
    t = c * NS + s
    pltpu.sync_copy(src_hbm.at[pl.ds(t * EPT, EPT)], src_v)
    pltpu.sync_copy(dstr_hbm.at[t], dst_v)
    pltpu.sync_copy(zeros_hbm, acc_sh.at[pl.ds(s * RPT, RPT)])
    plsc.subcore_barrier()

    def _start_gather(j, b):
        pltpu.async_copy(hw_hbm.at[src_v.at[pl.ds(j * CH, CH)]], rows_v.at[b],
                         gsems[b])

    def _wait_gather(j, b):
        pltpu.make_async_copy(hw_hbm.at[src_v.at[pl.ds(j * CH, CH)]],
                              rows_v.at[b], gsems[b]).wait()

    def _start_scatter(j, b):
        pltpu.async_copy(rows_v.at[b], acc_sh.at[dst_v.at[j]], ssems[b],
                         add=True)

    def _wait_scatter(j, b):
        pltpu.make_async_copy(rows_v.at[b], acc_sh.at[dst_v.at[j]],
                              ssems[b]).wait()

    for b in range(NBUF):
        _start_gather(b, b)

    @pl.loop(0, NGRP - 1)
    def _(g):
        base = g * NBUF
        for b in range(NBUF):
            _wait_gather(base + b, b)
            _start_scatter(base + b, b)
        for b in range(NBUF):
            _wait_scatter(base + b, b)
            _start_gather(base + NBUF + b, b)

    for b in range(NBUF):
        _wait_gather(NCHUNK - NBUF + b, b)
        _start_scatter(NCHUNK - NBUF + b, b)
    for b in range(NBUF):
        _wait_scatter(NCHUNK - NBUF + b, b)

    plsc.subcore_barrier()
    pltpu.sync_copy(acc_sh.at[pl.ds(s * RPT, RPT)],
                    out_hbm.at[c, pl.ds(s * RPT, RPT)])


def _norms_body(ps_ref, pd_ref, x_ref, w1_ref, hwn_ref, ns_ref, nd_ref):
    degs = jnp.sum(ps_ref[...], axis=0)
    degd = jnp.sum(pd_ref[...], axis=0)
    ns = jnp.where(degs > 0, lax.rsqrt(jnp.maximum(degs, 1.0)), 0.0)
    nd = jnp.where(degd > 0, lax.rsqrt(jnp.maximum(degd, 1.0)), 0.0)
    ns_ref[...] = ns[:, None]
    nd_ref[...] = nd[:, None]
    hwn_ref[...] = jnp.dot(x_ref[...] * ns[:, None], w1_ref[...],
                           preferred_element_type=jnp.float32)


_norms = pl.pallas_call(
    _norms_body,
    out_shape=(
        jax.ShapeDtypeStruct((N, D), jnp.float32),
        jax.ShapeDtypeStruct((N, 1), jnp.float32),
        jax.ShapeDtypeStruct((N, 1), jnp.float32),
    ),
)


def _mid_body(p_ref, nd_ref, b1_ref, ns_ref, w2_ref, o_ref):
    agg = p_ref[0, :N] + p_ref[1, :N]
    h = jnp.maximum(agg * nd_ref[...] + b1_ref[...][None, :], 0.0)
    o_ref[...] = jnp.dot(h * ns_ref[...], w2_ref[...],
                         preferred_element_type=jnp.float32)


_mid = pl.pallas_call(
    _mid_body,
    out_shape=jax.ShapeDtypeStruct((N, D), jnp.float32),
)


def _fin_body(p_ref, nd_ref, b2_ref, o_ref):
    o_ref[...] = (p_ref[0, :N] + p_ref[1, :N]) * nd_ref[...] + b2_ref[...][None, :]


_fin = pl.pallas_call(
    _fin_body,
    out_shape=jax.ShapeDtypeStruct((N, D), jnp.float32),
)


def kernel(inputs, edge_index, W1, b1, W2, b2):
    ei = edge_index.astype(jnp.int32)
    src = ei[0]
    dst = ei[1]
    dstr = dst.reshape(NW, NCHUNK, CH)
    zeros = jnp.zeros((RPT, D), jnp.float32)

    ps, pd = _deg_kernel(src, dst)
    hw1, ns, nd = _norms(ps, pd, inputs, W1)
    p1 = _agg_kernel(hw1, src, dstr, zeros)
    hw2 = _mid(p1, nd, b1, ns, W2)
    p2 = _agg_kernel(hw2, src, dstr, zeros)
    return _fin(p2, nd, b2)

# --- scband reference (transcript-rebuilt; emitter-appended) ---
"""Pipeline reference for scband-gcn-82755429859753 (READ-ONLY COPY).

The authoritative reference and input builder live on the scoring server;
editing this copy changes nothing except your own understanding.
"""

import jax, jax.numpy as jnp
import numpy as np

N_NODES = 10000
N_EDGES = 320000
D = 128

def setup_inputs(seed: int = 0) -> dict:
    key = jax.random.key(seed)
    k1, k2, k3, k4, k5, k6 = jax.random.split(key, 6)
    inputs = jax.random.normal(k1, (N_NODES, D), dtype=jnp.float32)
    edge_index = jax.random.randint(k2, (2, N_EDGES), 0, N_NODES, dtype=jnp.int64)
    s = 1.0 / np.sqrt(D)
    W1 = jax.random.uniform(k3, (D, D), dtype=jnp.float32, minval=-s, maxval=s)
    b1 = jnp.zeros((D,), dtype=jnp.float32)
    W2 = jax.random.uniform(k4, (D, D), dtype=jnp.float32, minval=-s, maxval=s)
    b2 = jnp.zeros((D,), dtype=jnp.float32)
    return {"inputs": inputs, "edge_index": edge_index, "W1": W1, "b1": b1, "W2": W2, "b2": b2}

def _graph_conv(h, src, dst, W, b, n_nodes):
    # DGL-style GraphConv with norm='both':
    # out = D_dst^{-1/2} A (D_src^{-1/2} h W) + b
    ones = jnp.ones((src.shape[0],), dtype=h.dtype)
    out_deg = jnp.zeros((n_nodes,), dtype=h.dtype).at[src].add(ones)
    in_deg = jnp.zeros((n_nodes,), dtype=h.dtype).at[dst].add(ones)
    norm_src = jnp.where(out_deg > 0, jax.lax.rsqrt(jnp.maximum(out_deg, 1.0)), 0.0)
    norm_dst = jnp.where(in_deg > 0, jax.lax.rsqrt(jnp.maximum(in_deg, 1.0)), 0.0)
    h = h * norm_src[:, None]
    h = h @ W
    msgs = jnp.take(h, src, axis=0)
    agg = jnp.zeros((n_nodes, W.shape[1]), dtype=h.dtype).at[dst].add(msgs)
    agg = agg * norm_dst[:, None]
    return agg + b

def reference(inputs, edge_index, W1, b1, W2, b2):
    n_nodes = inputs.shape[0]
    src = edge_index[0]
    dst = edge_index[1]
    h = _graph_conv(inputs, src, dst, W1, b1, n_nodes)
    h = jax.nn.relu(h)
    h = _graph_conv(h, src, dst, W2, b2, n_nodes)
    return h

if __name__ == "__main__":
    import jax
    _d = setup_inputs()
    print(jax.jit(kernel)(*tuple(_d.values())))

</pallas_src>

<mosaic_0001>
#map = affine_map<(d0, d1) -> (0, 0)>
#map1 = affine_map<(d0, d1) -> (0)>
#map2 = affine_map<(d0, d1) -> (0, 0, 0)>
module attributes {stable_mosaic.version = 14 : i64} {
  func.func @_agg_kernel(%arg0: i32, %arg1: i32, %arg2: memref<10000x128xf32, #tpu.memory_space<hbm>>, %arg3: memref<320000xi32, #tpu.memory_space<hbm>>, %arg4: memref<32x625x16xi32, #tpu.memory_space<hbm>>, %arg5: memref<640x128xf32, #tpu.memory_space<hbm>>, %arg6: memref<2x10240x128xf32, #tpu.memory_space<hbm>>, %arg7: memref<10000xi32, #tpu.memory_space<vmem>>, %arg8: memref<625x16xi32, #tpu.memory_space<vmem>>, %arg9: memref<5x16x128xf32, #tpu.memory_space<vmem>>, %arg10: memref<10240x128xf32, #tpu.memory_space<vmem_shared>>, %arg11: memref<!tpu.dma_semaphore, #tpu.memory_space<semaphore_mem>>, %arg12: memref<!tpu.dma_semaphore, #tpu.memory_space<semaphore_mem>>, %arg13: memref<!tpu.dma_semaphore, #tpu.memory_space<semaphore_mem>>, %arg14: memref<!tpu.dma_semaphore, #tpu.memory_space<semaphore_mem>>, %arg15: memref<!tpu.dma_semaphore, #tpu.memory_space<semaphore_mem>>, %arg16: memref<!tpu.dma_semaphore, #tpu.memory_space<semaphore_mem>>, %arg17: memref<!tpu.dma_semaphore, #tpu.memory_space<semaphore_mem>>, %arg18: memref<!tpu.dma_semaphore, #tpu.memory_space<semaphore_mem>>, %arg19: memref<!tpu.dma_semaphore, #tpu.memory_space<semaphore_mem>>, %arg20: memref<!tpu.dma_semaphore, #tpu.memory_space<semaphore_mem>>) attributes {dimension_semantics = [#tpu.dimension_semantics<core_parallel>, #tpu.dimension_semantics<subcore_parallel>], iteration_bounds = array<i64: 2, 16>, scalar_prefetch = 0 : i64, scratch_operands = 14 : i64, tpu.core_type = #tpu.core_type<sc_vector_subcore>, window_params = [{transform_indices = #map}, {transform_indices = #map1}, {transform_indices = #map2}, {transform_indices = #map}, {transform_indices = #map2}]} {
    %mul3A = arith.constant 16 : i32
    %mul3A_0 = arith.muli %arg0, %mul3A : i32
    %add3A = arith.addi %mul3A_0, %arg1 : i32
    %mul3A_1 = arith.constant 10000 : i32
    %mul3A_2 = arith.muli %add3A, %mul3A_1 : i32
    "tpu.region"() ({
      %run_scoped3A = tpu.sem_alloc : memref<!tpu.dma_semaphore, #tpu.memory_space<semaphore_mem>>
      %dma_start3A_232 = tpu.memref_slice %arg3[%mul3A_2] : memref<320000xi32, #tpu.memory_space<hbm>> -> memref<10000xi32, #tpu.memory_space<hbm>>
      %dma_start3A_233 = tpu.memref_slice %arg3[%mul3A_2] : memref<320000xi32, #tpu.memory_space<hbm>> -> memref<10000xi32, #tpu.memory_space<hbm>>
      tpu.enqueue_dma source(%dma_start3A_233 : memref<10000xi32, #tpu.memory_space<hbm>>) target(%arg7 : memref<10000xi32, #tpu.memory_space<vmem>>) target_semaphore(%run_scoped3A : memref<!tpu.dma_semaphore, #tpu.memory_space<semaphore_mem>>)
      %dma_wait3A_234 = tpu.memref_slice %arg3[%mul3A_2] : memref<320000xi32, #tpu.memory_space<hbm>> -> memref<10000xi32, #tpu.memory_space<hbm>>
      %dma_wait3A_235 = tpu.memref_slice %arg3[%mul3A_2] : memref<320000xi32, #tpu.memory_space<hbm>> -> memref<10000xi32, #tpu.memory_space<hbm>>
      tpu.wait_dma2 semaphore(%run_scoped3A : memref<!tpu.dma_semaphore, #tpu.memory_space<semaphore_mem>>) src(%dma_wait3A_235 : memref<10000xi32, #tpu.memory_space<hbm>>) dst(%arg7 : memref<10000xi32, #tpu.memory_space<vmem>>)
      tpu.yield
    }) : () -> ()
    "tpu.region"() ({
      %run_scoped3A = tpu.sem_alloc : memref<!tpu.dma_semaphore, #tpu.memory_space<semaphore_mem>>
      %dma_start3A_232 = arith.constant 0 : i32
      %dma_start3A_233 = arith.constant 0 : i32
      %dma_start3A_234 = tpu.memref_slice %arg4[%add3A, %dma_start3A_232, %dma_start3A_233] : memref<32x625x16xi32, #tpu.memory_space<hbm>> -> memref<1x625x16xi32, #tpu.memory_space<hbm>>
      %dma_start3A_235 = tpu.memref_squeeze %dma_start3A_234 : memref<1x625x16xi32, #tpu.memory_space<hbm>> -> memref<625x16xi32, #tpu.memory_space<hbm>>
      %dma_start3A_236 = arith.constant 0 : i32
      %dma_start3A_237 = arith.constant 0 : i32
      %dma_start3A_238 = tpu.memref_slice %arg4[%add3A, %dma_start3A_236, %dma_start3A_237] : memref<32x625x16xi32, #tpu.memory_space<hbm>> -> memref<1x625x16xi32, #tpu.memory_space<hbm>>
      %dma_start3A_239 = tpu.memref_squeeze %dma_start3A_238 : memref<1x625x16xi32, #tpu.memory_space<hbm>> -> memref<625x16xi32, #tpu.memory_space<hbm>>
      tpu.enqueue_dma source(%dma_start3A_239 : memref<625x16xi32, #tpu.memory_space<hbm>>) target(%arg8 : memref<625x16xi32, #tpu.memory_space<vmem>>) target_semaphore(%run_scoped3A : memref<!tpu.dma_semaphore, #tpu.memory_space<semaphore_mem>>)
      %dma_wait3A_240 = arith.constant 0 : i32
      %dma_wait3A_241 = arith.constant 0 : i32
      %dma_wait3A_242 = tpu.memref_slice %arg4[%add3A, %dma_wait3A_240, %dma_wait3A_241] : memref<32x625x16xi32, #tpu.memory_space<hbm>> -> memref<1x625x16xi32, #tpu.memory_space<hbm>>
      %dma_wait3A_243 = tpu.memref_squeeze %dma_wait3A_242 : memref<1x625x16xi32, #tpu.memory_space<hbm>> -> memref<625x16xi32, #tpu.memory_space<hbm>>
      %dma_wait3A_244 = arith.constant 0 : i32
      %dma_wait3A_245 = arith.constant 0 : i32
      %dma_wait3A_246 = tpu.memref_slice %arg4[%add3A, %dma_wait3A_244, %dma_wait3A_245] : memref<32x625x16xi32, #tpu.memory_space<hbm>> -> memref<1x625x16xi32, #tpu.memory_space<hbm>>
      %dma_wait3A_247 = tpu.memref_squeeze %dma_wait3A_246 : memref<1x625x16xi32, #tpu.memory_space<hbm>> -> memref<625x16xi32, #tpu.memory_space<hbm>>
      tpu.wait_dma2 semaphore(%run_scoped3A : memref<!tpu.dma_semaphore, #tpu.memory_space<semaphore_mem>>) src(%dma_wait3A_247 : memref<625x16xi32, #tpu.memory_space<hbm>>) dst(%arg8 : memref<625x16xi32, #tpu.memory_space<vmem>>)
      tpu.yield
    }) : () -> ()
    %mul3A_3 = arith.constant 640 : i32
    %mul3A_4 = arith.muli %arg1, %mul3A_3 : i32
    "tpu.region"() ({
      %run_scoped3A = tpu.sem_alloc : memref<!tpu.dma_semaphore, #tpu.memory_space<semaphore_mem>>
      %dma_start3A_232 = arith.constant 0 : i32
      %dma_start3A_233 = tpu.memref_slice %arg10[%mul3A_4, %dma_start3A_232] : memref<10240x128xf32, #tpu.memory_space<vmem_shared>> -> memref<640x128xf32, #tpu.memory_space<vmem_shared>>
      tpu.enqueue_dma source(%arg5 : memref<640x128xf32, #tpu.memory_space<hbm>>) target(%dma_start3A_233 : memref<640x128xf32, #tpu.memory_space<vmem_shared>>) target_semaphore(%run_scoped3A : memref<!tpu.dma_semaphore, #tpu.memory_space<semaphore_mem>>)
      %dma_wait3A_234 = arith.constant 0 : i32
      %dma_wait3A_235 = tpu.memref_slice %arg10[%mul3A_4, %dma_wait3A_234] : memref<10240x128xf32, #tpu.memory_space<vmem_shared>> -> memref<640x128xf32, #tpu.memory_space<vmem_shared>>
      tpu.wait_dma2 semaphore(%run_scoped3A : memref<!tpu.dma_semaphore, #tpu.memory_space<semaphore_mem>>) src(%arg5 : memref<640x128xf32, #tpu.memory_space<hbm>>) dst(%dma_wait3A_235 : memref<640x128xf32, #tpu.memory_space<vmem_shared>>)
      tpu.yield
    }) : () -> ()
    %barrier3A = arith.constant 0 : index
    tpu.barrier barrier_id(%barrier3A)
    %dma_start3A = arith.constant 0 : i32
    %dma_start3A_5 = arith.constant 0 : i32
    %dma_start3A_6 = arith.constant 0 : i32
    %dma_start3A_7 = tpu.memref_slice %arg9[%dma_start3A, %dma_start3A_5, %dma_start3A_6] : memref<5x16x128xf32, #tpu.memory_space<vmem>> -> memref<1x16x128xf32, #tpu.memory_space<vmem>>
    %dma_start3A_8 = tpu.memref_squeeze %dma_start3A_7 : memref<1x16x128xf32, #tpu.memory_space<vmem>> -> memref<16x128xf32, #tpu.memory_space<vmem>>
    %dma_start3A_9 = arith.constant 0 : i32
    %dma_start3A_10 = tpu.memref_slice %arg7[%dma_start3A_9] : memref<10000xi32, #tpu.memory_space<vmem>> -> memref<16xi32, #tpu.memory_space<vmem>>
    %dma_start3A_11 = arith.constant 0 : i32
    %dma_start3A_12 = arith.constant 0 : i32
    %dma_start3A_13 = tpu.memref_slice %arg2[%dma_start3A_11, %dma_start3A_12] : memref<10000x128xf32, #tpu.memory_space<hbm>> -> memref<10000x128xf32, #tpu.memory_space<hbm>>
    tpu.enqueue_indirect_dma source(%dma_start3A_13 : memref<10000x128xf32, #tpu.memory_space<hbm>>) target(%dma_start3A_8 : memref<16x128xf32, #tpu.memory_space<vmem>>) offsets(%dma_start3A_10 : memref<16xi32, #tpu.memory_space<vmem>>) semaphore(%arg11 : memref<!tpu.dma_semaphore, #tpu.memory_space<semaphore_mem>>)
    %dma_start3A_14 = arith.constant 1 : i32
    %dma_start3A_15 = arith.constant 0 : i32
    %dma_start3A_16 = arith.constant 0 : i32
    %dma_start3A_17 = tpu.memref_slice %arg9[%dma_start3A_14, %dma_start3A_15, %dma_start3A_16] : memref<5x16x128xf32, #tpu.memory_space<vmem>> -> memref<1x16x128xf32, #tpu.memory_space<vmem>>
    %dma_start3A_18 = tpu.memref_squeeze %dma_start3A_17 : memref<1x16x128xf32, #tpu.memory_space<vmem>> -> memref<16x128xf32, #tpu.memory_space<vmem>>
    %dma_start3A_19 = arith.constant 16 : i32
    %dma_start3A_20 = tpu.memref_slice %arg7[%dma_start3A_19] : memref<10000xi32, #tpu.memory_space<vmem>> -> memref<16xi32, #tpu.memory_space<vmem>>
    %dma_start3A_21 = arith.constant 0 : i32
    %dma_start3A_22 = arith.constant 0 : i32
    %dma_start3A_23 = tpu.memref_slice %arg2[%dma_start3A_21, %dma_start3A_22] : memref<10000x128xf32, #tpu.memory_space<hbm>> -> memref<10000x128xf32, #tpu.memory_space<hbm>>
    tpu.enqueue_indirect_dma source(%dma_start3A_23 : memref<10000x128xf32, #tpu.memory_space<hbm>>) target(%dma_start3A_18 : memref<16x128xf32, #tpu.memory_space<vmem>>) offsets(%dma_start3A_20 : memref<16xi32, #tpu.memory_space<vmem>>) semaphore(%arg12 : memref<!tpu.dma_semaphore, #tpu.memory_space<semaphore_mem>>)
    %dma_start3A_24 = arith.constant 2 : i32
    %dma_start3A_25 = arith.constant 0 : i32
    %dma_start3A_26 = arith.constant 0 : i32
    %dma_start3A_27 = tpu.memref_slice %arg9[%dma_start3A_24, %dma_start3A_25, %dma_start3A_26] : memref<5x16x128xf32, #tpu.memory_space<vmem>> -> memref<1x16x128xf32, #tpu.memory_space<vmem>>
    %dma_start3A_28 = tpu.memref_squeeze %dma_start3A_27 : memref<1x16x128xf32, #tpu.memory_space<vmem>> -> memref<16x128xf32, #tpu.memory_space<vmem>>
    %dma_start3A_29 = arith.constant 32 : i32
    %dma_start3A_30 = tpu.memref_slice %arg7[%dma_start3A_29] : memref<10000xi32, #tpu.memory_space<vmem>> -> memref<16xi32, #tpu.memory_space<vmem>>
    %dma_start3A_31 = arith.constant 0 : i32
    %dma_start3A_32 = arith.constant 0 : i32
    %dma_start3A_33 = tpu.memref_slice %arg2[%dma_start3A_31, %dma_start3A_32] : memref<10000x128xf32, #tpu.memory_space<hbm>> -> memref<10000x128xf32, #tpu.memory_space<hbm>>
    tpu.enqueue_indirect_dma source(%dma_start3A_33 : memref<10000x128xf32, #tpu.memory_space<hbm>>) target(%dma_start3A_28 : memref<16x128xf32, #tpu.memory_space<vmem>>) offsets(%dma_start3A_30 : memref<16xi32, #tpu.memory_space<vmem>>) semaphore(%arg13 : memref<!tpu.dma_semaphore, #tpu.memory_space<semaphore_mem>>)
    %dma_start3A_34 = arith.constant 3 : i32
    %dma_start3A_35 = arith.constant 0 : i32
    %dma_start3A_36 = arith.constant 0 : i32
    %dma_start3A_37 = tpu.memref_slice %arg9[%dma_start3A_34, %dma_start3A_35, %dma_start3A_36] : memref<5x16x128xf32, #tpu.memory_space<vmem>> -> memref<1x16x128xf32, #tpu.memory_space<vmem>>
    %dma_start3A_38 = tpu.memref_squeeze %dma_start3A_37 : memref<1x16x128xf32, #tpu.memory_space<vmem>> -> memref<16x128xf32, #tpu.memory_space<vmem>>
    %dma_start3A_39 = arith.constant 48 : i32
    %dma_start3A_40 = tpu.memref_slice %arg7[%dma_start3A_39] : memref<10000xi32, #tpu.memory_space<vmem>> -> memref<16xi32, #tpu.memory_space<vmem>>
    %dma_start3A_41 = arith.constant 0 : i32
    %dma_start3A_42 = arith.constant 0 : i32
    %dma_start3A_43 = tpu.memref_slice %arg2[%dma_start3A_41, %dma_start3A_42] : memref<10000x128xf32, #tpu.memory_space<hbm>> -> memref<10000x128xf32, #tpu.memory_space<hbm>>
    tpu.enqueue_indirect_dma source(%dma_start3A_43 : memref<10000x128xf32, #tpu.memory_space<hbm>>) target(%dma_start3A_38 : memref<16x128xf32, #tpu.memory_space<vmem>>) offsets(%dma_start3A_40 : memref<16xi32, #tpu.memory_space<vmem>>) semaphore(%arg14 : memref<!tpu.dma_semaphore, #tpu.memory_space<semaphore_mem>>)
    %dma_start3A_44 = arith.constant 4 : i32
    %dma_start3A_45 = arith.constant 0 : i32
    %dma_start3A_46 = arith.constant 0 : i32
    %dma_start3A_47 = tpu.memref_slice %arg9[%dma_start3A_44, %dma_start3A_45, %dma_start3A_46] : memref<5x16x128xf32, #tpu.memory_space<vmem>> -> memref<1x16x128xf32, #tpu.memory_space<vmem>>
    %dma_start3A_48 = tpu.memref_squeeze %dma_start3A_47 : memref<1x16x128xf32, #tpu.memory_space<vmem>> -> memref<16x128xf32, #tpu.memory_space<vmem>>
    %dma_start3A_49 = arith.constant 64 : i32
    %dma_start3A_50 = tpu.memref_slice %arg7[%dma_start3A_49] : memref<10000xi32, #tpu.memory_space<vmem>> -> memref<16xi32, #tpu.memory_space<vmem>>
    %dma_start3A_51 = arith.constant 0 : i32
    %dma_start3A_52 = arith.constant 0 : i32
    %dma_start3A_53 = tpu.memref_slice %arg2[%dma_start3A_51, %dma_start3A_52] : memref<10000x128xf32, #tpu.memory_space<hbm>> -> memref<10000x128xf32, #tpu.memory_space<hbm>>
    tpu.enqueue_indirect_dma source(%dma_start3A_53 : memref<10000x128xf32, #tpu.memory_space<hbm>>) target(%dma_start3A_48 : memref<16x128xf32, #tpu.memory_space<vmem>>) offsets(%dma_start3A_50 : memref<16xi32, #tpu.memory_space<vmem>>) semaphore(%arg15 : memref<!tpu.dma_semaphore, #tpu.memory_space<semaphore_mem>>)
    %scan3A = arith.constant 0 : i32
    %scan3A_54 = arith.constant 124 : i32
    %scan3A_55 = arith.addi %scan3A, %scan3A_54 : i32
    %scan3A_56 = arith.constant 1 : i32
    scf.for %scan3A_232 = %scan3A to %scan3A_55 step %scan3A_56  : i32 {
      %mul3A_233 = arith.constant 1 : i32
      %mul3A_234 = arith.muli %scan3A_232, %mul3A_233 : i32
      %add3A_235 = arith.constant 0 : i32
      %add3A_236 = arith.addi %add3A_235, %mul3A_234 : i32
      %mul3A_237 = arith.constant 5 : i32
      %mul3A_238 = arith.muli %add3A_236, %mul3A_237 : i32
      %add3A_239 = arith.constant 0 : i32
      %add3A_240 = arith.addi %mul3A_238, %add3A_239 : i32
      %mul3A_241 = arith.constant 16 : i32
      %mul3A_242 = arith.muli %add3A_240, %mul3A_241 : i32
      %dma_wait3A_243 = arith.constant 0 : i32
      %dma_wait3A_244 = arith.constant 0 : i32
      %dma_wait3A_245 = arith.constant 0 : i32
      %dma_wait3A_246 = tpu.memref_slice %arg9[%dma_wait3A_243, %dma_wait3A_244, %dma_wait3A_245] : memref<5x16x128xf32, #tpu.memory_space<vmem>> -> memref<1x16x128xf32, #tpu.memory_space<vmem>>
      %dma_wait3A_247 = tpu.memref_squeeze %dma_wait3A_246 : memref<1x16x128xf32, #tpu.memory_space<vmem>> -> memref<16x128xf32, #tpu.memory_space<vmem>>
      %dma_wait3A_248 = tpu.memref_slice %arg7[%mul3A_242] : memref<10000xi32, #tpu.memory_space<vmem>> -> memref<16xi32, #tpu.memory_space<vmem>>
      %dma_wait3A_249 = arith.constant 0 : i32
      %dma_wait3A_250 = arith.constant 0 : i32
      %dma_wait3A_251 = tpu.memref_slice %arg2[%dma_wait3A_249, %dma_wait3A_250] : memref<10000x128xf32, #tpu.memory_space<hbm>> -> memref<10000x128xf32, #tpu.memory_space<hbm>>
      tpu.wait_indirect_dma semaphore(%arg11 : memref<!tpu.dma_semaphore, #tpu.memory_space<semaphore_mem>>) src(%dma_wait3A_251 : memref<10000x128xf32, #tpu.memory_space<hbm>>) dst(%dma_wait3A_247 : memref<16x128xf32, #tpu.memory_space<vmem>>)
      %add3A_252 = arith.constant 0 : i32
      %add3A_253 = arith.addi %mul3A_238, %add3A_252 : i32
      %dma_start3A_254 = arith.constant 0 : i32
      %dma_start3A_255 = arith.constant 0 : i32
      %dma_start3A_256 = arith.constant 0 : i32
      %dma_start3A_257 = tpu.memref_slice %arg9[%dma_start3A_254, %dma_start3A_255, %dma_start3A_256] : memref<5x16x128xf32, #tpu.memory_space<vmem>> -> memref<1x16x128xf32, #tpu.memory_space<vmem>>
      %dma_start3A_258 = tpu.memref_squeeze %dma_start3A_257 : memref<1x16x128xf32, #tpu.memory_space<vmem>> -> memref<16x128xf32, #tpu.memory_space<vmem>>
      %dma_start3A_259 = arith.constant 0 : i32
      %dma_start3A_260 = tpu.memref_slice %arg8[%add3A_253, %dma_start3A_259] : memref<625x16xi32, #tpu.memory_space<vmem>> -> memref<1x16xi32, #tpu.memory_space<vmem>>
      %dma_start3A_261 = tpu.memref_squeeze %dma_start3A_260 : memref<1x16xi32, #tpu.memory_space<vmem>> -> memref<16xi32, #tpu.memory_space<vmem>>
      %dma_start3A_262 = arith.constant 0 : i32
      %dma_start3A_263 = arith.constant 0 : i32
      %dma_start3A_264 = tpu.memref_slice %arg10[%dma_start3A_262, %dma_start3A_263] : memref<10240x128xf32, #tpu.memory_space<vmem_shared>> -> memref<10240x128xf32, #tpu.memory_space<vmem_shared>>
      tpu.enqueue_indirect_dma source(%dma_start3A_258 : memref<16x128xf32, #tpu.memory_space<vmem>>) target(%dma_start3A_264 : memref<10240x128xf32, #tpu.memory_space<vmem_shared>>) offsets(%dma_start3A_261 : memref<16xi32, #tpu.memory_space<vmem>>) semaphore(%arg16 : memref<!tpu.dma_semaphore, #tpu.memory_space<semaphore_mem>>) {add = true}
      %add3A_265 = arith.constant 1 : i32
      %add3A_266 = arith.addi %mul3A_238, %add3A_265 : i32
      %mul3A_267 = arith.constant 16 : i32
      %mul3A_268 = arith.muli %add3A_266, %mul3A_267 : i32
      %dma_wait3A_269 = arith.constant 1 : i32
      %dma_wait3A_270 = arith.constant 0 : i32
      %dma_wait3A_271 = arith.constant 0 : i32
      %dma_wait3A_272 = tpu.memref_slice %arg9[%dma_wait3A_269, %dma_wait3A_270, %dma_wait3A_271] : memref<5x16x128xf32, #tpu.memory_space<vmem>> -> memref<1x16x128xf32, #tpu.memory_space<vmem>>
      %dma_wait3A_273 = tpu.memref_squeeze %dma_wait3A_272 : memref<1x16x128xf32, #tpu.memory_space<vmem>> -> memref<16x128xf32, #tpu.memory_space<vmem>>
      %dma_wait3A_274 = tpu.memref_slice %arg7[%mul3A_268] : memref<10000xi32, #tpu.memory_space<vmem>> -> memref<16xi32, #tpu.memory_space<vmem>>
      %dma_wait3A_275 = arith.constant 0 : i32
      %dma_wait3A_276 = arith.constant 0 : i32
      %dma_wait3A_277 = tpu.memref_slice %arg2[%dma_wait3A_275, %dma_wait3A_276] : memref<10000x128xf32, #tpu.memory_space<hbm>> -> memref<10000x128xf32, #tpu.memory_space<hbm>>
      tpu.wait_indirect_dma semaphore(%arg12 : memref<!tpu.dma_semaphore, #tpu.memory_space<semaphore_mem>>) src(%dma_wait3A_277 : memref<10000x128xf32, #tpu.memory_space<hbm>>) dst(%dma_wait3A_273 : memref<16x128xf32, #tpu.memory_space<vmem>>)
      %add3A_278 = arith.constant 1 : i32
      %add3A_279 = arith.addi %mul3A_238, %add3A_278 : i32
      %dma_start3A_280 = arith.constant 1 : i32
      %dma_start3A_281 = arith.constant 0 : i32
      %dma_start3A_282 = arith.constant 0 : i32
      %dma_start3A_283 = tpu.memref_slice %arg9[%dma_start3A_280, %dma_start3A_281, %dma_start3A_282] : memref<5x16x128xf32, #tpu.memory_space<vmem>> -> memref<1x16x128xf32, #tpu.memory_space<vmem>>
      %dma_start3A_284 = tpu.memref_squeeze %dma_start3A_283 : memref<1x16x128xf32, #tpu.memory_space<vmem>> -> memref<16x128xf32, #tpu.memory_space<vmem>>
      %dma_start3A_285 = arith.constant 0 : i32
      %dma_start3A_286 = tpu.memref_slice %arg8[%add3A_279, %dma_start3A_285] : memref<625x16xi32, #tpu.memory_space<vmem>> -> memref<1x16xi32, #tpu.memory_space<vmem>>
      %dma_start3A_287 = tpu.memref_squeeze %dma_start3A_286 : memref<1x16xi32, #tpu.memory_space<vmem>> -> memref<16xi32, #tpu.memory_space<vmem>>
      %dma_start3A_288 = arith.constant 0 : i32
      %dma_start3A_289 = arith.constant 0 : i32
      %dma_start3A_290 = tpu.memref_slice %arg10[%dma_start3A_288, %dma_start3A_289] : memref<10240x128xf32, #tpu.memory_space<vmem_shared>> -> memref<10240x128xf32, #tpu.memory_space<vmem_shared>>
      tpu.enqueue_indirect_dma source(%dma_start3A_284 : memref<16x128xf32, #tpu.memory_space<vmem>>) target(%dma_start3A_290 : memref<10240x128xf32, #tpu.memory_space<vmem_shared>>) offsets(%dma_start3A_287 : memref<16xi32, #tpu.memory_space<vmem>>) semaphore(%arg17 : memref<!tpu.dma_semaphore, #tpu.memory_space<semaphore_mem>>) {add = true}
      %add3A_291 = arith.constant 2 : i32
      %add3A_292 = arith.addi %mul3A_238, %add3A_291 : i32
      %mul3A_293 = arith.constant 16 : i32
      %mul3A_294 = arith.muli %add3A_292, %mul3A_293 : i32
      %dma_wait3A_295 = arith.constant 2 : i32
      %dma_wait3A_296 = arith.constant 0 : i32
      %dma_wait3A_297 = arith.constant 0 : i32
      %dma_wait3A_298 = tpu.memref_slice %arg9[%dma_wait3A_295, %dma_wait3A_296, %dma_wait3A_297] : memref<5x16x128xf32, #tpu.memory_space<vmem>> -> memref<1x16x128xf32, #tpu.memory_space<vmem>>
      %dma_wait3A_299 = tpu.memref_squeeze %dma_wait3A_298 : memref<1x16x128xf32, #tpu.memory_space<vmem>> -> memref<16x128xf32, #tpu.memory_space<vmem>>
      %dma_wait3A_300 = tpu.memref_slice %arg7[%mul3A_294] : memref<10000xi32, #tpu.memory_space<vmem>> -> memref<16xi32, #tpu.memory_space<vmem>>
      %dma_wait3A_301 = arith.constant 0 : i32
      %dma_wait3A_302 = arith.constant 0 : i32
      %dma_wait3A_303 = tpu.memref_slice %arg2[%dma_wait3A_301, %dma_wait3A_302] : memref<10000x128xf32, #tpu.memory_space<hbm>> -> memref<10000x128xf32, #tpu.memory_space<hbm>>
      tpu.wait_indirect_dma semaphore(%arg13 : memref<!tpu.dma_semaphore, #tpu.memory_space<semaphore_mem>>) src(%dma_wait3A_303 : memref<10000x128xf32, #tpu.memory_space<hbm>>) dst(%dma_wait3A_299 : memref<16x128xf32, #tpu.memory_space<vmem>>)
      %add3A_304 = arith.constant 2 : i32
      %add3A_305 = arith.addi %mul3A_238, %add3A_304 : i32
      %dma_start3A_306 = arith.constant 2 : i32
      %dma_start3A_307 = arith.constant 0 : i32
      %dma_start3A_308 = arith.constant 0 : i32
      %dma_start3A_309 = tpu.memref_slice %arg9[%dma_start3A_306, %dma_start3A_307, %dma_start3A_308] : memref<5x16x128xf32, #tpu.memory_space<vmem>> -> memref<1x16x128xf32, #tpu.memory_space<vmem>>
      %dma_start3A_310 = tpu.memref_squeeze %dma_start3A_309 : memref<1x16x128xf32, #tpu.memory_space<vmem>> -> memref<16x128xf32, #tpu.memory_space<vmem>>
      %dma_start3A_311 = arith.constant 0 : i32
      %dma_start3A_312 = tpu.memref_slice %arg8[%add3A_305, %dma_start3A_311] : memref<625x16xi32, #tpu.memory_space<vmem>> -> memref<1x16xi32, #tpu.memory_space<vmem>>
      %dma_start3A_313 = tpu.memref_squeeze %dma_start3A_312 : memref<1x16xi32, #tpu.memory_space<vmem>> -> memref<16xi32, #tpu.memory_space<vmem>>
      %dma_start3A_314 = arith.constant 0 : i32
      %dma_start3A_315 = arith.constant 0 : i32
      %dma_start3A_316 = tpu.memref_slice %arg10[%dma_start3A_314, %dma_start3A_315] : memref<10240x128xf32, #tpu.memory_space<vmem_shared>> -> memref<10240x128xf32, #tpu.memory_space<vmem_shared>>
      tpu.enqueue_indirect_dma source(%dma_start3A_310 : memref<16x128xf32, #tpu.memory_space<vmem>>) target(%dma_start3A_316 : memref<10240x128xf32, #tpu.memory_space<vmem_shared>>) offsets(%dma_start3A_313 : memref<16xi32, #tpu.memory_space<vmem>>) semaphore(%arg18 : memref<!tpu.dma_semaphore, #tpu.memory_space<semaphore_mem>>) {add = true}
      %add3A_317 = arith.constant 3 : i32
      %add3A_318 = arith.addi %mul3A_238, %add3A_317 : i32
      %mul3A_319 = arith.constant 16 : i32
      %mul3A_320 = arith.muli %add3A_318, %mul3A_319 : i32
      %dma_wait3A_321 = arith.constant 3 : i32
      %dma_wait3A_322 = arith.constant 0 : i32
      %dma_wait3A_323 = arith.constant 0 : i32
      %dma_wait3A_324 = tpu.memref_slice %arg9[%dma_wait3A_321, %dma_wait3A_322, %dma_wait3A_323] : memref<5x16x128xf32, #tpu.memory_space<vmem>> -> memref<1x16x128xf32, #tpu.memory_space<vmem>>
      %dma_wait3A_325 = tpu.memref_squeeze %dma_wait3A_324 : memref<1x16x128xf32, #tpu.memory_space<vmem>> -> memref<16x128xf32, #tpu.memory_space<vmem>>
      %dma_wait3A_326 = tpu.memref_slice %arg7[%mul3A_320] : memref<10000xi32, #tpu.memory_space<vmem>> -> memref<16xi32, #tpu.memory_space<vmem>>
      %dma_wait3A_327 = arith.constant 0 : i32
      %dma_wait3A_328 = arith.constant 0 : i32
      %dma_wait3A_329 = tpu.memref_slice %arg2[%dma_wait3A_327, %dma_wait3A_328] : memref<10000x128xf32, #tpu.memory_space<hbm>> -> memref<10000x128xf32, #tpu.memory_space<hbm>>
      tpu.wait_indirect_dma semaphore(%arg14 : memref<!tpu.dma_semaphore, #tpu.memory_space<semaphore_mem>>) src(%dma_wait3A_329 : memref<10000x128xf32, #tpu.memory_space<hbm>>) dst(%dma_wait3A_325 : memref<16x128xf32, #tpu.memory_space<vmem>>)
      %add3A_330 = arith.constant 3 : i32
      %add3A_331 = arith.addi %mul3A_238, %add3A_330 : i32
      %dma_start3A_332 = arith.constant 3 : i32
      %dma_start3A_333 = arith.constant 0 : i32
      %dma_start3A_334 = arith.constant 0 : i32
      %dma_start3A_335 = tpu.memref_slice %arg9[%dma_start3A_332, %dma_start3A_333, %dma_start3A_334] : memref<5x16x128xf32, #tpu.memory_space<vmem>> -> memref<1x16x128xf32, #tpu.memory_space<vmem>>
      %dma_start3A_336 = tpu.memref_squeeze %dma_start3A_335 : memref<1x16x128xf32, #tpu.memory_space<vmem>> -> memref<16x128xf32, #tpu.memory_space<vmem>>
      %dma_start3A_337 = arith.constant 0 : i32
      %dma_start3A_338 = tpu.memref_slice %arg8[%add3A_331, %dma_start3A_337] : memref<625x16xi32, #tpu.memory_space<vmem>> -> memref<1x16xi32, #tpu.memory_space<vmem>>
      %dma_start3A_339 = tpu.memref_squeeze %dma_start3A_338 : memref<1x16xi32, #tpu.memory_space<vmem>> -> memref<16xi32, #tpu.memory_space<vmem>>
      %dma_start3A_340 = arith.constant 0 : i32
      %dma_start3A_341 = arith.constant 0 : i32
      %dma_start3A_342 = tpu.memref_slice %arg10[%dma_start3A_340, %dma_start3A_341] : memref<10240x128xf32, #tpu.memory_space<vmem_shared>> -> memref<10240x128xf32, #tpu.memory_space<vmem_shared>>
      tpu.enqueue_indirect_dma source(%dma_start3A_336 : memref<16x128xf32, #tpu.memory_space<vmem>>) target(%dma_start3A_342 : memref<10240x128xf32, #tpu.memory_space<vmem_shared>>) offsets(%dma_start3A_339 : memref<16xi32, #tpu.memory_space<vmem>>) semaphore(%arg19 : memref<!tpu.dma_semaphore, #tpu.memory_space<semaphore_mem>>) {add = true}
      %add3A_343 = arith.constant 4 : i32
      %add3A_344 = arith.addi %mul3A_238, %add3A_343 : i32
      %mul3A_345 = arith.constant 16 : i32
      %mul3A_346 = arith.muli %add3A_344, %mul3A_345 : i32
      %dma_wait3A_347 = arith.constant 4 : i32
      %dma_wait3A_348 = arith.constant 0 : i32
      %dma_wait3A_349 = arith.constant 0 : i32
      %dma_wait3A_350 = tpu.memref_slice %arg9[%dma_wait3A_347, %dma_wait3A_348, %dma_wait3A_349] : memref<5x16x128xf32, #tpu.memory_space<vmem>> -> memref<1x16x128xf32, #tpu.memory_space<vmem>>
      %dma_wait3A_351 = tpu.memref_squeeze %dma_wait3A_350 : memref<1x16x128xf32, #tpu.memory_space<vmem>> -> memref<16x128xf32, #tpu.memory_space<vmem>>
      %dma_wait3A_352 = tpu.memref_slice %arg7[%mul3A_346] : memref<10000xi32, #tpu.memory_space<vmem>> -> memref<16xi32, #tpu.memory_space<vmem>>
      %dma_wait3A_353 = arith.constant 0 : i32
      %dma_wait3A_354 = arith.constant 0 : i32
      %dma_wait3A_355 = tpu.memref_slice %arg2[%dma_wait3A_353, %dma_wait3A_354] : memref<10000x128xf32, #tpu.memory_space<hbm>> -> memref<10000x128xf32, #tpu.memory_space<hbm>>
      tpu.wait_indirect_dma semaphore(%arg15 : memref<!tpu.dma_semaphore, #tpu.memory_space<semaphore_mem>>) src(%dma_wait3A_355 : memref<10000x128xf32, #tpu.memory_space<hbm>>) dst(%dma_wait3A_351 : memref<16x128xf32, #tpu.memory_space<vmem>>)
      %add3A_356 = arith.constant 4 : i32
      %add3A_357 = arith.addi %mul3A_238, %add3A_356 : i32
      %dma_start3A_358 = arith.constant 4 : i32
      %dma_start3A_359 = arith.constant 0 : i32
      %dma_start3A_360 = arith.constant 0 : i32
      %dma_start3A_361 = tpu.memref_slice %arg9[%dma_start3A_358, %dma_start3A_359, %dma_start3A_360] : memref<5x16x128xf32, #tpu.memory_space<vmem>> -> memref<1x16x128xf32, #tpu.memory_space<vmem>>
      %dma_start3A_362 = tpu.memref_squeeze %dma_start3A_361 : memref<1x16x128xf32, #tpu.memory_space<vmem>> -> memref<16x128xf32, #tpu.memory_space<vmem>>
      %dma_start3A_363 = arith.constant 0 : i32
      %dma_start3A_364 = tpu.memref_slice %arg8[%add3A_357, %dma_start3A_363] : memref<625x16xi32, #tpu.memory_space<vmem>> -> memref<1x16xi32, #tpu.memory_space<vmem>>
      %dma_start3A_365 = tpu.memref_squeeze %dma_start3A_364 : memref<1x16xi32, #tpu.memory_space<vmem>> -> memref<16xi32, #tpu.memory_space<vmem>>
      %dma_start3A_366 = arith.constant 0 : i32
      %dma_start3A_367 = arith.constant 0 : i32
      %dma_start3A_368 = tpu.memref_slice %arg10[%dma_start3A_366, %dma_start3A_367] : memref<10240x128xf32, #tpu.memory_space<vmem_shared>> -> memref<10240x128xf32, #tpu.memory_space<vmem_shared>>
      tpu.enqueue_indirect_dma source(%dma_start3A_362 : memref<16x128xf32, #tpu.memory_space<vmem>>) target(%dma_start3A_368 : memref<10240x128xf32, #tpu.memory_space<vmem_shared>>) offsets(%dma_start3A_365 : memref<16xi32, #tpu.memory_space<vmem>>) semaphore(%arg20 : memref<!tpu.dma_semaphore, #tpu.memory_space<semaphore_mem>>) {add = true}
      %add3A_369 = arith.constant 0 : i32
      %add3A_370 = arith.addi %mul3A_238, %add3A_369 : i32
      %dma_wait3A_371 = arith.constant 0 : i32
      %dma_wait3A_372 = arith.constant 0 : i32
      %dma_wait3A_373 = arith.constant 0 : i32
      %dma_wait3A_374 = tpu.memref_slice %arg9[%dma_wait3A_371, %dma_wait3A_372, %dma_wait3A_373] : memref<5x16x128xf32, #tpu.memory_space<vmem>> -> memref<1x16x128xf32, #tpu.memory_space<vmem>>
      %dma_wait3A_375 = tpu.memref_squeeze %dma_wait3A_374 : memref<1x16x128xf32, #tpu.memory_space<vmem>> -> memref<16x128xf32, #tpu.memory_space<vmem>>
      %dma_wait3A_376 = arith.constant 0 : i32
      %dma_wait3A_377 = tpu.memref_slice %arg8[%add3A_370, %dma_wait3A_376] : memref<625x16xi32, #tpu.memory_space<vmem>> -> memref<1x16xi32, #tpu.memory_space<vmem>>
      %dma_wait3A_378 = tpu.memref_squeeze %dma_wait3A_377 : memref<1x16xi32, #tpu.memory_space<vmem>> -> memref<16xi32, #tpu.memory_space<vmem>>
      %dma_wait3A_379 = arith.constant 0 : i32
      %dma_wait3A_380 = arith.constant 0 : i32
      %dma_wait3A_381 = tpu.memref_slice %arg10[%dma_wait3A_379, %dma_wait3A_380] : memref<10240x128xf32, #tpu.memory_space<vmem_shared>> -> memref<10240x128xf32, #tpu.memory_space<vmem_shared>>
      tpu.wait_indirect_dma semaphore(%arg16 : memref<!tpu.dma_semaphore, #tpu.memory_space<semaphore_mem>>) src(%dma_wait3A_375 : memref<16x128xf32, #tpu.memory_space<vmem>>) dst(%dma_wait3A_381 : memref<10240x128xf32, #tpu.memory_space<vmem_shared>>)
      %add3A_382 = arith.constant 5 : i32
      %add3A_383 = arith.addi %mul3A_238, %add3A_382 : i32
      %add3A_384 = arith.constant 0 : i32
      %add3A_385 = arith.addi %add3A_383, %add3A_384 : i32
      %mul3A_386 = arith.constant 16 : i32
      %mul3A_387 = arith.muli %add3A_385, %mul3A_386 : i32
      %dma_start3A_388 = arith.constant 0 : i32
      %dma_start3A_389 = arith.constant 0 : i32
      %dma_start3A_390 = arith.constant 0 : i32
      %dma_start3A_391 = tpu.memref_slice %arg9[%dma_start3A_388, %dma_start3A_389, %dma_start3A_390] : memref<5x16x128xf32, #tpu.memory_space<vmem>> -> memref<1x16x128xf32, #tpu.memory_space<vmem>>
      %dma_start3A_392 = tpu.memref_squeeze %dma_start3A_391 : memref<1x16x128xf32, #tpu.memory_space<vmem>> -> memref<16x128xf32, #tpu.memory_space<vmem>>
      %dma_start3A_393 = tpu.memref_slice %arg7[%mul3A_387] : memref<10000xi32, #tpu.memory_space<vmem>> -> memref<16xi32, #tpu.memory_space<vmem>>
      %dma_start3A_394 = arith.constant 0 : i32
      %dma_start3A_395 = arith.constant 0 : i32
      %dma_start3A_396 = tpu.memref_slice %arg2[%dma_start3A_394, %dma_start3A_395] : memref<10000x128xf32, #tpu.memory_space<hbm>> -> memref<10000x128xf32, #tpu.memory_space<hbm>>
      tpu.enqueue_indirect_dma source(%dma_start3A_396 : memref<10000x128xf32, #tpu.memory_space<hbm>>) target(%dma_start3A_392 : memref<16x128xf32, #tpu.memory_space<vmem>>) offsets(%dma_start3A_393 : memref<16xi32, #tpu.memory_space<vmem>>) semaphore(%arg11 : memref<!tpu.dma_semaphore, #tpu.memory_space<semaphore_mem>>)
      %add3A_397 = arith.constant 1 : i32
      %add3A_398 = arith.addi %mul3A_238, %add3A_397 : i32
      %dma_wait3A_399 = arith.constant 1 : i32
      %dma_wait3A_400 = arith.constant 0 : i32
      %dma_wait3A_401 = arith.constant 0 : i32
      %dma_wait3A_402 = tpu.memref_slice %arg9[%dma_wait3A_399, %dma_wait3A_400, %dma_wait3A_401] : memref<5x16x128xf32, #tpu.memory_space<vmem>> -> memref<1x16x128xf32, #tpu.memory_space<vmem>>
      %dma_wait3A_403 = tpu.memref_squeeze %dma_wait3A_402 : memref<1x16x128xf32, #tpu.memory_space<vmem>> -> memref<16x128xf32, #tpu.memory_space<vmem>>
      %dma_wait3A_404 = arith.constant 0 : i32
      %dma_wait3A_405 = tpu.memref_slice %arg8[%add3A_398, %dma_wait3A_404] : memref<625x16xi32, #tpu.memory_space<vmem>> -> memref<1x16xi32, #tpu.memory_space<vmem>>
      %dma_wait3A_406 = tpu.memref_squeeze %dma_wait3A_405 : memref<1x16xi32, #tpu.memory_space<vmem>> -> memref<16xi32, #tpu.memory_space<vmem>>
      %dma_wait3A_407 = arith.constant 0 : i32
      %dma_wait3A_408 = arith.constant 0 : i32
      %dma_wait3A_409 = tpu.memref_slice %arg10[%dma_wait3A_407, %dma_wait3A_408] : memref<10240x128xf32, #tpu.memory_space<vmem_shared>> -> memref<10240x128xf32, #tpu.memory_space<vmem_shared>>
      tpu.wait_indirect_dma semaphore(%arg17 : memref<!tpu.dma_semaphore, #tpu.memory_space<semaphore_mem>>) src(%dma_wait3A_403 : memref<16x128xf32, #tpu.memory_space<vmem>>) dst(%dma_wait3A_409 : memref<10240x128xf32, #tpu.memory_space<vmem_shared>>)
      %add3A_410 = arith.constant 5 : i32
      %add3A_411 = arith.addi %mul3A_238, %add3A_410 : i32
      %add3A_412 = arith.constant 1 : i32
      %add3A_413 = arith.addi %add3A_411, %add3A_412 : i32
      %mul3A_414 = arith.constant 16 : i32
      %mul3A_415 = arith.muli %add3A_413, %mul3A_414 : i32
      %dma_start3A_416 = arith.constant 1 : i32
      %dma_start3A_417 = arith.constant 0 : i32
      %dma_start3A_418 = arith.constant 0 : i32
      %dma_start3A_419 = tpu.memref_slice %arg9[%dma_start3A_416, %dma_start3A_417, %dma_start3A_418] : memref<5x16x128xf32, #tpu.memory_space<vmem>> -> memref<1x16x128xf32, #tpu.memory_space<vmem>>
      %dma_start3A_420 = tpu.memref_squeeze %dma_start3A_419 : memref<1x16x128xf32, #tpu.memory_space<vmem>> -> memref<16x128xf32, #tpu.memory_space<vmem>>
      %dma_start3A_421 = tpu.memref_slice %arg7[%mul3A_415] : memref<10000xi32, #tpu.memory_space<vmem>> -> memref<16xi32, #tpu.memory_space<vmem>>
      %dma_start3A_422 = arith.constant 0 : i32
      %dma_start3A_423 = arith.constant 0 : i32
      %dma_start3A_424 = tpu.memref_slice %arg2[%dma_start3A_422, %dma_start3A_423] : memref<10000x128xf32, #tpu.memory_space<hbm>> -> memref<10000x128xf32, #tpu.memory_space<hbm>>
      tpu.enqueue_indirect_dma source(%dma_start3A_424 : memref<10000x128xf32, #tpu.memory_space<hbm>>) target(%dma_start3A_420 : memref<16x128xf32, #tpu.memory_space<vmem>>) offsets(%dma_start3A_421 : memref<16xi32, #tpu.memory_space<vmem>>) semaphore(%arg12 : memref<!tpu.dma_semaphore, #tpu.memory_space<semaphore_mem>>)
      %add3A_425 = arith.constant 2 : i32
      %add3A_426 = arith.addi %mul3A_238, %add3A_425 : i32
      %dma_wait3A_427 = arith.constant 2 : i32
      %dma_wait3A_428 = arith.constant 0 : i32
      %dma_wait3A_429 = arith.constant 0 : i32
      %dma_wait3A_430 = tpu.memref_slice %arg9[%dma_wait3A_427, %dma_wait3A_428, %dma_wait3A_429] : memref<5x16x128xf32, #tpu.memory_space<vmem>> -> memref<1x16x128xf32, #tpu.memory_space<vmem>>
      %dma_wait3A_431 = tpu.memref_squeeze %dma_wait3A_430 : memref<1x16x128xf32, #tpu.memory_space<vmem>> -> memref<16x128xf32, #tpu.memory_space<vmem>>
      %dma_wait3A_432 = arith.constant 0 : i32
      %dma_wait3A_433 = tpu.memref_slice %arg8[%add3A_426, %dma_wait3A_432] : memref<625x16xi32, #tpu.memory_space<vmem>> -> memref<1x16xi32, #tpu.memory_space<vmem>>
      %dma_wait3A_434 = tpu.memref_squeeze %dma_wait3A_433 : memref<1x16xi32, #tpu.memory_space<vmem>> -> memref<16xi32, #tpu.memory_space<vmem>>
      %dma_wait3A_435 = arith.constant 0 : i32
      %dma_wait3A_436 = arith.constant 0 : i32
      %dma_wait3A_437 = tpu.memref_slice %arg10[%dma_wait3A_435, %dma_wait3A_436] : memref<10240x128xf32, #tpu.memory_space<vmem_shared>> -> memref<10240x128xf32, #tpu.memory_space<vmem_shared>>
      tpu.wait_indirect_dma semaphore(%arg18 : memref<!tpu.dma_semaphore, #tpu.memory_space<semaphore_mem>>) src(%dma_wait3A_431 : memref<16x128xf32, #tpu.memory_space<vmem>>) dst(%dma_wait3A_437 : memref<10240x128xf32, #tpu.memory_space<vmem_shared>>)
      %add3A_438 = arith.constant 5 : i32
      %add3A_439 = arith.addi %mul3A_238, %add3A_438 : i32
      %add3A_440 = arith.constant 2 : i32
      %add3A_441 = arith.addi %add3A_439, %add3A_440 : i32
      %mul3A_442 = arith.constant 16 : i32
      %mul3A_443 = arith.muli %add3A_441, %mul3A_442 : i32
      %dma_start3A_444 = arith.constant 2 : i32
      %dma_start3A_445 = arith.constant 0 : i32
      %dma_start3A_446 = arith.constant 0 : i32
      %dma_start3A_447 = tpu.memref_slice %arg9[%dma_start3A_444, %dma_start3A_445, %dma_start3A_446] : memref<5x16x128xf32, #tpu.memory_space<vmem>> -> memref<1x16x128xf32, #tpu.memory_space<vmem>>
      %dma_start3A_448 = tpu.memref_squeeze %dma_start3A_447 : memref<1x16x128xf32, #tpu.memory_space<vmem>> -> memref<16x128xf32, #tpu.memory_space<vmem>>
      %dma_start3A_449 = tpu.memref_slice %arg7[%mul3A_443] : memref<10000xi32, #tpu.memory_space<vmem>> -> memref<16xi32, #tpu.memory_space<vmem>>
      %dma_start3A_450 = arith.constant 0 : i32
      %dma_start3A_451 = arith.constant 0 : i32
      %dma_start3A_452 = tpu.memref_slice %arg2[%dma_start3A_450, %dma_start3A_451] : memref<10000x128xf32, #tpu.memory_space<hbm>> -> memref<10000x128xf32, #tpu.memory_space<hbm>>
      tpu.enqueue_indirect_dma source(%dma_start3A_452 : memref<10000x128xf32, #tpu.memory_space<hbm>>) target(%dma_start3A_448 : memref<16x128xf32, #tpu.memory_space<vmem>>) offsets(%dma_start3A_449 : memref<16xi32, #tpu.memory_space<vmem>>) semaphore(%arg13 : memref<!tpu.dma_semaphore, #tpu.memory_space<semaphore_mem>>)
      %add3A_453 = arith.constant 3 : i32
      %add3A_454 = arith.addi %mul3A_238, %add3A_453 : i32
      %dma_wait3A_455 = arith.constant 3 : i32
      %dma_wait3A_456 = arith.constant 0 : i32
      %dma_wait3A_457 = arith.constant 0 : i32
      %dma_wait3A_458 = tpu.memref_slice %arg9[%dma_wait3A_455, %dma_wait3A_456, %dma_wait3A_457] : memref<5x16x128xf32, #tpu.memory_space<vmem>> -> memref<1x16x128xf32, #tpu.memory_space<vmem>>
      %dma_wait3A_459 = tpu.memref_squeeze %dma_wait3A_458 : memref<1x16x128xf32, #tpu.memory_space<vmem>> -> memref<16x128xf32, #tpu.memory_space<vmem>>
      %dma_wait3A_460 = arith.constant 0 : i32
      %dma_wait3A_461 = tpu.memref_slice %arg8[%add3A_454, %dma_wait3A_460] : memref<625x16xi32, #tpu.memory_space<vmem>> -> memref<1x16xi32, #tpu.memory_space<vmem>>
      %dma_wait3A_462 = tpu.memref_squeeze %dma_wait3A_461 : memref<1x16xi32, #tpu.memory_space<vmem>> -> memref<16xi32, #tpu.memory_space<vmem>>
      %dma_wait3A_463 = arith.constant 0 : i32
      %dma_wait3A_464 = arith.constant 0 : i32
      %dma_wait3A_465 = tpu.memref_slice %arg10[%dma_wait3A_463, %dma_wait3A_464] : memref<10240x128xf32, #tpu.memory_space<vmem_shared>> -> memref<10240x128xf32, #tpu.memory_space<vmem_shared>>
      tpu.wait_indirect_dma semaphore(%arg19 : memref<!tpu.dma_semaphore, #tpu.memory_space<semaphore_mem>>) src(%dma_wait3A_459 : memref<16x128xf32, #tpu.memory_space<vmem>>) dst(%dma_wait3A_465 : memref<10240x128xf32, #tpu.memory_space<vmem_shared>>)
      %add3A_466 = arith.constant 5 : i32
      %add3A_467 = arith.addi %mul3A_238, %add3A_466 : i32
      %add3A_468 = arith.constant 3 : i32
      %add3A_469 = arith.addi %add3A_467, %add3A_468 : i32
      %mul3A_470 = arith.constant 16 : i32
      %mul3A_471 = arith.muli %add3A_469, %mul3A_470 : i32
      %dma_start3A_472 = arith.constant 3 : i32
      %dma_start3A_473 = arith.constant 0 : i32
      %dma_start3A_474 = arith.constant 0 : i32
      %dma_start3A_475 = tpu.memref_slice %arg9[%dma_start3A_472, %dma_start3A_473, %dma_start3A_474] : memref<5x16x128xf32, #tpu.memory_space<vmem>> -> memref<1x16x128xf32, #tpu.memory_space<vmem>>
      %dma_start3A_476 = tpu.memref_squeeze %dma_start3A_475 : memref<1x16x128xf32, #tpu.memory_space<vmem>> -> memref<16x128xf32, #tpu.memory_space<vmem>>
      %dma_start3A_477 = tpu.memref_slice %arg7[%mul3A_471] : memref<10000xi32, #tpu.memory_space<vmem>> -> memref<16xi32, #tpu.memory_space<vmem>>
      %dma_start3A_478 = arith.constant 0 : i32
      %dma_start3A_479 = arith.constant 0 : i32
      %dma_start3A_480 = tpu.memref_slice %arg2[%dma_start3A_478, %dma_start3A_479] : memref<10000x128xf32, #tpu.memory_space<hbm>> -> memref<10000x128xf32, #tpu.memory_space<hbm>>
      tpu.enqueue_indirect_dma source(%dma_start3A_480 : memref<10000x128xf32, #tpu.memory_space<hbm>>) target(%dma_start3A_476 : memref<16x128xf32, #tpu.memory_space<vmem>>) offsets(%dma_start3A_477 : memref<16xi32, #tpu.memory_space<vmem>>) semaphore(%arg14 : memref<!tpu.dma_semaphore, #tpu.memory_space<semaphore_mem>>)
      %add3A_481 = arith.constant 4 : i32
      %add3A_482 = arith.addi %mul3A_238, %add3A_481 : i32
      %dma_wait3A_483 = arith.constant 4 : i32
      %dma_wait3A_484 = arith.constant 0 : i32
      %dma_wait3A_485 = arith.constant 0 : i32
      %dma_wait3A_486 = tpu.memref_slice %arg9[%dma_wait3A_483, %dma_wait3A_484, %dma_wait3A_485] : memref<5x16x128xf32, #tpu.memory_space<vmem>> -> memref<1x16x128xf32, #tpu.memory_space<vmem>>
      %dma_wait3A_487 = tpu.memref_squeeze %dma_wait3A_486 : memref<1x16x128xf32, #tpu.memory_space<vmem>> -> memref<16x128xf32, #tpu.memory_space<vmem>>
      %dma_wait3A_488 = arith.constant 0 : i32
      %dma_wait3A_489 = tpu.memref_slice %arg8[%add3A_482, %dma_wait3A_488] : memref<625x16xi32, #tpu.memory_space<vmem>> -> memref<1x16xi32, #tpu.memory_space<vmem>>
      %dma_wait3A_490 = tpu.memref_squeeze %dma_wait3A_489 : memref<1x16xi32, #tpu.memory_space<vmem>> -> memref<16xi32, #tpu.memory_space<vmem>>
      %dma_wait3A_491 = arith.constant 0 : i32
      %dma_wait3A_492 = arith.constant 0 : i32
      %dma_wait3A_493 = tpu.memref_slice %arg10[%dma_wait3A_491, %dma_wait3A_492] : memref<10240x128xf32, #tpu.memory_space<vmem_shared>> -> memref<10240x128xf32, #tpu.memory_space<vmem_shared>>
      tpu.wait_indirect_dma semaphore(%arg20 : memref<!tpu.dma_semaphore, #tpu.memory_space<semaphore_mem>>) src(%dma_wait3A_487 : memref<16x128xf32, #tpu.memory_space<vmem>>) dst(%dma_wait3A_493 : memref<10240x128xf32, #tpu.memory_space<vmem_shared>>)
      %add3A_494 = arith.constant 5 : i32
      %add3A_495 = arith.addi %mul3A_238, %add3A_494 : i32
      %add3A_496 = arith.constant 4 : i32
      %add3A_497 = arith.addi %add3A_495, %add3A_496 : i32
      %mul3A_498 = arith.constant 16 : i32
      %mul3A_499 = arith.muli %add3A_497, %mul3A_498 : i32
      %dma_start3A_500 = arith.constant 4 : i32
      %dma_start3A_501 = arith.constant 0 : i32
      %dma_start3A_502 = arith.constant 0 : i32
      %dma_start3A_503 = tpu.memref_slice %arg9[%dma_start3A_500, %dma_start3A_501, %dma_start3A_502] : memref<5x16x128xf32, #tpu.memory_space<vmem>> -> memref<1x16x128xf32, #tpu.memory_space<vmem>>
      %dma_start3A_504 = tpu.memref_squeeze %dma_start3A_503 : memref<1x16x128xf32, #tpu.memory_space<vmem>> -> memref<16x128xf32, #tpu.memory_space<vmem>>
      %dma_start3A_505 = tpu.memref_slice %arg7[%mul3A_499] : memref<10000xi32, #tpu.memory_space<vmem>> -> memref<16xi32, #tpu.memory_space<vmem>>
      %dma_start3A_506 = arith.constant 0 : i32
      %dma_start3A_507 = arith.constant 0 : i32
      %dma_start3A_508 = tpu.memref_slice %arg2[%dma_start3A_506, %dma_start3A_507] : memref<10000x128xf32, #tpu.memory_space<hbm>> -> memref<10000x128xf32, #tpu.memory_space<hbm>>
      tpu.enqueue_indirect_dma source(%dma_start3A_508 : memref<10000x128xf32, #tpu.memory_space<hbm>>) target(%dma_start3A_504 : memref<16x128xf32, #tpu.memory_space<vmem>>) offsets(%dma_start3A_505 : memref<16xi32, #tpu.memory_space<vmem>>) semaphore(%arg15 : memref<!tpu.dma_semaphore, #tpu.memory_space<semaphore_mem>>)
    }
    %scan3A_57 = arith.constant 124 : i32
    %dma_wait3A = arith.constant 0 : i32
    %dma_wait3A_58 = arith.constant 0 : i32
    %dma_wait3A_59 = arith.constant 0 : i32
    %dma_wait3A_60 = tpu.memref_slice %arg9[%dma_wait3A, %dma_wait3A_58, %dma_wait3A_59] : memref<5x16x128xf32, #tpu.memory_space<vmem>> -> memref<1x16x128xf32, #tpu.memory_space<vmem>>
    %dma_wait3A_61 = tpu.memref_squeeze %dma_wait3A_60 : memref<1x16x128xf32, #tpu.memory_space<vmem>> -> memref<16x128xf32, #tpu.memory_space<vmem>>
    %dma_wait3A_62 = arith.constant 9920 : i32
    %dma_wait3A_63 = tpu.memref_slice %arg7[%dma_wait3A_62] : memref<10000xi32, #tpu.memory_space<vmem>> -> memref<16xi32, #tpu.memory_space<vmem>>
    %dma_wait3A_64 = arith.constant 0 : i32
    %dma_wait3A_65 = arith.constant 0 : i32
    %dma_wait3A_66 = tpu.memref_slice %arg2[%dma_wait3A_64, %dma_wait3A_65] : memref<10000x128xf32, #tpu.memory_space<hbm>> -> memref<10000x128xf32, #tpu.memory_space<hbm>>
    tpu.wait_indirect_dma semaphore(%arg11 : memref<!tpu.dma_semaphore, #tpu.memory_space<semaphore_mem>>) src(%dma_wait3A_66 : memref<10000x128xf32, #tpu.memory_space<hbm>>) dst(%dma_wait3A_61 : memref<16x128xf32, #tpu.memory_space<vmem>>)
    %dma_start3A_67 = arith.constant 0 : i32
    %dma_start3A_68 = arith.constant 620 : i32
    %dma_start3A_69 = arith.constant 0 : i32
    %dma_start3A_70 = arith.constant 0 : i32
    %dma_start3A_71 = tpu.memref_slice %arg9[%dma_start3A_67, %dma_start3A_69, %dma_start3A_70] : memref<5x16x128xf32, #tpu.memory_space<vmem>> -> memref<1x16x128xf32, #tpu.memory_space<vmem>>
    %dma_start3A_72 = tpu.memref_squeeze %dma_start3A_71 : memref<1x16x128xf32, #tpu.memory_space<vmem>> -> memref<16x128xf32, #tpu.memory_space<vmem>>
    %dma_start3A_73 = arith.constant 0 : i32
    %dma_start3A_74 = tpu.memref_slice %arg8[%dma_start3A_68, %dma_start3A_73] : memref<625x16xi32, #tpu.memory_space<vmem>> -> memref<1x16xi32, #tpu.memory_space<vmem>>
    %dma_start3A_75 = tpu.memref_squeeze %dma_start3A_74 : memref<1x16xi32, #tpu.memory_space<vmem>> -> memref<16xi32, #tpu.memory_space<vmem>>
    %dma_start3A_76 = arith.constant 0 : i32
    %dma_start3A_77 = arith.constant 0 : i32
    %dma_start3A_78 = tpu.memref_slice %arg10[%dma_start3A_76, %dma_start3A_77] : memref<10240x128xf32, #tpu.memory_space<vmem_shared>> -> memref<10240x128xf32, #tpu.memory_space<vmem_shared>>
    tpu.enqueue_indirect_dma source(%dma_start3A_72 : memref<16x128xf32, #tpu.memory_space<vmem>>) target(%dma_start3A_78 : memref<10240x128xf32, #tpu.memory_space<vmem_shared>>) offsets(%dma_start3A_75 : memref<16xi32, #tpu.memory_space<vmem>>) semaphore(%arg16 : memref<!tpu.dma_semaphore, #tpu.memory_space<semaphore_mem>>) {add = true}
    %dma_wait3A_79 = arith.constant 1 : i32
    %dma_wait3A_80 = arith.constant 0 : i32
    %dma_wait3A_81 = arith.constant 0 : i32
    %dma_wait3A_82 = tpu.memref_slice %arg9[%dma_wait3A_79, %dma_wait3A_80, %dma_wait3A_81] : memref<5x16x128xf32, #tpu.memory_space<vmem>> -> memref<1x16x128xf32, #tpu.memory_space<vmem>>
    %dma_wait3A_83 = tpu.memref_squeeze %dma_wait3A_82 : memref<1x16x128xf32, #tpu.memory_space<vmem>> -> memref<16x128xf32, #tpu.memory_space<vmem>>
    %dma_wait3A_84 = arith.constant 9936 : i32
    %dma_wait3A_85 = tpu.memref_slice %arg7[%dma_wait3A_84] : memref<10000xi32, #tpu.memory_space<vmem>> -> memref<16xi32, #tpu.memory_space<vmem>>
    %dma_wait3A_86 = arith.constant 0 : i32
    %dma_wait3A_87 = arith.constant 0 : i32
    %dma_wait3A_88 = tpu.memref_slice %arg2[%dma_wait3A_86, %dma_wait3A_87] : memref<10000x128xf32, #tpu.memory_space<hbm>> -> memref<10000x128xf32, #tpu.memory_space<hbm>>
    tpu.wait_indirect_dma semaphore(%arg12 : memref<!tpu.dma_semaphore, #tpu.memory_space<semaphore_mem>>) src(%dma_wait3A_88 : memref<10000x128xf32, #tpu.memory_space<hbm>>) dst(%dma_wait3A_83 : memref<16x128xf32, #tpu.memory_space<vmem>>)
    %dma_start3A_89 = arith.constant 1 : i32
    %dma_start3A_90 = arith.constant 621 : i32
    %dma_start3A_91 = arith.constant 0 : i32
    %dma_start3A_92 = arith.constant 0 : i32
    %dma_start3A_93 = tpu.memref_slice %arg9[%dma_start3A_89, %dma_start3A_91, %dma_start3A_92] : memref<5x16x128xf32, #tpu.memory_space<vmem>> -> memref<1x16x128xf32, #tpu.memory_space<vmem>>
    %dma_start3A_94 = tpu.memref_squeeze %dma_start3A_93 : memref<1x16x128xf32, #tpu.memory_space<vmem>> -> memref<16x128xf32, #tpu.memory_space<vmem>>
    %dma_start3A_95 = arith.constant 0 : i32
    %dma_start3A_96 = tpu.memref_slice %arg8[%dma_start3A_90, %dma_start3A_95] : memref<625x16xi32, #tpu.memory_space<vmem>> -> memref<1x16xi32, #tpu.memory_space<vmem>>
    %dma_start3A_97 = tpu.memref_squeeze %dma_start3A_96 : memref<1x16xi32, #tpu.memory_space<vmem>> -> memref<16xi32, #tpu.memory_space<vmem>>
    %dma_start3A_98 = arith.constant 0 : i32
    %dma_start3A_99 = arith.constant 0 : i32
    %dma_start3A_100 = tpu.memref_slice %arg10[%dma_start3A_98, %dma_start3A_99] : memref<10240x128xf32, #tpu.memory_space<vmem_shared>> -> memref<10240x128xf32, #tpu.memory_space<vmem_shared>>
    tpu.enqueue_indirect_dma source(%dma_start3A_94 : memref<16x128xf32, #tpu.memory_space<vmem>>) target(%dma_start3A_100 : memref<10240x128xf32, #tpu.memory_space<vmem_shared>>) offsets(%dma_start3A_97 : memref<16xi32, #tpu.memory_space<vmem>>) semaphore(%arg17 : memref<!tpu.dma_semaphore, #tpu.memory_space<semaphore_mem>>) {add = true}
    %dma_wait3A_101 = arith.constant 2 : i32
    %dma_wait3A_102 = arith.constant 0 : i32
    %dma_wait3A_103 = arith.constant 0 : i32
    %dma_wait3A_104 = tpu.memref_slice %arg9[%dma_wait3A_101, %dma_wait3A_102, %dma_wait3A_103] : memref<5x16x128xf32, #tpu.memory_space<vmem>> -> memref<1x16x128xf32, #tpu.memory_space<vmem>>
    %dma_wait3A_105 = tpu.memref_squeeze %dma_wait3A_104 : memref<1x16x128xf32, #tpu.memory_space<vmem>> -> memref<16x128xf32, #tpu.memory_space<vmem>>
    %dma_wait3A_106 = arith.constant 9952 : i32
    %dma_wait3A_107 = tpu.memref_slice %arg7[%dma_wait3A_106] : memref<10000xi32, #tpu.memory_space<vmem>> -> memref<16xi32, #tpu.memory_space<vmem>>
    %dma_wait3A_108 = arith.constant 0 : i32
    %dma_wait3A_109 = arith.constant 0 : i32
    %dma_wait3A_110 = tpu.memref_slice %arg2[%dma_wait3A_108, %dma_wait3A_109] : memref<10000x128xf32, #tpu.memory_space<hbm>> -> memref<10000x128xf32, #tpu.memory_space<hbm>>
    tpu.wait_indirect_dma semaphore(%arg13 : memref<!tpu.dma_semaphore, #tpu.memory_space<semaphore_mem>>) src(%dma_wait3A_110 : memref<10000x128xf32, #tpu.memory_space<hbm>>) dst(%dma_wait3A_105 : memref<16x128xf32, #tpu.memory_space<vmem>>)
    %dma_start3A_111 = arith.constant 2 : i32
    %dma_start3A_112 = arith.constant 622 : i32
    %dma_start3A_113 = arith.constant 0 : i32
    %dma_start3A_114 = arith.constant 0 : i32
    %dma_start3A_115 = tpu.memref_slice %arg9[%dma_start3A_111, %dma_start3A_113, %dma_start3A_114] : memref<5x16x128xf32, #tpu.memory_space<vmem>> -> memref<1x16x128xf32, #tpu.memory_space<vmem>>
    %dma_start3A_116 = tpu.memref_squeeze %dma_start3A_115 : memref<1x16x128xf32, #tpu.memory_space<vmem>> -> memref<16x128xf32, #tpu.memory_space<vmem>>
    %dma_start3A_117 = arith.constant 0 : i32
    %dma_start3A_118 = tpu.memref_slice %arg8[%dma_start3A_112, %dma_start3A_117] : memref<625x16xi32, #tpu.memory_space<vmem>> -> memref<1x16xi32, #tpu.memory_space<vmem>>
    %dma_start3A_119 = tpu.memref_squeeze %dma_start3A_118 : memref<1x16xi32, #tpu.memory_space<vmem>> -> memref<16xi32, #tpu.memory_space<vmem>>
    %dma_start3A_120 = arith.constant 0 : i32
    %dma_start3A_121 = arith.constant 0 : i32
    %dma_start3A_122 = tpu.memref_slice %arg10[%dma_start3A_120, %dma_start3A_121] : memref<10240x128xf32, #tpu.memory_space<vmem_shared>> -> memref<10240x128xf32, #tpu.memory_space<vmem_shared>>
    tpu.enqueue_indirect_dma source(%dma_start3A_116 : memref<16x128xf32, #tpu.memory_space<vmem>>) target(%dma_start3A_122 : memref<10240x128xf32, #tpu.memory_space<vmem_shared>>) offsets(%dma_start3A_119 : memref<16xi32, #tpu.memory_space<vmem>>) semaphore(%arg18 : memref<!tpu.dma_semaphore, #tpu.memory_space<semaphore_mem>>) {add = true}
    %dma_wait3A_123 = arith.constant 3 : i32
    %dma_wait3A_124 = arith.constant 0 : i32
    %dma_wait3A_125 = arith.constant 0 : i32
    %dma_wait3A_126 = tpu.memref_slice %arg9[%dma_wait3A_123, %dma_wait3A_124, %dma_wait3A_125] : memref<5x16x128xf32, #tpu.memory_space<vmem>> -> memref<1x16x128xf32, #tpu.memory_space<vmem>>
    %dma_wait3A_127 = tpu.memref_squeeze %dma_wait3A_126 : memref<1x16x128xf32, #tpu.memory_space<vmem>> -> memref<16x128xf32, #tpu.memory_space<vmem>>
    %dma_wait3A_128 = arith.constant 9968 : i32
    %dma_wait3A_129 = tpu.memref_slice %arg7[%dma_wait3A_128] : memref<10000xi32, #tpu.memory_space<vmem>> -> memref<16xi32, #tpu.memory_space<vmem>>
    %dma_wait3A_130 = arith.constant 0 : i32
    %dma_wait3A_131 = arith.constant 0 : i32
    %dma_wait3A_132 = tpu.memref_slice %arg2[%dma_wait3A_130, %dma_wait3A_131] : memref<10000x128xf32, #tpu.memory_space<hbm>> -> memref<10000x128xf32, #tpu.memory_space<hbm>>
    tpu.wait_indirect_dma semaphore(%arg14 : memref<!tpu.dma_semaphore, #tpu.memory_space<semaphore_mem>>) src(%dma_wait3A_132 : memref<10000x128xf32, #tpu.memory_space<hbm>>) dst(%dma_wait3A_127 : memref<16x128xf32, #tpu.memory_space<vmem>>)
    %dma_start3A_133 = arith.constant 3 : i32
    %dma_start3A_134 = arith.constant 623 : i32
    %dma_start3A_135 = arith.constant 0 : i32
    %dma_start3A_136 = arith.constant 0 : i32
    %dma_start3A_137 = tpu.memref_slice %arg9[%dma_start3A_133, %dma_start3A_135, %dma_start3A_136] : memref<5x16x128xf32, #tpu.memory_space<vmem>> -> memref<1x16x128xf32, #tpu.memory_space<vmem>>
    %dma_start3A_138 = tpu.memref_squeeze %dma_start3A_137 : memref<1x16x128xf32, #tpu.memory_space<vmem>> -> memref<16x128xf32, #tpu.memory_space<vmem>>
    %dma_start3A_139 = arith.constant 0 : i32
    %dma_start3A_140 = tpu.memref_slice %arg8[%dma_start3A_134, %dma_start3A_139] : memref<625x16xi32, #tpu.memory_space<vmem>> -> memref<1x16xi32, #tpu.memory_space<vmem>>
    %dma_start3A_141 = tpu.memref_squeeze %dma_start3A_140 : memref<1x16xi32, #tpu.memory_space<vmem>> -> memref<16xi32, #tpu.memory_space<vmem>>
    %dma_start3A_142 = arith.constant 0 : i32
    %dma_start3A_143 = arith.constant 0 : i32
    %dma_start3A_144 = tpu.memref_slice %arg10[%dma_start3A_142, %dma_start3A_143] : memref<10240x128xf32, #tpu.memory_space<vmem_shared>> -> memref<10240x128xf32, #tpu.memory_space<vmem_shared>>
    tpu.enqueue_indirect_dma source(%dma_start3A_138 : memref<16x128xf32, #tpu.memory_space<vmem>>) target(%dma_start3A_144 : memref<10240x128xf32, #tpu.memory_space<vmem_shared>>) offsets(%dma_start3A_141 : memref<16xi32, #tpu.memory_space<vmem>>) semaphore(%arg19 : memref<!tpu.dma_semaphore, #tpu.memory_space<semaphore_mem>>) {add = true}
    %dma_wait3A_145 = arith.constant 4 : i32
    %dma_wait3A_146 = arith.constant 0 : i32
    %dma_wait3A_147 = arith.constant 0 : i32
    %dma_wait3A_148 = tpu.memref_slice %arg9[%dma_wait3A_145, %dma_wait3A_146, %dma_wait3A_147] : memref<5x16x128xf32, #tpu.memory_space<vmem>> -> memref<1x16x128xf32, #tpu.memory_space<vmem>>
    %dma_wait3A_149 = tpu.memref_squeeze %dma_wait3A_148 : memref<1x16x128xf32, #tpu.memory_space<vmem>> -> memref<16x128xf32, #tpu.memory_space<vmem>>
    %dma_wait3A_150 = arith.constant 9984 : i32
    %dma_wait3A_151 = tpu.memref_slice %arg7[%dma_wait3A_150] : memref<10000xi32, #tpu.memory_space<vmem>> -> memref<16xi32, #tpu.memory_space<vmem>>
    %dma_wait3A_152 = arith.constant 0 : i32
    %dma_wait3A_153 = arith.constant 0 : i32
    %dma_wait3A_154 = tpu.memref_slice %arg2[%dma_wait3A_152, %dma_wait3A_153] : memref<10000x128xf32, #tpu.memory_space<hbm>> -> memref<10000x128xf32, #tpu.memory_space<hbm>>
    tpu.wait_indirect_dma semaphore(%arg15 : memref<!tpu.dma_semaphore, #tpu.memory_space<semaphore_mem>>) src(%dma_wait3A_154 : memref<10000x128xf32, #tpu.memory_space<hbm>>) dst(%dma_wait3A_149 : memref<16x128xf32, #tpu.memory_space<vmem>>)
    %dma_start3A_155 = arith.constant 4 : i32
    %dma_start3A_156 = arith.constant 624 : i32
    %dma_start3A_157 = arith.constant 0 : i32
    %dma_start3A_158 = arith.constant 0 : i32
    %dma_start3A_159 = tpu.memref_slice %arg9[%dma_start3A_155, %dma_start3A_157, %dma_start3A_158] : memref<5x16x128xf32, #tpu.memory_space<vmem>> -> memref<1x16x128xf32, #tpu.memory_space<vmem>>
    %dma_start3A_160 = tpu.memref_squeeze %dma_start3A_159 : memref<1x16x128xf32, #tpu.memory_space<vmem>> -> memref<16x128xf32, #tpu.memory_space<vmem>>
    %dma_start3A_161 = arith.constant 0 : i32
    %dma_start3A_162 = tpu.memref_slice %arg8[%dma_start3A_156, %dma_start3A_161] : memref<625x16xi32, #tpu.memory_space<vmem>> -> memref<1x16xi32, #tpu.memory_space<vmem>>
    %dma_start3A_163 = tpu.memref_squeeze %dma_start3A_162 : memref<1x16xi32, #tpu.memory_space<vmem>> -> memref<16xi32, #tpu.memory_space<vmem>>
    %dma_start3A_164 = arith.constant 0 : i32
    %dma_start3A_165 = arith.constant 0 : i32
    %dma_start3A_166 = tpu.memref_slice %arg10[%dma_start3A_164, %dma_start3A_165] : memref<10240x128xf32, #tpu.memory_space<vmem_shared>> -> memref<10240x128xf32, #tpu.memory_space<vmem_shared>>
    tpu.enqueue_indirect_dma source(%dma_start3A_160 : memref<16x128xf32, #tpu.memory_space<vmem>>) target(%dma_start3A_166 : memref<10240x128xf32, #tpu.memory_space<vmem_shared>>) offsets(%dma_start3A_163 : memref<16xi32, #tpu.memory_space<vmem>>) semaphore(%arg20 : memref<!tpu.dma_semaphore, #tpu.memory_space<semaphore_mem>>) {add = true}
    %dma_wait3A_167 = arith.constant 0 : i32
    %dma_wait3A_168 = arith.constant 620 : i32
    %dma_wait3A_169 = arith.constant 0 : i32
    %dma_wait3A_170 = arith.constant 0 : i32
    %dma_wait3A_171 = tpu.memref_slice %arg9[%dma_wait3A_167, %dma_wait3A_169, %dma_wait3A_170] : memref<5x16x128xf32, #tpu.memory_space<vmem>> -> memref<1x16x128xf32, #tpu.memory_space<vmem>>
    %dma_wait3A_172 = tpu.memref_squeeze %dma_wait3A_171 : memref<1x16x128xf32, #tpu.memory_space<vmem>> -> memref<16x128xf32, #tpu.memory_space<vmem>>
    %dma_wait3A_173 = arith.constant 0 : i32
    %dma_wait3A_174 = tpu.memref_slice %arg8[%dma_wait3A_168, %dma_wait3A_173] : memref<625x16xi32, #tpu.memory_space<vmem>> -> memref<1x16xi32, #tpu.memory_space<vmem>>
    %dma_wait3A_175 = tpu.memref_squeeze %dma_wait3A_174 : memref<1x16xi32, #tpu.memory_space<vmem>> -> memref<16xi32, #tpu.memory_space<vmem>>
    %dma_wait3A_176 = arith.constant 0 : i32
    %dma_wait3A_177 = arith.constant 0 : i32
    %dma_wait3A_178 = tpu.memref_slice %arg10[%dma_wait3A_176, %dma_wait3A_177] : memref<10240x128xf32, #tpu.memory_space<vmem_shared>> -> memref<10240x128xf32, #tpu.memory_space<vmem_shared>>
    tpu.wait_indirect_dma semaphore(%arg16 : memref<!tpu.dma_semaphore, #tpu.memory_space<semaphore_mem>>) src(%dma_wait3A_172 : memref<16x128xf32, #tpu.memory_space<vmem>>) dst(%dma_wait3A_178 : memref<10240x128xf32, #tpu.memory_space<vmem_shared>>)
    %dma_wait3A_179 = arith.constant 1 : i32
    %dma_wait3A_180 = arith.constant 621 : i32
    %dma_wait3A_181 = arith.constant 0 : i32
    %dma_wait3A_182 = arith.constant 0 : i32
    %dma_wait3A_183 = tpu.memref_slice %arg9[%dma_wait3A_179, %dma_wait3A_181, %dma_wait3A_182] : memref<5x16x128xf32, #tpu.memory_space<vmem>> -> memref<1x16x128xf32, #tpu.memory_space<vmem>>
    %dma_wait3A_184 = tpu.memref_squeeze %dma_wait3A_183 : memref<1x16x128xf32, #tpu.memory_space<vmem>> -> memref<16x128xf32, #tpu.memory_space<vmem>>
    %dma_wait3A_185 = arith.constant 0 : i32
    %dma_wait3A_186 = tpu.memref_slice %arg8[%dma_wait3A_180, %dma_wait3A_185] : memref<625x16xi32, #tpu.memory_space<vmem>> -> memref<1x16xi32, #tpu.memory_space<vmem>>
    %dma_wait3A_187 = tpu.memref_squeeze %dma_wait3A_186 : memref<1x16xi32, #tpu.memory_space<vmem>> -> memref<16xi32, #tpu.memory_space<vmem>>
    %dma_wait3A_188 = arith.constant 0 : i32
    %dma_wait3A_189 = arith.constant 0 : i32
    %dma_wait3A_190 = tpu.memref_slice %arg10[%dma_wait3A_188, %dma_wait3A_189] : memref<10240x128xf32, #tpu.memory_space<vmem_shared>> -> memref<10240x128xf32, #tpu.memory_space<vmem_shared>>
    tpu.wait_indirect_dma semaphore(%arg17 : memref<!tpu.dma_semaphore, #tpu.memory_space<semaphore_mem>>) src(%dma_wait3A_184 : memref<16x128xf32, #tpu.memory_space<vmem>>) dst(%dma_wait3A_190 : memref<10240x128xf32, #tpu.memory_space<vmem_shared>>)
    %dma_wait3A_191 = arith.constant 2 : i32
    %dma_wait3A_192 = arith.constant 622 : i32
    %dma_wait3A_193 = arith.constant 0 : i32
    %dma_wait3A_194 = arith.constant 0 : i32
    %dma_wait3A_195 = tpu.memref_slice %arg9[%dma_wait3A_191, %dma_wait3A_193, %dma_wait3A_194] : memref<5x16x128xf32, #tpu.memory_space<vmem>> -> memref<1x16x128xf32, #tpu.memory_space<vmem>>
    %dma_wait3A_196 = tpu.memref_squeeze %dma_wait3A_195 : memref<1x16x128xf32, #tpu.memory_space<vmem>> -> memref<16x128xf32, #tpu.memory_space<vmem>>
    %dma_wait3A_197 = arith.constant 0 : i32
    %dma_wait3A_198 = tpu.memref_slice %arg8[%dma_wait3A_192, %dma_wait3A_197] : memref<625x16xi32, #tpu.memory_space<vmem>> -> memref<1x16xi32, #tpu.memory_space<vmem>>
    %dma_wait3A_199 = tpu.memref_squeeze %dma_wait3A_198 : memref<1x16xi32, #tpu.memory_space<vmem>> -> memref<16xi32, #tpu.memory_space<vmem>>
    %dma_wait3A_200 = arith.constant 0 : i32
    %dma_wait3A_201 = arith.constant 0 : i32
    %dma_wait3A_202 = tpu.memref_slice %arg10[%dma_wait3A_200, %dma_wait3A_201] : memref<10240x128xf32, #tpu.memory_space<vmem_shared>> -> memref<10240x128xf32, #tpu.memory_space<vmem_shared>>
    tpu.wait_indirect_dma semaphore(%arg18 : memref<!tpu.dma_semaphore, #tpu.memory_space<semaphore_mem>>) src(%dma_wait3A_196 : memref<16x128xf32, #tpu.memory_space<vmem>>) dst(%dma_wait3A_202 : memref<10240x128xf32, #tpu.memory_space<vmem_shared>>)
    %dma_wait3A_203 = arith.constant 3 : i32
    %dma_wait3A_204 = arith.constant 623 : i32
    %dma_wait3A_205 = arith.constant 0 : i32
    %dma_wait3A_206 = arith.constant 0 : i32
    %dma_wait3A_207 = tpu.memref_slice %arg9[%dma_wait3A_203, %dma_wait3A_205, %dma_wait3A_206] : memref<5x16x128xf32, #tpu.memory_space<vmem>> -> memref<1x16x128xf32, #tpu.memory_space<vmem>>
    %dma_wait3A_208 = tpu.memref_squeeze %dma_wait3A_207 : memref<1x16x128xf32, #tpu.memory_space<vmem>> -> memref<16x128xf32, #tpu.memory_space<vmem>>
    %dma_wait3A_209 = arith.constant 0 : i32
    %dma_wait3A_210 = tpu.memref_slice %arg8[%dma_wait3A_204, %dma_wait3A_209] : memref<625x16xi32, #tpu.memory_space<vmem>> -> memref<1x16xi32, #tpu.memory_space<vmem>>
    %dma_wait3A_211 = tpu.memref_squeeze %dma_wait3A_210 : memref<1x16xi32, #tpu.memory_space<vmem>> -> memref<16xi32, #tpu.memory_space<vmem>>
    %dma_wait3A_212 = arith.constant 0 : i32
    %dma_wait3A_213 = arith.constant 0 : i32
    %dma_wait3A_214 = tpu.memref_slice %arg10[%dma_wait3A_212, %dma_wait3A_213] : memref<10240x128xf32, #tpu.memory_space<vmem_shared>> -> memref<10240x128xf32, #tpu.memory_space<vmem_shared>>
    tpu.wait_indirect_dma semaphore(%arg19 : memref<!tpu.dma_semaphore, #tpu.memory_space<semaphore_mem>>) src(%dma_wait3A_208 : memref<16x128xf32, #tpu.memory_space<vmem>>) dst(%dma_wait3A_214 : memref<10240x128xf32, #tpu.memory_space<vmem_shared>>)
    %dma_wait3A_215 = arith.constant 4 : i32
    %dma_wait3A_216 = arith.constant 624 : i32
    %dma_wait3A_217 = arith.constant 0 : i32
    %dma_wait3A_218 = arith.constant 0 : i32
    %dma_wait3A_219 = tpu.memref_slice %arg9[%dma_wait3A_215, %dma_wait3A_217, %dma_wait3A_218] : memref<5x16x128xf32, #tpu.memory_space<vmem>> -> memref<1x16x128xf32, #tpu.memory_space<vmem>>
    %dma_wait3A_220 = tpu.memref_squeeze %dma_wait3A_219 : memref<1x16x128xf32, #tpu.memory_space<vmem>> -> memref<16x128xf32, #tpu.memory_space<vmem>>
    %dma_wait3A_221 = arith.constant 0 : i32
    %dma_wait3A_222 = tpu.memref_slice %arg8[%dma_wait3A_216, %dma_wait3A_221] : memref<625x16xi32, #tpu.memory_space<vmem>> -> memref<1x16xi32, #tpu.memory_space<vmem>>
    %dma_wait3A_223 = tpu.memref_squeeze %dma_wait3A_222 : memref<1x16xi32, #tpu.memory_space<vmem>> -> memref<16xi32, #tpu.memory_space<vmem>>
    %dma_wait3A_224 = arith.constant 0 : i32
    %dma_wait3A_225 = arith.constant 0 : i32
    %dma_wait3A_226 = tpu.memref_slice %arg10[%dma_wait3A_224, %dma_wait3A_225] : memref<10240x128xf32, #tpu.memory_space<vmem_shared>> -> memref<10240x128xf32, #tpu.memory_space<vmem_shared>>
    tpu.wait_indirect_dma semaphore(%arg20 : memref<!tpu.dma_semaphore, #tpu.memory_space<semaphore_mem>>) src(%dma_wait3A_220 : memref<16x128xf32, #tpu.memory_space<vmem>>) dst(%dma_wait3A_226 : memref<10240x128xf32, #tpu.memory_space<vmem_shared>>)
    %barrier3A_227 = arith.constant 0 : index
    tpu.barrier barrier_id(%barrier3A_227)
    %mul3A_228 = arith.constant 640 : i32
    %mul3A_229 = arith.muli %arg1, %mul3A_228 : i32
    %mul3A_230 = arith.constant 640 : i32
    %mul3A_231 = arith.muli %arg1, %mul3A_230 : i32
    "tpu.region"() ({
      %run_scoped3A = tpu.sem_alloc : memref<!tpu.dma_semaphore, #tpu.memory_space<semaphore_mem>>
      %dma_start3A_232 = arith.constant 0 : i32
      %dma_start3A_233 = tpu.memref_slice %arg6[%arg0, %mul3A_231, %dma_start3A_232] : memref<2x10240x128xf32, #tpu.memory_space<hbm>> -> memref<1x640x128xf32, #tpu.memory_space<hbm>>
      %dma_start3A_234 = tpu.memref_squeeze %dma_start3A_233 : memref<1x640x128xf32, #tpu.memory_space<hbm>> -> memref<640x128xf32, #tpu.memory_space<hbm>>
      %dma_start3A_235 = arith.constant 0 : i32
      %dma_start3A_236 = tpu.memref_slice %arg10[%mul3A_229, %dma_start3A_235] : memref<10240x128xf32, #tpu.memory_space<vmem_shared>> -> memref<640x128xf32, #tpu.memory_space<vmem_shared>>
      tpu.enqueue_dma source(%dma_start3A_236 : memref<640x128xf32, #tpu.memory_space<vmem_shared>>) target(%dma_start3A_234 : memref<640x128xf32, #tpu.memory_space<hbm>>) target_semaphore(%run_scoped3A : memref<!tpu.dma_semaphore, #tpu.memory_space<semaphore_mem>>)
      %dma_wait3A_237 = arith.constant 0 : i32
      %dma_wait3A_238 = tpu.memref_slice %arg6[%arg0, %mul3A_231, %dma_wait3A_237] : memref<2x10240x128xf32, #tpu.memory_space<hbm>> -> memref<1x640x128xf32, #tpu.memory_space<hbm>>
      %dma_wait3A_239 = tpu.memref_squeeze %dma_wait3A_238 : memref<1x640x128xf32, #tpu.memory_space<hbm>> -> memref<640x128xf32, #tpu.memory_space<hbm>>
      %dma_wait3A_240 = arith.constant 0 : i32
      %dma_wait3A_241 = tpu.memref_slice %arg10[%mul3A_229, %dma_wait3A_240] : memref<10240x128xf32, #tpu.memory_space<vmem_shared>> -> memref<640x128xf32, #tpu.memory_space<vmem_shared>>
      tpu.wait_dma2 semaphore(%run_scoped3A : memref<!tpu.dma_semaphore, #tpu.memory_space<semaphore_mem>>) src(%dma_wait3A_241 : memref<640x128xf32, #tpu.memory_space<vmem_shared>>) dst(%dma_wait3A_239 : memref<640x128xf32, #tpu.memory_space<hbm>>)
      tpu.yield
    }) : () -> ()
    return
  }
}

#map = affine_map<(d0, d1) -> (0)>
#map1 = affine_map<(d0, d1) -> (0, 0)>
module attributes {stable_mosaic.version = 14 : i64} {
  func.func @_deg_kernel(%arg0: i32, %arg1: i32, %arg2: memref<320000xi32, #tpu.memory_space<hbm>>, %arg3: memref<320000xi32, #tpu.memory_space<hbm>>, %arg4: memref<32x10000xf32, #tpu.memory_space<hbm>>, %arg5: memref<32x10000xf32, #tpu.memory_space<hbm>>, %arg6: memref<10000xi32, #tpu.memory_space<vmem>>, %arg7: memref<10000xi32, #tpu.memory_space<vmem>>, %arg8: memref<10000xf32, #tpu.memory_space<vmem>>, %arg9: memref<10000xf32, #tpu.memory_space<vmem>>) attributes {dimension_semantics = [#tpu.dimension_semantics<core_parallel>, #tpu.dimension_semantics<subcore_parallel>], iteration_bounds = array<i64: 2, 16>, scalar_prefetch = 0 : i64, scratch_operands = 4 : i64, tpu.core_type = #tpu.core_type<sc_vector_subcore>, window_params = [{transform_indices = #map}, {transform_indices = #map}, {transform_indices = #map1}, {transform_indices = #map1}]} {
    %mul3A = arith.constant 16 : i32
    %mul3A_0 = arith.muli %arg0, %mul3A : i32
    %add3A = arith.addi %mul3A_0, %arg1 : i32
    %mul3A_1 = arith.constant 10000 : i32
    %mul3A_2 = arith.muli %add3A, %mul3A_1 : i32
    "tpu.region"() ({
      %run_scoped3A = tpu.sem_alloc : memref<!tpu.dma_semaphore, #tpu.memory_space<semaphore_mem>>
      %dma_start3A = tpu.memref_slice %arg2[%mul3A_2] : memref<320000xi32, #tpu.memory_space<hbm>> -> memref<10000xi32, #tpu.memory_space<hbm>>
      %dma_start3A_17 = tpu.memref_slice %arg2[%mul3A_2] : memref<320000xi32, #tpu.memory_space<hbm>> -> memref<10000xi32, #tpu.memory_space<hbm>>
      tpu.enqueue_dma source(%dma_start3A_17 : memref<10000xi32, #tpu.memory_space<hbm>>) target(%arg6 : memref<10000xi32, #tpu.memory_space<vmem>>) target_semaphore(%run_scoped3A : memref<!tpu.dma_semaphore, #tpu.memory_space<semaphore_mem>>)
      %dma_wait3A = tpu.memref_slice %arg2[%mul3A_2] : memref<320000xi32, #tpu.memory_space<hbm>> -> memref<10000xi32, #tpu.memory_space<hbm>>
      %dma_wait3A_18 = tpu.memref_slice %arg2[%mul3A_2] : memref<320000xi32, #tpu.memory_space<hbm>> -> memref<10000xi32, #tpu.memory_space<hbm>>
      tpu.wait_dma2 semaphore(%run_scoped3A : memref<!tpu.dma_semaphore, #tpu.memory_space<semaphore_mem>>) src(%dma_wait3A_18 : memref<10000xi32, #tpu.memory_space<hbm>>) dst(%arg6 : memref<10000xi32, #tpu.memory_space<vmem>>)
      tpu.yield
    }) : () -> ()
    %mul3A_3 = arith.constant 10000 : i32
    %mul3A_4 = arith.muli %add3A, %mul3A_3 : i32
    "tpu.region"() ({
      %run_scoped3A = tpu.sem_alloc : memref<!tpu.dma_semaphore, #tpu.memory_space<semaphore_mem>>
      %dma_start3A = tpu.memref_slice %arg3[%mul3A_4] : memref<320000xi32, #tpu.memory_space<hbm>> -> memref<10000xi32, #tpu.memory_space<hbm>>
      %dma_start3A_17 = tpu.memref_slice %arg3[%mul3A_4] : memref<320000xi32, #tpu.memory_space<hbm>> -> memref<10000xi32, #tpu.memory_space<hbm>>
      tpu.enqueue_dma source(%dma_start3A_17 : memref<10000xi32, #tpu.memory_space<hbm>>) target(%arg7 : memref<10000xi32, #tpu.memory_space<vmem>>) target_semaphore(%run_scoped3A : memref<!tpu.dma_semaphore, #tpu.memory_space<semaphore_mem>>)
      %dma_wait3A = tpu.memref_slice %arg3[%mul3A_4] : memref<320000xi32, #tpu.memory_space<hbm>> -> memref<10000xi32, #tpu.memory_space<hbm>>
      %dma_wait3A_18 = tpu.memref_slice %arg3[%mul3A_4] : memref<320000xi32, #tpu.memory_space<hbm>> -> memref<10000xi32, #tpu.memory_space<hbm>>
      tpu.wait_dma2 semaphore(%run_scoped3A : memref<!tpu.dma_semaphore, #tpu.memory_space<semaphore_mem>>) src(%dma_wait3A_18 : memref<10000xi32, #tpu.memory_space<hbm>>) dst(%arg7 : memref<10000xi32, #tpu.memory_space<vmem>>)
      tpu.yield
    }) : () -> ()
    %broadcast_in_dim3A = arith.constant 0.000000e+00 : f32
    %broadcast_in_dim3A_5 = vector.broadcast %broadcast_in_dim3A : f32 to vector<16xf32>
    %scan3A = arith.constant 0 : i32
    %scan3A_6 = arith.constant 625 : i32
    %scan3A_7 = arith.addi %scan3A, %scan3A_6 : i32
    %scan3A_8 = arith.constant 1 : i32
    scf.for %scan3A_17 = %scan3A to %scan3A_7 step %scan3A_8  : i32 {
      %mul3A_18 = arith.constant 16 : i32
      %mul3A_19 = arith.muli %scan3A_17, %mul3A_18 : i32
      %add3A_20 = arith.constant 0 : i32
      %add3A_21 = arith.addi %add3A_20, %mul3A_19 : i32
      %swap3A = arith.index_cast %add3A_21 : i32 to index
      %swap3A_22 = tpu.vector_load %arg8[%swap3A] {strides = array<i32>} : memref<10000xf32, #tpu.memory_space<vmem>>, vector<16xf32>,
      tpu.vector_store %arg8[%swap3A], %broadcast_in_dim3A_5 {strides = array<i32>} : memref<10000xf32, #tpu.memory_space<vmem>>, vector<16xf32>,
      %swap3A_23 = arith.index_cast %add3A_21 : i32 to index
      %swap3A_24 = tpu.vector_load %arg9[%swap3A_23] {strides = array<i32>} : memref<10000xf32, #tpu.memory_space<vmem>>, vector<16xf32>,
      tpu.vector_store %arg9[%swap3A_23], %broadcast_in_dim3A_5 {strides = array<i32>} : memref<10000xf32, #tpu.memory_space<vmem>>, vector<16xf32>,
    }
    %scan3A_9 = arith.constant 625 : i32
    %broadcast_in_dim3A_10 = arith.constant 1.000000e+00 : f32
    %broadcast_in_dim3A_11 = vector.broadcast %broadcast_in_dim3A_10 : f32 to vector<16xf32>
    %scan3A_12 = arith.constant 0 : i32
    %scan3A_13 = arith.constant 625 : i32
    %scan3A_14 = arith.addi %scan3A_12, %scan3A_13 : i32
    %scan3A_15 = arith.constant 1 : i32
    scf.for %scan3A_17 = %scan3A_12 to %scan3A_14 step %scan3A_15  : i32 {
      %mul3A_18 = arith.constant 16 : i32
      %mul3A_19 = arith.muli %scan3A_17, %mul3A_18 : i32
      %add3A_20 = arith.constant 0 : i32
      %add3A_21 = arith.addi %add3A_20, %mul3A_19 : i32
      %get3A = arith.index_cast %add3A_21 : i32 to index
      %get3A_22 = tpu.vector_load %arg6[%get3A] {strides = array<i32>} : memref<10000xi32, #tpu.memory_space<vmem>>, vector<16xi32>,
      tpu.vector_store_idx %arg8[%get3A_22], %broadcast_in_dim3A_11 {add = true} : memref<10000xf32, #tpu.memory_space<vmem>>[vector<16xi32>], vector<16xf32>,
      %get3A_23 = arith.index_cast %add3A_21 : i32 to index
      %get3A_24 = tpu.vector_load %arg7[%get3A_23] {strides = array<i32>} : memref<10000xi32, #tpu.memory_space<vmem>>, vector<16xi32>,
      tpu.vector_store_idx %arg9[%get3A_24], %broadcast_in_dim3A_11 {add = true} : memref<10000xf32, #tpu.memory_space<vmem>>[vector<16xi32>], vector<16xf32>,
    }
    %scan3A_16 = arith.constant 625 : i32
    "tpu.region"() ({
      %run_scoped3A = tpu.sem_alloc : memref<!tpu.dma_semaphore, #tpu.memory_space<semaphore_mem>>
      %dma_start3A = arith.constant 0 : i32
      %dma_start3A_17 = tpu.memref_slice %arg4[%add3A, %dma_start3A] : memref<32x10000xf32, #tpu.memory_space<hbm>> -> memref<1x10000xf32, #tpu.memory_space<hbm>>
      %dma_start3A_18 = tpu.memref_squeeze %dma_start3A_17 : memref<1x10000xf32, #tpu.memory_space<hbm>> -> memref<10000xf32, #tpu.memory_space<hbm>>
      %dma_start3A_19 = arith.constant 0 : i32
      %dma_start3A_20 = tpu.memref_slice %arg4[%add3A, %dma_start3A_19] : memref<32x10000xf32, #tpu.memory_space<hbm>> -> memref<1x10000xf32, #tpu.memory_space<hbm>>
      %dma_start3A_21 = tpu.memref_squeeze %dma_start3A_20 : memref<1x10000xf32, #tpu.memory_space<hbm>> -> memref<10000xf32, #tpu.memory_space<hbm>>
      tpu.enqueue_dma source(%arg8 : memref<10000xf32, #tpu.memory_space<vmem>>) target(%dma_start3A_21 : memref<10000xf32, #tpu.memory_space<hbm>>) target_semaphore(%run_scoped3A : memref<!tpu.dma_semaphore, #tpu.memory_space<semaphore_mem>>)
      %dma_wait3A = arith.constant 0 : i32
      %dma_wait3A_22 = tpu.memref_slice %arg4[%add3A, %dma_wait3A] : memref<32x10000xf32, #tpu.memory_space<hbm>> -> memref<1x10000xf32, #tpu.memory_space<hbm>>
      %dma_wait3A_23 = tpu.memref_squeeze %dma_wait3A_22 : memref<1x10000xf32, #tpu.memory_space<hbm>> -> memref<10000xf32, #tpu.memory_space<hbm>>
      %dma_wait3A_24 = arith.constant 0 : i32
      %dma_wait3A_25 = tpu.memref_slice %arg4[%add3A, %dma_wait3A_24] : memref<32x10000xf32, #tpu.memory_space<hbm>> -> memref<1x10000xf32, #tpu.memory_space<hbm>>
      %dma_wait3A_26 = tpu.memref_squeeze %dma_wait3A_25 : memref<1x10000xf32, #tpu.memory_space<hbm>> -> memref<10000xf32, #tpu.memory_space<hbm>>
      tpu.wait_dma2 semaphore(%run_scoped3A : memref<!tpu.dma_semaphore, #tpu.memory_space<semaphore_mem>>) src(%arg8 : memref<10000xf32, #tpu.memory_space<vmem>>) dst(%dma_wait3A_26 : memref<10000xf32, #tpu.memory_space<hbm>>)
      tpu.yield
    }) : () -> ()
    "tpu.region"() ({
      %run_scoped3A = tpu.sem_alloc : memref<!tpu.dma_semaphore, #tpu.memory_space<semaphore_mem>>
      %dma_start3A = arith.constant 0 : i32
      %dma_start3A_17 = tpu.memref_slice %arg5[%add3A, %dma_start3A] : memref<32x10000xf32, #tpu.memory_space<hbm>> -> memref<1x10000xf32, #tpu.memory_space<hbm>>
      %dma_start3A_18 = tpu.memref_squeeze %dma_start3A_17 : memref<1x10000xf32, #tpu.memory_space<hbm>> -> memref<10000xf32, #tpu.memory_space<hbm>>
      %dma_start3A_19 = arith.constant 0 : i32
      %dma_start3A_20 = tpu.memref_slice %arg5[%add3A, %dma_start3A_19] : memref<32x10000xf32, #tpu.memory_space<hbm>> -> memref<1x10000xf32, #tpu.memory_space<hbm>>
      %dma_start3A_21 = tpu.memref_squeeze %dma_start3A_20 : memref<1x10000xf32, #tpu.memory_space<hbm>> -> memref<10000xf32, #tpu.memory_space<hbm>>
      tpu.enqueue_dma source(%arg9 : memref<10000xf32, #tpu.memory_space<vmem>>) target(%dma_start3A_21 : memref<10000xf32, #tpu.memory_space<hbm>>) target_semaphore(%run_scoped3A : memref<!tpu.dma_semaphore, #tpu.memory_space<semaphore_mem>>)
      %dma_wait3A = arith.constant 0 : i32
      %dma_wait3A_22 = tpu.memref_slice %arg5[%add3A, %dma_wait3A] : memref<32x10000xf32, #tpu.memory_space<hbm>> -> memref<1x10000xf32, #tpu.memory_space<hbm>>
      %dma_wait3A_23 = tpu.memref_squeeze %dma_wait3A_22 : memref<1x10000xf32, #tpu.memory_space<hbm>> -> memref<10000xf32, #tpu.memory_space<hbm>>
      %dma_wait3A_24 = arith.constant 0 : i32
      %dma_wait3A_25 = tpu.memref_slice %arg5[%add3A, %dma_wait3A_24] : memref<32x10000xf32, #tpu.memory_space<hbm>> -> memref<1x10000xf32, #tpu.memory_space<hbm>>
      %dma_wait3A_26 = tpu.memref_squeeze %dma_wait3A_25 : memref<1x10000xf32, #tpu.memory_space<hbm>> -> memref<10000xf32, #tpu.memory_space<hbm>>
      tpu.wait_dma2 semaphore(%run_scoped3A : memref<!tpu.dma_semaphore, #tpu.memory_space<semaphore_mem>>) src(%arg9 : memref<10000xf32, #tpu.memory_space<vmem>>) dst(%dma_wait3A_26 : memref<10000xf32, #tpu.memory_space<hbm>>)
      tpu.yield
    }) : () -> ()
    return
  }
}

#map = affine_map<(d0, d1) -> (0, 0)>
#map1 = affine_map<(d0, d1) -> (0)>
#map2 = affine_map<(d0, d1) -> (0, 0, 0)>
module attributes {stable_mosaic.version = 14 : i64} {
  func.func @_agg_kernel(%arg0: i32, %arg1: i32, %arg2: memref<10000x128xf32, #tpu.memory_space<hbm>>, %arg3: memref<320000xi32, #tpu.memory_space<hbm>>, %arg4: memref<32x625x16xi32, #tpu.memory_space<hbm>>, %arg5: memref<640x128xf32, #tpu.memory_space<hbm>>, %arg6: memref<2x10240x128xf32, #tpu.memory_space<hbm>>, %arg7: memref<10000xi32, #tpu.memory_space<vmem>>, %arg8: memref<625x16xi32, #tpu.memory_space<vmem>>, %arg9: memref<5x16x128xf32, #tpu.memory_space<vmem>>, %arg10: memref<10240x128xf32, #tpu.memory_space<vmem_shared>>, %arg11: memref<!tpu.dma_semaphore, #tpu.memory_space<semaphore_mem>>, %arg12: memref<!tpu.dma_semaphore, #tpu.memory_space<semaphore_mem>>, %arg13: memref<!tpu.dma_semaphore, #tpu.memory_space<semaphore_mem>>, %arg14: memref<!tpu.dma_semaphore, #tpu.memory_space<semaphore_mem>>, %arg15: memref<!tpu.dma_semaphore, #tpu.memory_space<semaphore_mem>>, %arg16: memref<!tpu.dma_semaphore, #tpu.memory_space<semaphore_mem>>, %arg17: memref<!tpu.dma_semaphore, #tpu.memory_space<semaphore_mem>>, %arg18: memref<!tpu.dma_semaphore, #tpu.memory_space<semaphore_mem>>, %arg19: memref<!tpu.dma_semaphore, #tpu.memory_space<semaphore_mem>>, %arg20: memref<!tpu.dma_semaphore, #tpu.memory_space<semaphore_mem>>) attributes {dimension_semantics = [#tpu.dimension_semantics<core_parallel>, #tpu.dimension_semantics<subcore_parallel>], iteration_bounds = array<i64: 2, 16>, scalar_prefetch = 0 : i64, scratch_operands = 14 : i64, tpu.core_type = #tpu.core_type<sc_vector_subcore>, window_params = [{transform_indices = #map}, {transform_indices = #map1}, {transform_indices = #map2}, {transform_indices = #map}, {transform_indices = #map2}]} {
    %mul3A = arith.constant 16 : i32
    %mul3A_0 = arith.muli %arg0, %mul3A : i32
    %add3A = arith.addi %mul3A_0, %arg1 : i32
    %mul3A_1 = arith.constant 10000 : i32
    %mul3A_2 = arith.muli %add3A, %mul3A_1 : i32
    "tpu.region"() ({
      %run_scoped3A = tpu.sem_alloc : memref<!tpu.dma_semaphore, #tpu.memory_space<semaphore_mem>>
      %dma_start3A_232 = tpu.memref_slice %arg3[%mul3A_2] : memref<320000xi32, #tpu.memory_space<hbm>> -> memref<10000xi32, #tpu.memory_space<hbm>>
      %dma_start3A_233 = tpu.memref_slice %arg3[%mul3A_2] : memref<320000xi32, #tpu.memory_space<hbm>> -> memref<10000xi32, #tpu.memory_space<hbm>>
      tpu.enqueue_dma source(%dma_start3A_233 : memref<10000xi32, #tpu.memory_space<hbm>>) target(%arg7 : memref<10000xi32, #tpu.memory_space<vmem>>) target_semaphore(%run_scoped3A : memref<!tpu.dma_semaphore, #tpu.memory_space<semaphore_mem>>)
      %dma_wait3A_234 = tpu.memref_slice %arg3[%mul3A_2] : memref<320000xi32, #tpu.memory_space<hbm>> -> memref<10000xi32, #tpu.memory_space<hbm>>
      %dma_wait3A_235 = tpu.memref_slice %arg3[%mul3A_2] : memref<320000xi32, #tpu.memory_space<hbm>> -> memref<10000xi32, #tpu.memory_space<hbm>>
      tpu.wait_dma2 semaphore(%run_scoped3A : memref<!tpu.dma_semaphore, #tpu.memory_space<semaphore_mem>>) src(%dma_wait3A_235 : memref<10000xi32, #tpu.memory_space<hbm>>) dst(%arg7 : memref<10000xi32, #tpu.memory_space<vmem>>)
      tpu.yield
    }) : () -> ()
    "tpu.region"() ({
      %run_scoped3A = tpu.sem_alloc : memref<!tpu.dma_semaphore, #tpu.memory_space<semaphore_mem>>
      %dma_start3A_232 = arith.constant 0 : i32
      %dma_start3A_233 = arith.constant 0 : i32
      %dma_start3A_234 = tpu.memref_slice %arg4[%add3A, %dma_start3A_232, %dma_start3A_233] : memref<32x625x16xi32, #tpu.memory_space<hbm>> -> memref<1x625x16xi32, #tpu.memory_space<hbm>>
      %dma_start3A_235 = tpu.memref_squeeze %dma_start3A_234 : memref<1x625x16xi32, #tpu.memory_space<hbm>> -> memref<625x16xi32, #tpu.memory_space<hbm>>
      %dma_start3A_236 = arith.constant 0 : i32
      %dma_start3A_237 = arith.constant 0 : i32
      %dma_start3A_238 = tpu.memref_slice %arg4[%add3A, %dma_start3A_236, %dma_start3A_237] : memref<32x625x16xi32, #tpu.memory_space<hbm>> -> memref<1x625x16xi32, #tpu.memory_space<hbm>>
      %dma_start3A_239 = tpu.memref_squeeze %dma_start3A_238 : memref<1x625x16xi32, #tpu.memory_space<hbm>> -> memref<625x16xi32, #tpu.memory_space<hbm>>
      tpu.enqueue_dma source(%dma_start3A_239 : memref<625x16xi32, #tpu.memory_space<hbm>>) target(%arg8 : memref<625x16xi32, #tpu.memory_space<vmem>>) target_semaphore(%run_scoped3A : memref<!tpu.dma_semaphore, #tpu.memory_space<semaphore_mem>>)
      %dma_wait3A_240 = arith.constant 0 : i32
      %dma_wait3A_241 = arith.constant 0 : i32
      %dma_wait3A_242 = tpu.memref_slice %arg4[%add3A, %dma_wait3A_240, %dma_wait3A_241] : memref<32x625x16xi32, #tpu.memory_space<hbm>> -> memref<1x625x16xi32, #tpu.memory_space<hbm>>
      %dma_wait3A_243 = tpu.memref_squeeze %dma_wait3A_242 : memref<1x625x16xi32, #tpu.memory_space<hbm>> -> memref<625x16xi32, #tpu.memory_space<hbm>>
      %dma_wait3A_244 = arith.constant 0 : i32
      %dma_wait3A_245 = arith.constant 0 : i32
      %dma_wait3A_246 = tpu.memref_slice %arg4[%add3A, %dma_wait3A_244, %dma_wait3A_245] : memref<32x625x16xi32, #tpu.memory_space<hbm>> -> memref<1x625x16xi32, #tpu.memory_space<hbm>>
      %dma_wait3A_247 = tpu.memref_squeeze %dma_wait3A_246 : memref<1x625x16xi32, #tpu.memory_space<hbm>> -> memref<625x16xi32, #tpu.memory_space<hbm>>
      tpu.wait_dma2 semaphore(%run_scoped3A : memref<!tpu.dma_semaphore, #tpu.memory_space<semaphore_mem>>) src(%dma_wait3A_247 : memref<625x16xi32, #tpu.memory_space<hbm>>) dst(%arg8 : memref<625x16xi32, #tpu.memory_space<vmem>>)
      tpu.yield
    }) : () -> ()
    %mul3A_3 = arith.constant 640 : i32
    %mul3A_4 = arith.muli %arg1, %mul3A_3 : i32
    "tpu.region"() ({
      %run_scoped3A = tpu.sem_alloc : memref<!tpu.dma_semaphore, #tpu.memory_space<semaphore_mem>>
      %dma_start3A_232 = arith.constant 0 : i32
      %dma_start3A_233 = tpu.memref_slice %arg10[%mul3A_4, %dma_start3A_232] : memref<10240x128xf32, #tpu.memory_space<vmem_shared>> -> memref<640x128xf32, #tpu.memory_space<vmem_shared>>
      tpu.enqueue_dma source(%arg5 : memref<640x128xf32, #tpu.memory_space<hbm>>) target(%dma_start3A_233 : memref<640x128xf32, #tpu.memory_space<vmem_shared>>) target_semaphore(%run_scoped3A : memref<!tpu.dma_semaphore, #tpu.memory_space<semaphore_mem>>)
      %dma_wait3A_234 = arith.constant 0 : i32
      %dma_wait3A_235 = tpu.memref_slice %arg10[%mul3A_4, %dma_wait3A_234] : memref<10240x128xf32, #tpu.memory_space<vmem_shared>> -> memref<640x128xf32, #tpu.memory_space<vmem_shared>>
      tpu.wait_dma2 semaphore(%run_scoped3A : memref<!tpu.dma_semaphore, #tpu.memory_space<semaphore_mem>>) src(%arg5 : memref<640x128xf32, #tpu.memory_space<hbm>>) dst(%dma_wait3A_235 : memref<640x128xf32, #tpu.memory_space<vmem_shared>>)
      tpu.yield
    }) : () -> ()
    %barrier3A = arith.constant 0 : index
    tpu.barrier barrier_id(%barrier3A)
    %dma_start3A = arith.constant 0 : i32
    %dma_start3A_5 = arith.constant 0 : i32
    %dma_start3A_6 = arith.constant 0 : i32
    %dma_start3A_7 = tpu.memref_slice %arg9[%dma_start3A, %dma_start3A_5, %dma_start3A_6] : memref<5x16x128xf32, #tpu.memory_space<vmem>> -> memref<1x16x128xf32, #tpu.memory_space<vmem>>
    %dma_start3A_8 = tpu.memref_squeeze %dma_start3A_7 : memref<1x16x128xf32, #tpu.memory_space<vmem>> -> memref<16x128xf32, #tpu.memory_space<vmem>>
    %dma_start3A_9 = arith.constant 0 : i32
    %dma_start3A_10 = tpu.memref_slice %arg7[%dma_start3A_9] : memref<10000xi32, #tpu.memory_space<vmem>> -> memref<16xi32, #tpu.memory_space<vmem>>
    %dma_start3A_11 = arith.constant 0 : i32
    %dma_start3A_12 = arith.constant 0 : i32
    %dma_start3A_13 = tpu.memref_slice %arg2[%dma_start3A_11, %dma_start3A_12] : memref<10000x128xf32, #tpu.memory_space<hbm>> -> memref<10000x128xf32, #tpu.memory_space<hbm>>
    tpu.enqueue_indirect_dma source(%dma_start3A_13 : memref<10000x128xf32, #tpu.memory_space<hbm>>) target(%dma_start3A_8 : memref<16x128xf32, #tpu.memory_space<vmem>>) offsets(%dma_start3A_10 : memref<16xi32, #tpu.memory_space<vmem>>) semaphore(%arg11 : memref<!tpu.dma_semaphore, #tpu.memory_space<semaphore_mem>>)
    %dma_start3A_14 = arith.constant 1 : i32
    %dma_start3A_15 = arith.constant 0 : i32
    %dma_start3A_16 = arith.constant 0 : i32
    %dma_start3A_17 = tpu.memref_slice %arg9[%dma_start3A_14, %dma_start3A_15, %dma_start3A_16] : memref<5x16x128xf32, #tpu.memory_space<vmem>> -> memref<1x16x128xf32, #tpu.memory_space<vmem>>
    %dma_start3A_18 = tpu.memref_squeeze %dma_start3A_17 : memref<1x16x128xf32, #tpu.memory_space<vmem>> -> memref<16x128xf32, #tpu.memory_space<vmem>>
    %dma_start3A_19 = arith.constant 16 : i32
    %dma_start3A_20 = tpu.memref_slice %arg7[%dma_start3A_19] : memref<10000xi32, #tpu.memory_space<vmem>> -> memref<16xi32, #tpu.memory_space<vmem>>
    %dma_start3A_21 = arith.constant 0 : i32
    %dma_start3A_22 = arith.constant 0 : i32
    %dma_start3A_23 = tpu.memref_slice %arg2[%dma_start3A_21, %dma_start3A_22] : memref<10000x128xf32, #tpu.memory_space<hbm>> -> memref<10000x128xf32, #tpu.memory_space<hbm>>
    tpu.enqueue_indirect_dma source(%dma_start3A_23 : memref<10000x128xf32, #tpu.memory_space<hbm>>) target(%dma_start3A_18 : memref<16x128xf32, #tpu.memory_space<vmem>>) offsets(%dma_start3A_20 : memref<16xi32, #tpu.memory_space<vmem>>) semaphore(%arg12 : memref<!tpu.dma_semaphore, #tpu.memory_space<semaphore_mem>>)
    %dma_start3A_24 = arith.constant 2 : i32
    %dma_start3A_25 = arith.constant 0 : i32
    %dma_start3A_26 = arith.constant 0 : i32
    %dma_start3A_27 = tpu.memref_slice %arg9[%dma_start3A_24, %dma_start3A_25, %dma_start3A_26] : memref<5x16x128xf32, #tpu.memory_space<vmem>> -> memref<1x16x128xf32, #tpu.memory_space<vmem>>
    %dma_start3A_28 = tpu.memref_squeeze %dma_start3A_27 : memref<1x16x128xf32, #tpu.memory_space<vmem>> -> memref<16x128xf32, #tpu.memory_space<vmem>>
    %dma_start3A_29 = arith.constant 32 : i32
    %dma_start3A_30 = tpu.memref_slice %arg7[%dma_start3A_29] : memref<10000xi32, #tpu.memory_space<vmem>> -> memref<16xi32, #tpu.memory_space<vmem>>
    %dma_start3A_31 = arith.constant 0 : i32
    %dma_start3A_32 = arith.constant 0 : i32
    %dma_start3A_33 = tpu.memref_slice %arg2[%dma_start3A_31, %dma_start3A_32] : memref<10000x128xf32, #tpu.memory_space<hbm>> -> memref<10000x128xf32, #tpu.memory_space<hbm>>
    tpu.enqueue_indirect_dma source(%dma_start3A_33 : memref<10000x128xf32, #tpu.memory_space<hbm>>) target(%dma_start3A_28 : memref<16x128xf32, #tpu.memory_space<vmem>>) offsets(%dma_start3A_30 : memref<16xi32, #tpu.memory_space<vmem>>) semaphore(%arg13 : memref<!tpu.dma_semaphore, #tpu.memory_space<semaphore_mem>>)
    %dma_start3A_34 = arith.constant 3 : i32
    %dma_start3A_35 = arith.constant 0 : i32
    %dma_start3A_36 = arith.constant 0 : i32
    %dma_start3A_37 = tpu.memref_slice %arg9[%dma_start3A_34, %dma_start3A_35, %dma_start3A_36] : memref<5x16x128xf32, #tpu.memory_space<vmem>> -> memref<1x16x128xf32, #tpu.memory_space<vmem>>
    %dma_start3A_38 = tpu.memref_squeeze %dma_start3A_37 : memref<1x16x128xf32, #tpu.memory_space<vmem>> -> memref<16x128xf32, #tpu.memory_space<vmem>>
    %dma_start3A_39 = arith.constant 48 : i32
    %dma_start3A_40 = tpu.memref_slice %arg7[%dma_start3A_39] : memref<10000xi32, #tpu.memory_space<vmem>> -> memref<16xi32, #tpu.memory_space<vmem>>
    %dma_start3A_41 = arith.constant 0 : i32
    %dma_start3A_42 = arith.constant 0 : i32
    %dma_start3A_43 = tpu.memref_slice %arg2[%dma_start3A_41, %dma_start3A_42] : memref<10000x128xf32, #tpu.memory_space<hbm>> -> memref<10000x128xf32, #tpu.memory_space<hbm>>
    tpu.enqueue_indirect_dma source(%dma_start3A_43 : memref<10000x128xf32, #tpu.memory_space<hbm>>) target(%dma_start3A_38 : memref<16x128xf32, #tpu.memory_space<vmem>>) offsets(%dma_start3A_40 : memref<16xi32, #tpu.memory_space<vmem>>) semaphore(%arg14 : memref<!tpu.dma_semaphore, #tpu.memory_space<semaphore_mem>>)
    %dma_start3A_44 = arith.constant 4 : i32
    %dma_start3A_45 = arith.constant 0 : i32
    %dma_start3A_46 = arith.constant 0 : i32
    %dma_start3A_47 = tpu.memref_slice %arg9[%dma_start3A_44, %dma_start3A_45, %dma_start3A_46] : memref<5x16x128xf32, #tpu.memory_space<vmem>> -> memref<1x16x128xf32, #tpu.memory_space<vmem>>
    %dma_start3A_48 = tpu.memref_squeeze %dma_start3A_47 : memref<1x16x128xf32, #tpu.memory_space<vmem>> -> memref<16x128xf32, #tpu.memory_space<vmem>>
    %dma_start3A_49 = arith.constant 64 : i32
    %dma_start3A_50 = tpu.memref_slice %arg7[%dma_start3A_49] : memref<10000xi32, #tpu.memory_space<vmem>> -> memref<16xi32, #tpu.memory_space<vmem>>
    %dma_start3A_51 = arith.constant 0 : i32
    %dma_start3A_52 = arith.constant 0 : i32
    %dma_start3A_53 = tpu.memref_slice %arg2[%dma_start3A_51, %dma_start3A_52] : memref<10000x128xf32, #tpu.memory_space<hbm>> -> memref<10000x128xf32, #tpu.memory_space<hbm>>
    tpu.enqueue_indirect_dma source(%dma_start3A_53 : memref<10000x128xf32, #tpu.memory_space<hbm>>) target(%dma_start3A_48 : memref<16x128xf32, #tpu.memory_space<vmem>>) offsets(%dma_start3A_50 : memref<16xi32, #tpu.memory_space<vmem>>) semaphore(%arg15 : memref<!tpu.dma_semaphore, #tpu.memory_space<semaphore_mem>>)
    %scan3A = arith.constant 0 : i32
    %scan3A_54 = arith.constant 124 : i32
    %scan3A_55 = arith.addi %scan3A, %scan3A_54 : i32
    %scan3A_56 = arith.constant 1 : i32
    scf.for %scan3A_232 = %scan3A to %scan3A_55 step %scan3A_56  : i32 {
      %mul3A_233 = arith.constant 1 : i32
      %mul3A_234 = arith.muli %scan3A_232, %mul3A_233 : i32
      %add3A_235 = arith.constant 0 : i32
      %add3A_236 = arith.addi %add3A_235, %mul3A_234 : i32
      %mul3A_237 = arith.constant 5 : i32
      %mul3A_238 = arith.muli %add3A_236, %mul3A_237 : i32
      %add3A_239 = arith.constant 0 : i32
      %add3A_240 = arith.addi %mul3A_238, %add3A_239 : i32
      %mul3A_241 = arith.constant 16 : i32
      %mul3A_242 = arith.muli %add3A_240, %mul3A_241 : i32
      %dma_wait3A_243 = arith.constant 0 : i32
      %dma_wait3A_244 = arith.constant 0 : i32
      %dma_wait3A_245 = arith.constant 0 : i32
      %dma_wait3A_246 = tpu.memref_slice %arg9[%dma_wait3A_243, %dma_wait3A_244, %dma_wait3A_245] : memref<5x16x128xf32, #tpu.memory_space<vmem>> -> memref<1x16x128xf32, #tpu.memory_space<vmem>>
      %dma_wait3A_247 = tpu.memref_squeeze %dma_wait3A_246 : memref<1x16x128xf32, #tpu.memory_space<vmem>> -> memref<16x128xf32, #tpu.memory_space<vmem>>
      %dma_wait3A_248 = tpu.memref_slice %arg7[%mul3A_242] : memref<10000xi32, #tpu.memory_space<vmem>> -> memref<16xi32, #tpu.memory_space<vmem>>
      %dma_wait3A_249 = arith.constant 0 : i32
      %dma_wait3A_250 = arith.constant 0 : i32
      %dma_wait3A_251 = tpu.memref_slice %arg2[%dma_wait3A_249, %dma_wait3A_250] : memref<10000x128xf32, #tpu.memory_space<hbm>> -> memref<10000x128xf32, #tpu.memory_space<hbm>>
      tpu.wait_indirect_dma semaphore(%arg11 : memref<!tpu.dma_semaphore, #tpu.memory_space<semaphore_mem>>) src(%dma_wait3A_251 : memref<10000x128xf32, #tpu.memory_space<hbm>>) dst(%dma_wait3A_247 : memref<16x128xf32, #tpu.memory_space<vmem>>)
      %add3A_252 = arith.constant 0 : i32
      %add3A_253 = arith.addi %mul3A_238, %add3A_252 : i32
      %dma_start3A_254 = arith.constant 0 : i32
      %dma_start3A_255 = arith.constant 0 : i32
      %dma_start3A_256 = arith.constant 0 : i32
      %dma_start3A_257 = tpu.memref_slice %arg9[%dma_start3A_254, %dma_start3A_255, %dma_start3A_256] : memref<5x16x128xf32, #tpu.memory_space<vmem>> -> memref<1x16x128xf32, #tpu.memory_space<vmem>>
      %dma_start3A_258 = tpu.memref_squeeze %dma_start3A_257 : memref<1x16x128xf32, #tpu.memory_space<vmem>> -> memref<16x128xf32, #tpu.memory_space<vmem>>
      %dma_start3A_259 = arith.constant 0 : i32
      %dma_start3A_260 = tpu.memref_slice %arg8[%add3A_253, %dma_start3A_259] : memref<625x16xi32, #tpu.memory_space<vmem>> -> memref<1x16xi32, #tpu.memory_space<vmem>>
      %dma_start3A_261 = tpu.memref_squeeze %dma_start3A_260 : memref<1x16xi32, #tpu.memory_space<vmem>> -> memref<16xi32, #tpu.memory_space<vmem>>
      %dma_start3A_262 = arith.constant 0 : i32
      %dma_start3A_263 = arith.constant 0 : i32
      %dma_start3A_264 = tpu.memref_slice %arg10[%dma_start3A_262, %dma_start3A_263] : memref<10240x128xf32, #tpu.memory_space<vmem_shared>> -> memref<10240x128xf32, #tpu.memory_space<vmem_shared>>
      tpu.enqueue_indirect_dma source(%dma_start3A_258 : memref<16x128xf32, #tpu.memory_space<vmem>>) target(%dma_start3A_264 : memref<10240x128xf32, #tpu.memory_space<vmem_shared>>) offsets(%dma_start3A_261 : memref<16xi32, #tpu.memory_space<vmem>>) semaphore(%arg16 : memref<!tpu.dma_semaphore, #tpu.memory_space<semaphore_mem>>) {add = true}
      %add3A_265 = arith.constant 1 : i32
      %add3A_266 = arith.addi %mul3A_238, %add3A_265 : i32
      %mul3A_267 = arith.constant 16 : i32
      %mul3A_268 = arith.muli %add3A_266, %mul3A_267 : i32
      %dma_wait3A_269 = arith.constant 1 : i32
      %dma_wait3A_270 = arith.constant 0 : i32
      %dma_wait3A_271 = arith.constant 0 : i32
      %dma_wait3A_272 = tpu.memref_slice %arg9[%dma_wait3A_269, %dma_wait3A_270, %dma_wait3A_271] : memref<5x16x128xf32, #tpu.memory_space<vmem>> -> memref<1x16x128xf32, #tpu.memory_space<vmem>>
      %dma_wait3A_273 = tpu.memref_squeeze %dma_wait3A_272 : memref<1x16x128xf32, #tpu.memory_space<vmem>> -> memref<16x128xf32, #tpu.memory_space<vmem>>
      %dma_wait3A_274 = tpu.memref_slice %arg7[%mul3A_268] : memref<10000xi32, #tpu.memory_space<vmem>> -> memref<16xi32, #tpu.memory_space<vmem>>
      %dma_wait3A_275 = arith.constant 0 : i32
      %dma_wait3A_276 = arith.constant 0 : i32
      %dma_wait3A_277 = tpu.memref_slice %arg2[%dma_wait3A_275, %dma_wait3A_276] : memref<10000x128xf32, #tpu.memory_space<hbm>> -> memref<10000x128xf32, #tpu.memory_space<hbm>>
      tpu.wait_indirect_dma semaphore(%arg12 : memref<!tpu.dma_semaphore, #tpu.memory_space<semaphore_mem>>) src(%dma_wait3A_277 : memref<10000x128xf32, #tpu.memory_space<hbm>>) dst(%dma_wait3A_273 : memref<16x128xf32, #tpu.memory_space<vmem>>)
      %add3A_278 = arith.constant 1 : i32
      %add3A_279 = arith.addi %mul3A_238, %add3A_278 : i32
      %dma_start3A_280 = arith.constant 1 : i32
      %dma_start3A_281 = arith.constant 0 : i32
      %dma_start3A_282 = arith.constant 0 : i32
      %dma_start3A_283 = tpu.memref_slice %arg9[%dma_start3A_280, %dma_start3A_281, %dma_start3A_282] : memref<5x16x128xf32, #tpu.memory_space<vmem>> -> memref<1x16x128xf32, #tpu.memory_space<vmem>>
      %dma_start3A_284 = tpu.memref_squeeze %dma_start3A_283 : memref<1x16x128xf32, #tpu.memory_space<vmem>> -> memref<16x128xf32, #tpu.memory_space<vmem>>
      %dma_start3A_285 = arith.constant 0 : i32
      %dma_start3A_286 = tpu.memref_slice %arg8[%add3A_279, %dma_start3A_285] : memref<625x16xi32, #tpu.memory_space<vmem>> -> memref<1x16xi32, #tpu.memory_space<vmem>>
      %dma_start3A_287 = tpu.memref_squeeze %dma_start3A_286 : memref<1x16xi32, #tpu.memory_space<vmem>> -> memref<16xi32, #tpu.memory_space<vmem>>
      %dma_start3A_288 = arith.constant 0 : i32
      %dma_start3A_289 = arith.constant 0 : i32
      %dma_start3A_290 = tpu.memref_slice %arg10[%dma_start3A_288, %dma_start3A_289] : memref<10240x128xf32, #tpu.memory_space<vmem_shared>> -> memref<10240x128xf32, #tpu.memory_space<vmem_shared>>
      tpu.enqueue_indirect_dma source(%dma_start3A_284 : memref<16x128xf32, #tpu.memory_space<vmem>>) target(%dma_start3A_290 : memref<10240x128xf32, #tpu.memory_space<vmem_shared>>) offsets(%dma_start3A_287 : memref<16xi32, #tpu.memory_space<vmem>>) semaphore(%arg17 : memref<!tpu.dma_semaphore, #tpu.memory_space<semaphore_mem>>) {add = true}
      %add3A_291 = arith.constant 2 : i32
      %add3A_292 = arith.addi %mul3A_238, %add3A_291 : i32
      %mul3A_293 = arith.constant 16 : i32
      %mul3A_294 = arith.muli %add3A_292, %mul3A_293 : i32
      %dma_wait3A_295 = arith.constant 2 : i32
      %dma_wait3A_296 = arith.constant 0 : i32
      %dma_wait3A_297 = arith.constant 0 : i32
      %dma_wait3A_298 = tpu.memref_slice %arg9[%dma_wait3A_295, %dma_wait3A_296, %dma_wait3A_297] : memref<5x16x128xf32, #tpu.memory_space<vmem>> -> memref<1x16x128xf32, #tpu.memory_space<vmem>>
      %dma_wait3A_299 = tpu.memref_squeeze %dma_wait3A_298 : memref<1x16x128xf32, #tpu.memory_space<vmem>> -> memref<16x128xf32, #tpu.memory_space<vmem>>
      %dma_wait3A_300 = tpu.memref_slice %arg7[%mul3A_294] : memref<10000xi32, #tpu.memory_space<vmem>> -> memref<16xi32, #tpu.memory_space<vmem>>
      %dma_wait3A_301 = arith.constant 0 : i32
      %dma_wait3A_302 = arith.constant 0 : i32
      %dma_wait3A_303 = tpu.memref_slice %arg2[%dma_wait3A_301, %dma_wait3A_302] : memref<10000x128xf32, #tpu.memory_space<hbm>> -> memref<10000x128xf32, #tpu.memory_space<hbm>>
      tpu.wait_indirect_dma semaphore(%arg13 : memref<!tpu.dma_semaphore, #tpu.memory_space<semaphore_mem>>) src(%dma_wait3A_303 : memref<10000x128xf32, #tpu.memory_space<hbm>>) dst(%dma_wait3A_299 : memref<16x128xf32, #tpu.memory_space<vmem>>)
      %add3A_304 = arith.constant 2 : i32
      %add3A_305 = arith.addi %mul3A_238, %add3A_304 : i32
      %dma_start3A_306 = arith.constant 2 : i32
      %dma_start3A_307 = arith.constant 0 : i32
      %dma_start3A_308 = arith.constant 0 : i32
      %dma_start3A_309 = tpu.memref_slice %arg9[%dma_start3A_306, %dma_start3A_307, %dma_start3A_308] : memref<5x16x128xf32, #tpu.memory_space<vmem>> -> memref<1x16x128xf32, #tpu.memory_space<vmem>>
      %dma_start3A_310 = tpu.memref_squeeze %dma_start3A_309 : memref<1x16x128xf32, #tpu.memory_space<vmem>> -> memref<16x128xf32, #tpu.memory_space<vmem>>
      %dma_start3A_311 = arith.constant 0 : i32
      %dma_start3A_312 = tpu.memref_slice %arg8[%add3A_305, %dma_start3A_311] : memref<625x16xi32, #tpu.memory_space<vmem>> -> memref<1x16xi32, #tpu.memory_space<vmem>>
      %dma_start3A_313 = tpu.memref_squeeze %dma_start3A_312 : memref<1x16xi32, #tpu.memory_space<vmem>> -> memref<16xi32, #tpu.memory_space<vmem>>
      %dma_start3A_314 = arith.constant 0 : i32
      %dma_start3A_315 = arith.constant 0 : i32
      %dma_start3A_316 = tpu.memref_slice %arg10[%dma_start3A_314, %dma_start3A_315] : memref<10240x128xf32, #tpu.memory_space<vmem_shared>> -> memref<10240x128xf32, #tpu.memory_space<vmem_shared>>
      tpu.enqueue_indirect_dma source(%dma_start3A_310 : memref<16x128xf32, #tpu.memory_space<vmem>>) target(%dma_start3A_316 : memref<10240x128xf32, #tpu.memory_space<vmem_shared>>) offsets(%dma_start3A_313 : memref<16xi32, #tpu.memory_space<vmem>>) semaphore(%arg18 : memref<!tpu.dma_semaphore, #tpu.memory_space<semaphore_mem>>) {add = true}
      %add3A_317 = arith.constant 3 : i32
      %add3A_318 = arith.addi %mul3A_238, %add3A_317 : i32
      %mul3A_319 = arith.constant 16 : i32
      %mul3A_320 = arith.muli %add3A_318, %mul3A_319 : i32
      %dma_wait3A_321 = arith.constant 3 : i32
      %dma_wait3A_322 = arith.constant 0 : i32
      %dma_wait3A_323 = arith.constant 0 : i32
      %dma_wait3A_324 = tpu.memref_slice %arg9[%dma_wait3A_321, %dma_wait3A_322, %dma_wait3A_323] : memref<5x16x128xf32, #tpu.memory_space<vmem>> -> memref<1x16x128xf32, #tpu.memory_space<vmem>>
      %dma_wait3A_325 = tpu.memref_squeeze %dma_wait3A_324 : memref<1x16x128xf32, #tpu.memory_space<vmem>> -> memref<16x128xf32, #tpu.memory_space<vmem>>
      %dma_wait3A_326 = tpu.memref_slice %arg7[%mul3A_320] : memref<10000xi32, #tpu.memory_space<vmem>> -> memref<16xi32, #tpu.memory_space<vmem>>
      %dma_wait3A_327 = arith.constant 0 : i32
      %dma_wait3A_328 = arith.constant 0 : i32
      %dma_wait3A_329 = tpu.memref_slice %arg2[%dma_wait3A_327, %dma_wait3A_328] : memref<10000x128xf32, #tpu.memory_space<hbm>> -> memref<10000x128xf32, #tpu.memory_space<hbm>>
      tpu.wait_indirect_dma semaphore(%arg14 : memref<!tpu.dma_semaphore, #tpu.memory_space<semaphore_mem>>) src(%dma_wait3A_329 : memref<10000x128xf32, #tpu.memory_space<hbm>>) dst(%dma_wait3A_325 : memref<16x128xf32, #tpu.memory_space<vmem>>)
      %add3A_330 = arith.constant 3 : i32
      %add3A_331 = arith.addi %mul3A_238, %add3A_330 : i32
      %dma_start3A_332 = arith.constant 3 : i32
      %dma_start3A_333 = arith.constant 0 : i32
      %dma_start3A_334 = arith.constant 0 : i32
      %dma_start3A_335 = tpu.memref_slice %arg9[%dma_start3A_332, %dma_start3A_333, %dma_start3A_334] : memref<5x16x128xf32, #tpu.memory_space<vmem>> -> memref<1x16x128xf32, #tpu.memory_space<vmem>>
      %dma_start3A_336 = tpu.memref_squeeze %dma_start3A_335 : memref<1x16x128xf32, #tpu.memory_space<vmem>> -> memref<16x128xf32, #tpu.memory_space<vmem>>
      %dma_start3A_337 = arith.constant 0 : i32
      %dma_start3A_338 = tpu.memref_slice %arg8[%add3A_331, %dma_start3A_337] : memref<625x16xi32, #tpu.memory_space<vmem>> -> memref<1x16xi32, #tpu.memory_space<vmem>>
      %dma_start3A_339 = tpu.memref_squeeze %dma_start3A_338 : memref<1x16xi32, #tpu.memory_space<vmem>> -> memref<16xi32, #tpu.memory_space<vmem>>
      %dma_start3A_340 = arith.constant 0 : i32
      %dma_start3A_341 = arith.constant 0 : i32
      %dma_start3A_342 = tpu.memref_slice %arg10[%dma_start3A_340, %dma_start3A_341] : memref<10240x128xf32, #tpu.memory_space<vmem_shared>> -> memref<10240x128xf32, #tpu.memory_space<vmem_shared>>
      tpu.enqueue_indirect_dma source(%dma_start3A_336 : memref<16x128xf32, #tpu.memory_space<vmem>>) target(%dma_start3A_342 : memref<10240x128xf32, #tpu.memory_space<vmem_shared>>) offsets(%dma_start3A_339 : memref<16xi32, #tpu.memory_space<vmem>>) semaphore(%arg19 : memref<!tpu.dma_semaphore, #tpu.memory_space<semaphore_mem>>) {add = true}
      %add3A_343 = arith.constant 4 : i32
      %add3A_344 = arith.addi %mul3A_238, %add3A_343 : i32
      %mul3A_345 = arith.constant 16 : i32
      %mul3A_346 = arith.muli %add3A_344, %mul3A_345 : i32
      %dma_wait3A_347 = arith.constant 4 : i32
      %dma_wait3A_348 = arith.constant 0 : i32
      %dma_wait3A_349 = arith.constant 0 : i32
      %dma_wait3A_350 = tpu.memref_slice %arg9[%dma_wait3A_347, %dma_wait3A_348, %dma_wait3A_349] : memref<5x16x128xf32, #tpu.memory_space<vmem>> -> memref<1x16x128xf32, #tpu.memory_space<vmem>>
      %dma_wait3A_351 = tpu.memref_squeeze %dma_wait3A_350 : memref<1x16x128xf32, #tpu.memory_space<vmem>> -> memref<16x128xf32, #tpu.memory_space<vmem>>
      %dma_wait3A_352 = tpu.memref_slice %arg7[%mul3A_346] : memref<10000xi32, #tpu.memory_space<vmem>> -> memref<16xi32, #tpu.memory_space<vmem>>
      %dma_wait3A_353 = arith.constant 0 : i32
      %dma_wait3A_354 = arith.constant 0 : i32
      %dma_wait3A_355 = tpu.memref_slice %arg2[%dma_wait3A_353, %dma_wait3A_354] : memref<10000x128xf32, #tpu.memory_space<hbm>> -> memref<10000x128xf32, #tpu.memory_space<hbm>>
      tpu.wait_indirect_dma semaphore(%arg15 : memref<!tpu.dma_semaphore, #tpu.memory_space<semaphore_mem>>) src(%dma_wait3A_355 : memref<10000x128xf32, #tpu.memory_space<hbm>>) dst(%dma_wait3A_351 : memref<16x128xf32, #tpu.memory_space<vmem>>)
      %add3A_356 = arith.constant 4 : i32
      %add3A_357 = arith.addi %mul3A_238, %add3A_356 : i32
      %dma_start3A_358 = arith.constant 4 : i32
      %dma_start3A_359 = arith.constant 0 : i32
      %dma_start3A_360 = arith.constant 0 : i32
      %dma_start3A_361 = tpu.memref_slice %arg9[%dma_start3A_358, %dma_start3A_359, %dma_start3A_360] : memref<5x16x128xf32, #tpu.memory_space<vmem>> -> memref<1x16x128xf32, #tpu.memory_space<vmem>>
      %dma_start3A_362 = tpu.memref_squeeze %dma_start3A_361 : memref<1x16x128xf32, #tpu.memory_space<vmem>> -> memref<16x128xf32, #tpu.memory_space<vmem>>
      %dma_start3A_363 = arith.constant 0 : i32
      %dma_start3A_364 = tpu.memref_slice %arg8[%add3A_357, %dma_start3A_363] : memref<625x16xi32, #tpu.memory_space<vmem>> -> memref<1x16xi32, #tpu.memory_space<vmem>>
      %dma_start3A_365 = tpu.memref_squeeze %dma_start3A_364 : memref<1x16xi32, #tpu.memory_space<vmem>> -> memref<16xi32, #tpu.memory_space<vmem>>
      %dma_start3A_366 = arith.constant 0 : i32
      %dma_start3A_367 = arith.constant 0 : i32
      %dma_start3A_368 = tpu.memref_slice %arg10[%dma_start3A_366, %dma_start3A_367] : memref<10240x128xf32, #tpu.memory_space<vmem_shared>> -> memref<10240x128xf32, #tpu.memory_space<vmem_shared>>
      tpu.enqueue_indirect_dma source(%dma_start3A_362 : memref<16x128xf32, #tpu.memory_space<vmem>>) target(%dma_start3A_368 : memref<10240x128xf32, #tpu.memory_space<vmem_shared>>) offsets(%dma_start3A_365 : memref<16xi32, #tpu.memory_space<vmem>>) semaphore(%arg20 : memref<!tpu.dma_semaphore, #tpu.memory_space<semaphore_mem>>) {add = true}
      %add3A_369 = arith.constant 0 : i32
      %add3A_370 = arith.addi %mul3A_238, %add3A_369 : i32
      %dma_wait3A_371 = arith.constant 0 : i32
      %dma_wait3A_372 = arith.constant 0 : i32
      %dma_wait3A_373 = arith.constant 0 : i32
      %dma_wait3A_374 = tpu.memref_slice %arg9[%dma_wait3A_371, %dma_wait3A_372, %dma_wait3A_373] : memref<5x16x128xf32, #tpu.memory_space<vmem>> -> memref<1x16x128xf32, #tpu.memory_space<vmem>>
      %dma_wait3A_375 = tpu.memref_squeeze %dma_wait3A_374 : memref<1x16x128xf32, #tpu.memory_space<vmem>> -> memref<16x128xf32, #tpu.memory_space<vmem>>
      %dma_wait3A_376 = arith.constant 0 : i32
      %dma_wait3A_377 = tpu.memref_slice %arg8[%add3A_370, %dma_wait3A_376] : memref<625x16xi32, #tpu.memory_space<vmem>> -> memref<1x16xi32, #tpu.memory_space<vmem>>
      %dma_wait3A_378 = tpu.memref_squeeze %dma_wait3A_377 : memref<1x16xi32, #tpu.memory_space<vmem>> -> memref<16xi32, #tpu.memory_space<vmem>>
      %dma_wait3A_379 = arith.constant 0 : i32
      %dma_wait3A_380 = arith.constant 0 : i32
      %dma_wait3A_381 = tpu.memref_slice %arg10[%dma_wait3A_379, %dma_wait3A_380] : memref<10240x128xf32, #tpu.memory_space<vmem_shared>> -> memref<10240x128xf32, #tpu.memory_space<vmem_shared>>
      tpu.wait_indirect_dma semaphore(%arg16 : memref<!tpu.dma_semaphore, #tpu.memory_space<semaphore_mem>>) src(%dma_wait3A_375 : memref<16x128xf32, #tpu.memory_space<vmem>>) dst(%dma_wait3A_381 : memref<10240x128xf32, #tpu.memory_space<vmem_shared>>)
      %add3A_382 = arith.constant 5 : i32
      %add3A_383 = arith.addi %mul3A_238, %add3A_382 : i32
      %add3A_384 = arith.constant 0 : i32
      %add3A_385 = arith.addi %add3A_383, %add3A_384 : i32
      %mul3A_386 = arith.constant 16 : i32
      %mul3A_387 = arith.muli %add3A_385, %mul3A_386 : i32
      %dma_start3A_388 = arith.constant 0 : i32
      %dma_start3A_389 = arith.constant 0 : i32
      %dma_start3A_390 = arith.constant 0 : i32
      %dma_start3A_391 = tpu.memref_slice %arg9[%dma_start3A_388, %dma_start3A_389, %dma_start3A_390] : memref<5x16x128xf32, #tpu.memory_space<vmem>> -> memref<1x16x128xf32, #tpu.memory_space<vmem>>
      %dma_start3A_392 = tpu.memref_squeeze %dma_start3A_391 : memref<1x16x128xf32, #tpu.memory_space<vmem>> -> memref<16x128xf32, #tpu.memory_space<vmem>>
      %dma_start3A_393 = tpu.memref_slice %arg7[%mul3A_387] : memref<10000xi32, #tpu.memory_space<vmem>> -> memref<16xi32, #tpu.memory_space<vmem>>
      %dma_start3A_394 = arith.constant 0 : i32
      %dma_start3A_395 = arith.constant 0 : i32
      %dma_start3A_396 = tpu.memref_slice %arg2[%dma_start3A_394, %dma_start3A_395] : memref<10000x128xf32, #tpu.memory_space<hbm>> -> memref<10000x128xf32, #tpu.memory_space<hbm>>
      tpu.enqueue_indirect_dma source(%dma_start3A_396 : memref<10000x128xf32, #tpu.memory_space<hbm>>) target(%dma_start3A_392 : memref<16x128xf32, #tpu.memory_space<vmem>>) offsets(%dma_start3A_393 : memref<16xi32, #tpu.memory_space<vmem>>) semaphore(%arg11 : memref<!tpu.dma_semaphore, #tpu.memory_space<semaphore_mem>>)
      %add3A_397 = arith.constant 1 : i32
      %add3A_398 = arith.addi %mul3A_238, %add3A_397 : i32
      %dma_wait3A_399 = arith.constant 1 : i32
      %dma_wait3A_400 = arith.constant 0 : i32
      %dma_wait3A_401 = arith.constant 0 : i32
      %dma_wait3A_402 = tpu.memref_slice %arg9[%dma_wait3A_399, %dma_wait3A_400, %dma_wait3A_401] : memref<5x16x128xf32, #tpu.memory_space<vmem>> -> memref<1x16x128xf32, #tpu.memory_space<vmem>>
      %dma_wait3A_403 = tpu.memref_squeeze %dma_wait3A_402 : memref<1x16x128xf32, #tpu.memory_space<vmem>> -> memref<16x128xf32, #tpu.memory_space<vmem>>
      %dma_wait3A_404 = arith.constant 0 : i32
      %dma_wait3A_405 = tpu.memref_slice %arg8[%add3A_398, %dma_wait3A_404] : memref<625x16xi32, #tpu.memory_space<vmem>> -> memref<1x16xi32, #tpu.memory_space<vmem>>
      %dma_wait3A_406 = tpu.memref_squeeze %dma_wait3A_405 : memref<1x16xi32, #tpu.memory_space<vmem>> -> memref<16xi32, #tpu.memory_space<vmem>>
      %dma_wait3A_407 = arith.constant 0 : i32
      %dma_wait3A_408 = arith.constant 0 : i32
      %dma_wait3A_409 = tpu.memref_slice %arg10[%dma_wait3A_407, %dma_wait3A_408] : memref<10240x128xf32, #tpu.memory_space<vmem_shared>> -> memref<10240x128xf32, #tpu.memory_space<vmem_shared>>
      tpu.wait_indirect_dma semaphore(%arg17 : memref<!tpu.dma_semaphore, #tpu.memory_space<semaphore_mem>>) src(%dma_wait3A_403 : memref<16x128xf32, #tpu.memory_space<vmem>>) dst(%dma_wait3A_409 : memref<10240x128xf32, #tpu.memory_space<vmem_shared>>)
      %add3A_410 = arith.constant 5 : i32
      %add3A_411 = arith.addi %mul3A_238, %add3A_410 : i32
      %add3A_412 = arith.constant 1 : i32
      %add3A_413 = arith.addi %add3A_411, %add3A_412 : i32
      %mul3A_414 = arith.constant 16 : i32
      %mul3A_415 = arith.muli %add3A_413, %mul3A_414 : i32
      %dma_start3A_416 = arith.constant 1 : i32
      %dma_start3A_417 = arith.constant 0 : i32
      %dma_start3A_418 = arith.constant 0 : i32
      %dma_start3A_419 = tpu.memref_slice %arg9[%dma_start3A_416, %dma_start3A_417, %dma_start3A_418] : memref<5x16x128xf32, #tpu.memory_space<vmem>> -> memref<1x16x128xf32, #tpu.memory_space<vmem>>
      %dma_start3A_420 = tpu.memref_squeeze %dma_start3A_419 : memref<1x16x128xf32, #tpu.memory_space<vmem>> -> memref<16x128xf32, #tpu.memory_space<vmem>>
      %dma_start3A_421 = tpu.memref_slice %arg7[%mul3A_415] : memref<10000xi32, #tpu.memory_space<vmem>> -> memref<16xi32, #tpu.memory_space<vmem>>
      %dma_start3A_422 = arith.constant 0 : i32
      %dma_start3A_423 = arith.constant 0 : i32
      %dma_start3A_424 = tpu.memref_slice %arg2[%dma_start3A_422, %dma_start3A_423] : memref<10000x128xf32, #tpu.memory_space<hbm>> -> memref<10000x128xf32, #tpu.memory_space<hbm>>
      tpu.enqueue_indirect_dma source(%dma_start3A_424 : memref<10000x128xf32, #tpu.memory_space<hbm>>) target(%dma_start3A_420 : memref<16x128xf32, #tpu.memory_space<vmem>>) offsets(%dma_start3A_421 : memref<16xi32, #tpu.memory_space<vmem>>) semaphore(%arg12 : memref<!tpu.dma_semaphore, #tpu.memory_space<semaphore_mem>>)
      %add3A_425 = arith.constant 2 : i32
      %add3A_426 = arith.addi %mul3A_238, %add3A_425 : i32
      %dma_wait3A_427 = arith.constant 2 : i32
      %dma_wait3A_428 = arith.constant 0 : i32
      %dma_wait3A_429 = arith.constant 0 : i32
      %dma_wait3A_430 = tpu.memref_slice %arg9[%dma_wait3A_427, %dma_wait3A_428, %dma_wait3A_429] : memref<5x16x128xf32, #tpu.memory_space<vmem>> -> memref<1x16x128xf32, #tpu.memory_space<vmem>>
      %dma_wait3A_431 = tpu.memref_squeeze %dma_wait3A_430 : memref<1x16x128xf32, #tpu.memory_space<vmem>> -> memref<16x128xf32, #tpu.memory_space<vmem>>
      %dma_wait3A_432 = arith.constant 0 : i32
      %dma_wait3A_433 = tpu.memref_slice %arg8[%add3A_426, %dma_wait3A_432] : memref<625x16xi32, #tpu.memory_space<vmem>> -> memref<1x16xi32, #tpu.memory_space<vmem>>
      %dma_wait3A_434 = tpu.memref_squeeze %dma_wait3A_433 : memref<1x16xi32, #tpu.memory_space<vmem>> -> memref<16xi32, #tpu.memory_space<vmem>>
      %dma_wait3A_435 = arith.constant 0 : i32
      %dma_wait3A_436 = arith.constant 0 : i32
      %dma_wait3A_437 = tpu.memref_slice %arg10[%dma_wait3A_435, %dma_wait3A_436] : memref<10240x128xf32, #tpu.memory_space<vmem_shared>> -> memref<10240x128xf32, #tpu.memory_space<vmem_shared>>
      tpu.wait_indirect_dma semaphore(%arg18 : memref<!tpu.dma_semaphore, #tpu.memory_space<semaphore_mem>>) src(%dma_wait3A_431 : memref<16x128xf32, #tpu.memory_space<vmem>>) dst(%dma_wait3A_437 : memref<10240x128xf32, #tpu.memory_space<vmem_shared>>)
      %add3A_438 = arith.constant 5 : i32
      %add3A_439 = arith.addi %mul3A_238, %add3A_438 : i32
      %add3A_440 = arith.constant 2 : i32
      %add3A_441 = arith.addi %add3A_439, %add3A_440 : i32
      %mul3A_442 = arith.constant 16 : i32
      %mul3A_443 = arith.muli %add3A_441, %mul3A_442 : i32
      %dma_start3A_444 = arith.constant 2 : i32
      %dma_start3A_445 = arith.constant 0 : i32
      %dma_start3A_446 = arith.constant 0 : i32
      %dma_start3A_447 = tpu.memref_slice %arg9[%dma_start3A_444, %dma_start3A_445, %dma_start3A_446] : memref<5x16x128xf32, #tpu.memory_space<vmem>> -> memref<1x16x128xf32, #tpu.memory_space<vmem>>
      %dma_start3A_448 = tpu.memref_squeeze %dma_start3A_447 : memref<1x16x128xf32, #tpu.memory_space<vmem>> -> memref<16x128xf32, #tpu.memory_space<vmem>>
      %dma_start3A_449 = tpu.memref_slice %arg7[%mul3A_443] : memref<10000xi32, #tpu.memory_space<vmem>> -> memref<16xi32, #tpu.memory_space<vmem>>
      %dma_start3A_450 = arith.constant 0 : i32
      %dma_start3A_451 = arith.constant 0 : i32
      %dma_start3A_452 = tpu.memref_slice %arg2[%dma_start3A_450, %dma_start3A_451] : memref<10000x128xf32, #tpu.memory_space<hbm>> -> memref<10000x128xf32, #tpu.memory_space<hbm>>
      tpu.enqueue_indirect_dma source(%dma_start3A_452 : memref<10000x128xf32, #tpu.memory_space<hbm>>) target(%dma_start3A_448 : memref<16x128xf32, #tpu.memory_space<vmem>>) offsets(%dma_start3A_449 : memref<16xi32, #tpu.memory_space<vmem>>) semaphore(%arg13 : memref<!tpu.dma_semaphore, #tpu.memory_space<semaphore_mem>>)
      %add3A_453 = arith.constant 3 : i32
      %add3A_454 = arith.addi %mul3A_238, %add3A_453 : i32
      %dma_wait3A_455 = arith.constant 3 : i32
      %dma_wait3A_456 = arith.constant 0 : i32
      %dma_wait3A_457 = arith.constant 0 : i32
      %dma_wait3A_458 = tpu.memref_slice %arg9[%dma_wait3A_455, %dma_wait3A_456, %dma_wait3A_457] : memref<5x16x128xf32, #tpu.memory_space<vmem>> -> memref<1x16x128xf32, #tpu.memory_space<vmem>>
      %dma_wait3A_459 = tpu.memref_squeeze %dma_wait3A_458 : memref<1x16x128xf32, #tpu.memory_space<vmem>> -> memref<16x128xf32, #tpu.memory_space<vmem>>
      %dma_wait3A_460 = arith.constant 0 : i32
      %dma_wait3A_461 = tpu.memref_slice %arg8[%add3A_454, %dma_wait3A_460] : memref<625x16xi32, #tpu.memory_space<vmem>> -> memref<1x16xi32, #tpu.memory_space<vmem>>
      %dma_wait3A_462 = tpu.memref_squeeze %dma_wait3A_461 : memref<1x16xi32, #tpu.memory_space<vmem>> -> memref<16xi32, #tpu.memory_space<vmem>>
      %dma_wait3A_463 = arith.constant 0 : i32
      %dma_wait3A_464 = arith.constant 0 : i32
      %dma_wait3A_465 = tpu.memref_slice %arg10[%dma_wait3A_463, %dma_wait3A_464] : memref<10240x128xf32, #tpu.memory_space<vmem_shared>> -> memref<10240x128xf32, #tpu.memory_space<vmem_shared>>
      tpu.wait_indirect_dma semaphore(%arg19 : memref<!tpu.dma_semaphore, #tpu.memory_space<semaphore_mem>>) src(%dma_wait3A_459 : memref<16x128xf32, #tpu.memory_space<vmem>>) dst(%dma_wait3A_465 : memref<10240x128xf32, #tpu.memory_space<vmem_shared>>)
      %add3A_466 = arith.constant 5 : i32
      %add3A_467 = arith.addi %mul3A_238, %add3A_466 : i32
      %add3A_468 = arith.constant 3 : i32
      %add3A_469 = arith.addi %add3A_467, %add3A_468 : i32
      %mul3A_470 = arith.constant 16 : i32
      %mul3A_471 = arith.muli %add3A_469, %mul3A_470 : i32
      %dma_start3A_472 = arith.constant 3 : i32
      %dma_start3A_473 = arith.constant 0 : i32
      %dma_start3A_474 = arith.constant 0 : i32
      %dma_start3A_475 = tpu.memref_slice %arg9[%dma_start3A_472, %dma_start3A_473, %dma_start3A_474] : memref<5x16x128xf32, #tpu.memory_space<vmem>> -> memref<1x16x128xf32, #tpu.memory_space<vmem>>
      %dma_start3A_476 = tpu.memref_squeeze %dma_start3A_475 : memref<1x16x128xf32, #tpu.memory_space<vmem>> -> memref<16x128xf32, #tpu.memory_space<vmem>>
      %dma_start3A_477 = tpu.memref_slice %arg7[%mul3A_471] : memref<10000xi32, #tpu.memory_space<vmem>> -> memref<16xi32, #tpu.memory_space<vmem>>
      %dma_start3A_478 = arith.constant 0 : i32
      %dma_start3A_479 = arith.constant 0 : i32
      %dma_start3A_480 = tpu.memref_slice %arg2[%dma_start3A_478, %dma_start3A_479] : memref<10000x128xf32, #tpu.memory_space<hbm>> -> memref<10000x128xf32, #tpu.memory_space<hbm>>
      tpu.enqueue_indirect_dma source(%dma_start3A_480 : memref<10000x128xf32, #tpu.memory_space<hbm>>) target(%dma_start3A_476 : memref<16x128xf32, #tpu.memory_space<vmem>>) offsets(%dma_start3A_477 : memref<16xi32, #tpu.memory_space<vmem>>) semaphore(%arg14 : memref<!tpu.dma_semaphore, #tpu.memory_space<semaphore_mem>>)
      %add3A_481 = arith.constant 4 : i32
      %add3A_482 = arith.addi %mul3A_238, %add3A_481 : i32
      %dma_wait3A_483 = arith.constant 4 : i32
      %dma_wait3A_484 = arith.constant 0 : i32
      %dma_wait3A_485 = arith.constant 0 : i32
      %dma_wait3A_486 = tpu.memref_slice %arg9[%dma_wait3A_483, %dma_wait3A_484, %dma_wait3A_485] : memref<5x16x128xf32, #tpu.memory_space<vmem>> -> memref<1x16x128xf32, #tpu.memory_space<vmem>>
      %dma_wait3A_487 = tpu.memref_squeeze %dma_wait3A_486 : memref<1x16x128xf32, #tpu.memory_space<vmem>> -> memref<16x128xf32, #tpu.memory_space<vmem>>
      %dma_wait3A_488 = arith.constant 0 : i32
      %dma_wait3A_489 = tpu.memref_slice %arg8[%add3A_482, %dma_wait3A_488] : memref<625x16xi32, #tpu.memory_space<vmem>> -> memref<1x16xi32, #tpu.memory_space<vmem>>
      %dma_wait3A_490 = tpu.memref_squeeze %dma_wait3A_489 : memref<1x16xi32, #tpu.memory_space<vmem>> -> memref<16xi32, #tpu.memory_space<vmem>>
      %dma_wait3A_491 = arith.constant 0 : i32
      %dma_wait3A_492 = arith.constant 0 : i32
      %dma_wait3A_493 = tpu.memref_slice %arg10[%dma_wait3A_491, %dma_wait3A_492] : memref<10240x128xf32, #tpu.memory_space<vmem_shared>> -> memref<10240x128xf32, #tpu.memory_space<vmem_shared>>
      tpu.wait_indirect_dma semaphore(%arg20 : memref<!tpu.dma_semaphore, #tpu.memory_space<semaphore_mem>>) src(%dma_wait3A_487 : memref<16x128xf32, #tpu.memory_space<vmem>>) dst(%dma_wait3A_493 : memref<10240x128xf32, #tpu.memory_space<vmem_shared>>)
      %add3A_494 = arith.constant 5 : i32
      %add3A_495 = arith.addi %mul3A_238, %add3A_494 : i32
      %add3A_496 = arith.constant 4 : i32
      %add3A_497 = arith.addi %add3A_495, %add3A_496 : i32
      %mul3A_498 = arith.constant 16 : i32
      %mul3A_499 = arith.muli %add3A_497, %mul3A_498 : i32
      %dma_start3A_500 = arith.constant 4 : i32
      %dma_start3A_501 = arith.constant 0 : i32
      %dma_start3A_502 = arith.constant 0 : i32
      %dma_start3A_503 = tpu.memref_slice %arg9[%dma_start3A_500, %dma_start3A_501, %dma_start3A_502] : memref<5x16x128xf32, #tpu.memory_space<vmem>> -> memref<1x16x128xf32, #tpu.memory_space<vmem>>
      %dma_start3A_504 = tpu.memref_squeeze %dma_start3A_503 : memref<1x16x128xf32, #tpu.memory_space<vmem>> -> memref<16x128xf32, #tpu.memory_space<vmem>>
      %dma_start3A_505 = tpu.memref_slice %arg7[%mul3A_499] : memref<10000xi32, #tpu.memory_space<vmem>> -> memref<16xi32, #tpu.memory_space<vmem>>
      %dma_start3A_506 = arith.constant 0 : i32
      %dma_start3A_507 = arith.constant 0 : i32
      %dma_start3A_508 = tpu.memref_slice %arg2[%dma_start3A_506, %dma_start3A_507] : memref<10000x128xf32, #tpu.memory_space<hbm>> -> memref<10000x128xf32, #tpu.memory_space<hbm>>
      tpu.enqueue_indirect_dma source(%dma_start3A_508 : memref<10000x128xf32, #tpu.memory_space<hbm>>) target(%dma_start3A_504 : memref<16x128xf32, #tpu.memory_space<vmem>>) offsets(%dma_start3A_505 : memref<16xi32, #tpu.memory_space<vmem>>) semaphore(%arg15 : memref<!tpu.dma_semaphore, #tpu.memory_space<semaphore_mem>>)
    }
    %scan3A_57 = arith.constant 124 : i32
    %dma_wait3A = arith.constant 0 : i32
    %dma_wait3A_58 = arith.constant 0 : i32
    %dma_wait3A_59 = arith.constant 0 : i32
    %dma_wait3A_60 = tpu.memref_slice %arg9[%dma_wait3A, %dma_wait3A_58, %dma_wait3A_59] : memref<5x16x128xf32, #tpu.memory_space<vmem>> -> memref<1x16x128xf32, #tpu.memory_space<vmem>>
    %dma_wait3A_61 = tpu.memref_squeeze %dma_wait3A_60 : memref<1x16x128xf32, #tpu.memory_space<vmem>> -> memref<16x128xf32, #tpu.memory_space<vmem>>
    %dma_wait3A_62 = arith.constant 9920 : i32
    %dma_wait3A_63 = tpu.memref_slice %arg7[%dma_wait3A_62] : memref<10000xi32, #tpu.memory_space<vmem>> -> memref<16xi32, #tpu.memory_space<vmem>>
    %dma_wait3A_64 = arith.constant 0 : i32
    %dma_wait3A_65 = arith.constant 0 : i32
    %dma_wait3A_66 = tpu.memref_slice %arg2[%dma_wait3A_64, %dma_wait3A_65] : memref<10000x128xf32, #tpu.memory_space<hbm>> -> memref<10000x128xf32, #tpu.memory_space<hbm>>
    tpu.wait_indirect_dma semaphore(%arg11 : memref<!tpu.dma_semaphore, #tpu.memory_space<semaphore_mem>>) src(%dma_wait3A_66 : memref<10000x128xf32, #tpu.memory_space<hbm>>) dst(%dma_wait3A_61 : memref<16x128xf32, #tpu.memory_space<vmem>>)
    %dma_start3A_67 = arith.constant 0 : i32
    %dma_start3A_68 = arith.constant 620 : i32
    %dma_start3A_69 = arith.constant 0 : i32
    %dma_start3A_70 = arith.constant 0 : i32
    %dma_start3A_71 = tpu.memref_slice %arg9[%dma_start3A_67, %dma_start3A_69, %dma_start3A_70] : memref<5x16x128xf32, #tpu.memory_space<vmem>> -> memref<1x16x128xf32, #tpu.memory_space<vmem>>
    %dma_start3A_72 = tpu.memref_squeeze %dma_start3A_71 : memref<1x16x128xf32, #tpu.memory_space<vmem>> -> memref<16x128xf32, #tpu.memory_space<vmem>>
    %dma_start3A_73 = arith.constant 0 : i32
    %dma_start3A_74 = tpu.memref_slice %arg8[%dma_start3A_68, %dma_start3A_73] : memref<625x16xi32, #tpu.memory_space<vmem>> -> memref<1x16xi32, #tpu.memory_space<vmem>>
    %dma_start3A_75 = tpu.memref_squeeze %dma_start3A_74 : memref<1x16xi32, #tpu.memory_space<vmem>> -> memref<16xi32, #tpu.memory_space<vmem>>
    %dma_start3A_76 = arith.constant 0 : i32
    %dma_start3A_77 = arith.constant 0 : i32
    %dma_start3A_78 = tpu.memref_slice %arg10[%dma_start3A_76, %dma_start3A_77] : memref<10240x128xf32, #tpu.memory_space<vmem_shared>> -> memref<10240x128xf32, #tpu.memory_space<vmem_shared>>
    tpu.enqueue_indirect_dma source(%dma_start3A_72 : memref<16x128xf32, #tpu.memory_space<vmem>>) target(%dma_start3A_78 : memref<10240x128xf32, #tpu.memory_space<vmem_shared>>) offsets(%dma_start3A_75 : memref<16xi32, #tpu.memory_space<vmem>>) semaphore(%arg16 : memref<!tpu.dma_semaphore, #tpu.memory_space<semaphore_mem>>) {add = true}
    %dma_wait3A_79 = arith.constant 1 : i32
    %dma_wait3A_80 = arith.constant 0 : i32
    %dma_wait3A_81 = arith.constant 0 : i32
    %dma_wait3A_82 = tpu.memref_slice %arg9[%dma_wait3A_79, %dma_wait3A_80, %dma_wait3A_81] : memref<5x16x128xf32, #tpu.memory_space<vmem>> -> memref<1x16x128xf32, #tpu.memory_space<vmem>>
    %dma_wait3A_83 = tpu.memref_squeeze %dma_wait3A_82 : memref<1x16x128xf32, #tpu.memory_space<vmem>> -> memref<16x128xf32, #tpu.memory_space<vmem>>
    %dma_wait3A_84 = arith.constant 9936 : i32
    %dma_wait3A_85 = tpu.memref_slice %arg7[%dma_wait3A_84] : memref<10000xi32, #tpu.memory_space<vmem>> -> memref<16xi32, #tpu.memory_space<vmem>>
    %dma_wait3A_86 = arith.constant 0 : i32
    %dma_wait3A_87 = arith.constant 0 : i32
    %dma_wait3A_88 = tpu.memref_slice %arg2[%dma_wait3A_86, %dma_wait3A_87] : memref<10000x128xf32, #tpu.memory_space<hbm>> -> memref<10000x128xf32, #tpu.memory_space<hbm>>
    tpu.wait_indirect_dma semaphore(%arg12 : memref<!tpu.dma_semaphore, #tpu.memory_space<semaphore_mem>>) src(%dma_wait3A_88 : memref<10000x128xf32, #tpu.memory_space<hbm>>) dst(%dma_wait3A_83 : memref<16x128xf32, #tpu.memory_space<vmem>>)
    %dma_start3A_89 = arith.constant 1 : i32
    %dma_start3A_90 = arith.constant 621 : i32
    %dma_start3A_91 = arith.constant 0 : i32
    %dma_start3A_92 = arith.constant 0 : i32
    %dma_start3A_93 = tpu.memref_slice %arg9[%dma_start3A_89, %dma_start3A_91, %dma_start3A_92] : memref<5x16x128xf32, #tpu.memory_space<vmem>> -> memref<1x16x128xf32, #tpu.memory_space<vmem>>
    %dma_start3A_94 = tpu.memref_squeeze %dma_start3A_93 : memref<1x16x128xf32, #tpu.memory_space<vmem>> -> memref<16x128xf32, #tpu.memory_space<vmem>>
    %dma_start3A_95 = arith.constant 0 : i32
    %dma_start3A_96 = tpu.memref_slice %arg8[%dma_start3A_90, %dma_start3A_95] : memref<625x16xi32, #tpu.memory_space<vmem>> -> memref<1x16xi32, #tpu.memory_space<vmem>>
    %dma_start3A_97 = tpu.memref_squeeze %dma_start3A_96 : memref<1x16xi32, #tpu.memory_space<vmem>> -> memref<16xi32, #tpu.memory_space<vmem>>
    %dma_start3A_98 = arith.constant 0 : i32
    %dma_start3A_99 = arith.constant 0 : i32
    %dma_start3A_100 = tpu.memref_slice %arg10[%dma_start3A_98, %dma_start3A_99] : memref<10240x128xf32, #tpu.memory_space<vmem_shared>> -> memref<10240x128xf32, #tpu.memory_space<vmem_shared>>
    tpu.enqueue_indirect_dma source(%dma_start3A_94 : memref<16x128xf32, #tpu.memory_space<vmem>>) target(%dma_start3A_100 : memref<10240x128xf32, #tpu.memory_space<vmem_shared>>) offsets(%dma_start3A_97 : memref<16xi32, #tpu.memory_space<vmem>>) semaphore(%arg17 : memref<!tpu.dma_semaphore, #tpu.memory_space<semaphore_mem>>) {add = true}
    %dma_wait3A_101 = arith.constant 2 : i32
    %dma_wait3A_102 = arith.constant 0 : i32
    %dma_wait3A_103 = arith.constant 0 : i32
    %dma_wait3A_104 = tpu.memref_slice %arg9[%dma_wait3A_101, %dma_wait3A_102, %dma_wait3A_103] : memref<5x16x128xf32, #tpu.memory_space<vmem>> -> memref<1x16x128xf32, #tpu.memory_space<vmem>>
    %dma_wait3A_105 = tpu.memref_squeeze %dma_wait3A_104 : memref<1x16x128xf32, #tpu.memory_space<vmem>> -> memref<16x128xf32, #tpu.memory_space<vmem>>
    %dma_wait3A_106 = arith.constant 9952 : i32
    %dma_wait3A_107 = tpu.memref_slice %arg7[%dma_wait3A_106] : memref<10000xi32, #tpu.memory_space<vmem>> -> memref<16xi32, #tpu.memory_space<vmem>>
    %dma_wait3A_108 = arith.constant 0 : i32
    %dma_wait3A_109 = arith.constant 0 : i32
    %dma_wait3A_110 = tpu.memref_slice %arg2[%dma_wait3A_108, %dma_wait3A_109] : memref<10000x128xf32, #tpu.memory_space<hbm>> -> memref<10000x128xf32, #tpu.memory_space<hbm>>
    tpu.wait_indirect_dma semaphore(%arg13 : memref<!tpu.dma_semaphore, #tpu.memory_space<semaphore_mem>>) src(%dma_wait3A_110 : memref<10000x128xf32, #tpu.memory_space<hbm>>) dst(%dma_wait3A_105 : memref<16x128xf32, #tpu.memory_space<vmem>>)
    %dma_start3A_111 = arith.constant 2 : i32
    %dma_start3A_112 = arith.constant 622 : i32
    %dma_start3A_113 = arith.constant 0 : i32
    %dma_start3A_114 = arith.constant 0 : i32
    %dma_start3A_115 = tpu.memref_slice %arg9[%dma_start3A_111, %dma_start3A_113, %dma_start3A_114] : memref<5x16x128xf32, #tpu.memory_space<vmem>> -> memref<1x16x128xf32, #tpu.memory_space<vmem>>
    %dma_start3A_116 = tpu.memref_squeeze %dma_start3A_115 : memref<1x16x128xf32, #tpu.memory_space<vmem>> -> memref<16x128xf32, #tpu.memory_space<vmem>>
    %dma_start3A_117 = arith.constant 0 : i32
    %dma_start3A_118 = tpu.memref_slice %arg8[%dma_start3A_112, %dma_start3A_117] : memref<625x16xi32, #tpu.memory_space<vmem>> -> memref<1x16xi32, #tpu.memory_space<vmem>>
    %dma_start3A_119 = tpu.memref_squeeze %dma_start3A_118 : memref<1x16xi32, #tpu.memory_space<vmem>> -> memref<16xi32, #tpu.memory_space<vmem>>
    %dma_start3A_120 = arith.constant 0 : i32
    %dma_start3A_121 = arith.constant 0 : i32
    %dma_start3A_122 = tpu.memref_slice %arg10[%dma_start3A_120, %dma_start3A_121] : memref<10240x128xf32, #tpu.memory_space<vmem_shared>> -> memref<10240x128xf32, #tpu.memory_space<vmem_shared>>
    tpu.enqueue_indirect_dma source(%dma_start3A_116 : memref<16x128xf32, #tpu.memory_space<vmem>>) target(%dma_start3A_122 : memref<10240x128xf32, #tpu.memory_space<vmem_shared>>) offsets(%dma_start3A_119 : memref<16xi32, #tpu.memory_space<vmem>>) semaphore(%arg18 : memref<!tpu.dma_semaphore, #tpu.memory_space<semaphore_mem>>) {add = true}
    %dma_wait3A_123 = arith.constant 3 : i32
    %dma_wait3A_124 = arith.constant 0 : i32
    %dma_wait3A_125 = arith.constant 0 : i32
    %dma_wait3A_126 = tpu.memref_slice %arg9[%dma_wait3A_123, %dma_wait3A_124, %dma_wait3A_125] : memref<5x16x128xf32, #tpu.memory_space<vmem>> -> memref<1x16x128xf32, #tpu.memory_space<vmem>>
    %dma_wait3A_127 = tpu.memref_squeeze %dma_wait3A_126 : memref<1x16x128xf32, #tpu.memory_space<vmem>> -> memref<16x128xf32, #tpu.memory_space<vmem>>
    %dma_wait3A_128 = arith.constant 9968 : i32
    %dma_wait3A_129 = tpu.memref_slice %arg7[%dma_wait3A_128] : memref<10000xi32, #tpu.memory_space<vmem>> -> memref<16xi32, #tpu.memory_space<vmem>>
    %dma_wait3A_130 = arith.constant 0 : i32
    %dma_wait3A_131 = arith.constant 0 : i32
    %dma_wait3A_132 = tpu.memref_slice %arg2[%dma_wait3A_130, %dma_wait3A_131] : memref<10000x128xf32, #tpu.memory_space<hbm>> -> memref<10000x128xf32, #tpu.memory_space<hbm>>
    tpu.wait_indirect_dma semaphore(%arg14 : memref<!tpu.dma_semaphore, #tpu.memory_space<semaphore_mem>>) src(%dma_wait3A_132 : memref<10000x128xf32, #tpu.memory_space<hbm>>) dst(%dma_wait3A_127 : memref<16x128xf32, #tpu.memory_space<vmem>>)
    %dma_start3A_133 = arith.constant 3 : i32
    %dma_start3A_134 = arith.constant 623 : i32
    %dma_start3A_135 = arith.constant 0 : i32
    %dma_start3A_136 = arith.constant 0 : i32
    %dma_start3A_137 = tpu.memref_slice %arg9[%dma_start3A_133, %dma_start3A_135, %dma_start3A_136] : memref<5x16x128xf32, #tpu.memory_space<vmem>> -> memref<1x16x128xf32, #tpu.memory_space<vmem>>
    %dma_start3A_138 = tpu.memref_squeeze %dma_start3A_137 : memref<1x16x128xf32, #tpu.memory_space<vmem>> -> memref<16x128xf32, #tpu.memory_space<vmem>>
    %dma_start3A_139 = arith.constant 0 : i32
    %dma_start3A_140 = tpu.memref_slice %arg8[%dma_start3A_134, %dma_start3A_139] : memref<625x16xi32, #tpu.memory_space<vmem>> -> memref<1x16xi32, #tpu.memory_space<vmem>>
    %dma_start3A_141 = tpu.memref_squeeze %dma_start3A_140 : memref<1x16xi32, #tpu.memory_space<vmem>> -> memref<16xi32, #tpu.memory_space<vmem>>
    %dma_start3A_142 = arith.constant 0 : i32
    %dma_start3A_143 = arith.constant 0 : i32
    %dma_start3A_144 = tpu.memref_slice %arg10[%dma_start3A_142, %dma_start3A_143] : memref<10240x128xf32, #tpu.memory_space<vmem_shared>> -> memref<10240x128xf32, #tpu.memory_space<vmem_shared>>
    tpu.enqueue_indirect_dma source(%dma_start3A_138 : memref<16x128xf32, #tpu.memory_space<vmem>>) target(%dma_start3A_144 : memref<10240x128xf32, #tpu.memory_space<vmem_shared>>) offsets(%dma_start3A_141 : memref<16xi32, #tpu.memory_space<vmem>>) semaphore(%arg19 : memref<!tpu.dma_semaphore, #tpu.memory_space<semaphore_mem>>) {add = true}
    %dma_wait3A_145 = arith.constant 4 : i32
    %dma_wait3A_146 = arith.constant 0 : i32
    %dma_wait3A_147 = arith.constant 0 : i32
    %dma_wait3A_148 = tpu.memref_slice %arg9[%dma_wait3A_145, %dma_wait3A_146, %dma_wait3A_147] : memref<5x16x128xf32, #tpu.memory_space<vmem>> -> memref<1x16x128xf32, #tpu.memory_space<vmem>>
    %dma_wait3A_149 = tpu.memref_squeeze %dma_wait3A_148 : memref<1x16x128xf32, #tpu.memory_space<vmem>> -> memref<16x128xf32, #tpu.memory_space<vmem>>
    %dma_wait3A_150 = arith.constant 9984 : i32
    %dma_wait3A_151 = tpu.memref_slice %arg7[%dma_wait3A_150] : memref<10000xi32, #tpu.memory_space<vmem>> -> memref<16xi32, #tpu.memory_space<vmem>>
    %dma_wait3A_152 = arith.constant 0 : i32
    %dma_wait3A_153 = arith.constant 0 : i32
    %dma_wait3A_154 = tpu.memref_slice %arg2[%dma_wait3A_152, %dma_wait3A_153] : memref<10000x128xf32, #tpu.memory_space<hbm>> -> memref<10000x128xf32, #tpu.memory_space<hbm>>
    tpu.wait_indirect_dma semaphore(%arg15 : memref<!tpu.dma_semaphore, #tpu.memory_space<semaphore_mem>>) src(%dma_wait3A_154 : memref<10000x128xf32, #tpu.memory_space<hbm>>) dst(%dma_wait3A_149 : memref<16x128xf32, #tpu.memory_space<vmem>>)
    %dma_start3A_155 = arith.constant 4 : i32
    %dma_start3A_156 = arith.constant 624 : i32
    %dma_start3A_157 = arith.constant 0 : i32
    %dma_start3A_158 = arith.constant 0 : i32
    %dma_start3A_159 = tpu.memref_slice %arg9[%dma_start3A_155, %dma_start3A_157, %dma_start3A_158] : memref<5x16x128xf32, #tpu.memory_space<vmem>> -> memref<1x16x128xf32, #tpu.memory_space<vmem>>
    %dma_start3A_160 = tpu.memref_squeeze %dma_start3A_159 : memref<1x16x128xf32, #tpu.memory_space<vmem>> -> memref<16x128xf32, #tpu.memory_space<vmem>>
    %dma_start3A_161 = arith.constant 0 : i32
    %dma_start3A_162 = tpu.memref_slice %arg8[%dma_start3A_156, %dma_start3A_161] : memref<625x16xi32, #tpu.memory_space<vmem>> -> memref<1x16xi32, #tpu.memory_space<vmem>>
    %dma_start3A_163 = tpu.memref_squeeze %dma_start3A_162 : memref<1x16xi32, #tpu.memory_space<vmem>> -> memref<16xi32, #tpu.memory_space<vmem>>
    %dma_start3A_164 = arith.constant 0 : i32
    %dma_start3A_165 = arith.constant 0 : i32
    %dma_start3A_166 = tpu.memref_slice %arg10[%dma_start3A_164, %dma_start3A_165] : memref<10240x128xf32, #tpu.memory_space<vmem_shared>> -> memref<10240x128xf32, #tpu.memory_space<vmem_shared>>
    tpu.enqueue_indirect_dma source(%dma_start3A_160 : memref<16x128xf32, #tpu.memory_space<vmem>>) target(%dma_start3A_166 : memref<10240x128xf32, #tpu.memory_space<vmem_shared>>) offsets(%dma_start3A_163 : memref<16xi32, #tpu.memory_space<vmem>>) semaphore(%arg20 : memref<!tpu.dma_semaphore, #tpu.memory_space<semaphore_mem>>) {add = true}
    %dma_wait3A_167 = arith.constant 0 : i32
    %dma_wait3A_168 = arith.constant 620 : i32
    %dma_wait3A_169 = arith.constant 0 : i32
    %dma_wait3A_170 = arith.constant 0 : i32
    %dma_wait3A_171 = tpu.memref_slice %arg9[%dma_wait3A_167, %dma_wait3A_169, %dma_wait3A_170] : memref<5x16x128xf32, #tpu.memory_space<vmem>> -> memref<1x16x128xf32, #tpu.memory_space<vmem>>
    %dma_wait3A_172 = tpu.memref_squeeze %dma_wait3A_171 : memref<1x16x128xf32, #tpu.memory_space<vmem>> -> memref<16x128xf32, #tpu.memory_space<vmem>>
    %dma_wait3A_173 = arith.constant 0 : i32
    %dma_wait3A_174 = tpu.memref_slice %arg8[%dma_wait3A_168, %dma_wait3A_173] : memref<625x16xi32, #tpu.memory_space<vmem>> -> memref<1x16xi32, #tpu.memory_space<vmem>>
    %dma_wait3A_175 = tpu.memref_squeeze %dma_wait3A_174 : memref<1x16xi32, #tpu.memory_space<vmem>> -> memref<16xi32, #tpu.memory_space<vmem>>
    %dma_wait3A_176 = arith.constant 0 : i32
    %dma_wait3A_177 = arith.constant 0 : i32
    %dma_wait3A_178 = tpu.memref_slice %arg10[%dma_wait3A_176, %dma_wait3A_177] : memref<10240x128xf32, #tpu.memory_space<vmem_shared>> -> memref<10240x128xf32, #tpu.memory_space<vmem_shared>>
    tpu.wait_indirect_dma semaphore(%arg16 : memref<!tpu.dma_semaphore, #tpu.memory_space<semaphore_mem>>) src(%dma_wait3A_172 : memref<16x128xf32, #tpu.memory_space<vmem>>) dst(%dma_wait3A_178 : memref<10240x128xf32, #tpu.memory_space<vmem_shared>>)
    %dma_wait3A_179 = arith.constant 1 : i32
    %dma_wait3A_180 = arith.constant 621 : i32
    %dma_wait3A_181 = arith.constant 0 : i32
    %dma_wait3A_182 = arith.constant 0 : i32
    %dma_wait3A_183 = tpu.memref_slice %arg9[%dma_wait3A_179, %dma_wait3A_181, %dma_wait3A_182] : memref<5x16x128xf32, #tpu.memory_space<vmem>> -> memref<1x16x128xf32, #tpu.memory_space<vmem>>
    %dma_wait3A_184 = tpu.memref_squeeze %dma_wait3A_183 : memref<1x16x128xf32, #tpu.memory_space<vmem>> -> memref<16x128xf32, #tpu.memory_space<vmem>>
    %dma_wait3A_185 = arith.constant 0 : i32
    %dma_wait3A_186 = tpu.memref_slice %arg8[%dma_wait3A_180, %dma_wait3A_185] : memref<625x16xi32, #tpu.memory_space<vmem>> -> memref<1x16xi32, #tpu.memory_space<vmem>>
    %dma_wait3A_187 = tpu.memref_squeeze %dma_wait3A_186 : memref<1x16xi32, #tpu.memory_space<vmem>> -> memref<16xi32, #tpu.memory_space<vmem>>
    %dma_wait3A_188 = arith.constant 0 : i32
    %dma_wait3A_189 = arith.constant 0 : i32
    %dma_wait3A_190 = tpu.memref_slice %arg10[%dma_wait3A_188, %dma_wait3A_189] : memref<10240x128xf32, #tpu.memory_space<vmem_shared>> -> memref<10240x128xf32, #tpu.memory_space<vmem_shared>>
    tpu.wait_indirect_dma semaphore(%arg17 : memref<!tpu.dma_semaphore, #tpu.memory_space<semaphore_mem>>) src(%dma_wait3A_184 : memref<16x128xf32, #tpu.memory_space<vmem>>) dst(%dma_wait3A_190 : memref<10240x128xf32, #tpu.memory_space<vmem_shared>>)
    %dma_wait3A_191 = arith.constant 2 : i32
    %dma_wait3A_192 = arith.constant 622 : i32
    %dma_wait3A_193 = arith.constant 0 : i32
    %dma_wait3A_194 = arith.constant 0 : i32
    %dma_wait3A_195 = tpu.memref_slice %arg9[%dma_wait3A_191, %dma_wait3A_193, %dma_wait3A_194] : memref<5x16x128xf32, #tpu.memory_space<vmem>> -> memref<1x16x128xf32, #tpu.memory_space<vmem>>
    %dma_wait3A_196 = tpu.memref_squeeze %dma_wait3A_195 : memref<1x16x128xf32, #tpu.memory_space<vmem>> -> memref<16x128xf32, #tpu.memory_space<vmem>>
    %dma_wait3A_197 = arith.constant 0 : i32
    %dma_wait3A_198 = tpu.memref_slice %arg8[%dma_wait3A_192, %dma_wait3A_197] : memref<625x16xi32, #tpu.memory_space<vmem>> -> memref<1x16xi32, #tpu.memory_space<vmem>>
    %dma_wait3A_199 = tpu.memref_squeeze %dma_wait3A_198 : memref<1x16xi32, #tpu.memory_space<vmem>> -> memref<16xi32, #tpu.memory_space<vmem>>
    %dma_wait3A_200 = arith.constant 0 : i32
    %dma_wait3A_201 = arith.constant 0 : i32
    %dma_wait3A_202 = tpu.memref_slice %arg10[%dma_wait3A_200, %dma_wait3A_201] : memref<10240x128xf32, #tpu.memory_space<vmem_shared>> -> memref<10240x128xf32, #tpu.memory_space<vmem_shared>>
    tpu.wait_indirect_dma semaphore(%arg18 : memref<!tpu.dma_semaphore, #tpu.memory_space<semaphore_mem>>) src(%dma_wait3A_196 : memref<16x128xf32, #tpu.memory_space<vmem>>) dst(%dma_wait3A_202 : memref<10240x128xf32, #tpu.memory_space<vmem_shared>>)
    %dma_wait3A_203 = arith.constant 3 : i32
    %dma_wait3A_204 = arith.constant 623 : i32
    %dma_wait3A_205 = arith.constant 0 : i32
    %dma_wait3A_206 = arith.constant 0 : i32
    %dma_wait3A_207 = tpu.memref_slice %arg9[%dma_wait3A_203, %dma_wait3A_205, %dma_wait3A_206] : memref<5x16x128xf32, #tpu.memory_space<vmem>> -> memref<1x16x128xf32, #tpu.memory_space<vmem>>
    %dma_wait3A_208 = tpu.memref_squeeze %dma_wait3A_207 : memref<1x16x128xf32, #tpu.memory_space<vmem>> -> memref<16x128xf32, #tpu.memory_space<vmem>>
    %dma_wait3A_209 = arith.constant 0 : i32
    %dma_wait3A_210 = tpu.memref_slice %arg8[%dma_wait3A_204, %dma_wait3A_209] : memref<625x16xi32, #tpu.memory_space<vmem>> -> memref<1x16xi32, #tpu.memory_space<vmem>>
    %dma_wait3A_211 = tpu.memref_squeeze %dma_wait3A_210 : memref<1x16xi32, #tpu.memory_space<vmem>> -> memref<16xi32, #tpu.memory_space<vmem>>
    %dma_wait3A_212 = arith.constant 0 : i32
    %dma_wait3A_213 = arith.constant 0 : i32
    %dma_wait3A_214 = tpu.memref_slice %arg10[%dma_wait3A_212, %dma_wait3A_213] : memref<10240x128xf32, #tpu.memory_space<vmem_shared>> -> memref<10240x128xf32, #tpu.memory_space<vmem_shared>>
    tpu.wait_indirect_dma semaphore(%arg19 : memref<!tpu.dma_semaphore, #tpu.memory_space<semaphore_mem>>) src(%dma_wait3A_208 : memref<16x128xf32, #tpu.memory_space<vmem>>) dst(%dma_wait3A_214 : memref<10240x128xf32, #tpu.memory_space<vmem_shared>>)
    %dma_wait3A_215 = arith.constant 4 : i32
    %dma_wait3A_216 = arith.constant 624 : i32
    %dma_wait3A_217 = arith.constant 0 : i32
    %dma_wait3A_218 = arith.constant 0 : i32
    %dma_wait3A_219 = tpu.memref_slice %arg9[%dma_wait3A_215, %dma_wait3A_217, %dma_wait3A_218] : memref<5x16x128xf32, #tpu.memory_space<vmem>> -> memref<1x16x128xf32, #tpu.memory_space<vmem>>
    %dma_wait3A_220 = tpu.memref_squeeze %dma_wait3A_219 : memref<1x16x128xf32, #tpu.memory_space<vmem>> -> memref<16x128xf32, #tpu.memory_space<vmem>>
    %dma_wait3A_221 = arith.constant 0 : i32
    %dma_wait3A_222 = tpu.memref_slice %arg8[%dma_wait3A_216, %dma_wait3A_221] : memref<625x16xi32, #tpu.memory_space<vmem>> -> memref<1x16xi32, #tpu.memory_space<vmem>>
    %dma_wait3A_223 = tpu.memref_squeeze %dma_wait3A_222 : memref<1x16xi32, #tpu.memory_space<vmem>> -> memref<16xi32, #tpu.memory_space<vmem>>
    %dma_wait3A_224 = arith.constant 0 : i32
    %dma_wait3A_225 = arith.constant 0 : i32
    %dma_wait3A_226 = tpu.memref_slice %arg10[%dma_wait3A_224, %dma_wait3A_225] : memref<10240x128xf32, #tpu.memory_space<vmem_shared>> -> memref<10240x128xf32, #tpu.memory_space<vmem_shared>>
    tpu.wait_indirect_dma semaphore(%arg20 : memref<!tpu.dma_semaphore, #tpu.memory_space<semaphore_mem>>) src(%dma_wait3A_220 : memref<16x128xf32, #tpu.memory_space<vmem>>) dst(%dma_wait3A_226 : memref<10240x128xf32, #tpu.memory_space<vmem_shared>>)
    %barrier3A_227 = arith.constant 0 : index
    tpu.barrier barrier_id(%barrier3A_227)
    %mul3A_228 = arith.constant 640 : i32
    %mul3A_229 = arith.muli %arg1, %mul3A_228 : i32
    %mul3A_230 = arith.constant 640 : i32
    %mul3A_231 = arith.muli %arg1, %mul3A_230 : i32
    "tpu.region"() ({
      %run_scoped3A = tpu.sem_alloc : memref<!tpu.dma_semaphore, #tpu.memory_space<semaphore_mem>>
      %dma_start3A_232 = arith.constant 0 : i32
      %dma_start3A_233 = tpu.memref_slice %arg6[%arg0, %mul3A_231, %dma_start3A_232] : memref<2x10240x128xf32, #tpu.memory_space<hbm>> -> memref<1x640x128xf32, #tpu.memory_space<hbm>>
      %dma_start3A_234 = tpu.memref_squeeze %dma_start3A_233 : memref<1x640x128xf32, #tpu.memory_space<hbm>> -> memref<640x128xf32, #tpu.memory_space<hbm>>
      %dma_start3A_235 = arith.constant 0 : i32
      %dma_start3A_236 = tpu.memref_slice %arg10[%mul3A_229, %dma_start3A_235] : memref<10240x128xf32, #tpu.memory_space<vmem_shared>> -> memref<640x128xf32, #tpu.memory_space<vmem_shared>>
      tpu.enqueue_dma source(%dma_start3A_236 : memref<640x128xf32, #tpu.memory_space<vmem_shared>>) target(%dma_start3A_234 : memref<640x128xf32, #tpu.memory_space<hbm>>) target_semaphore(%run_scoped3A : memref<!tpu.dma_semaphore, #tpu.memory_space<semaphore_mem>>)
      %dma_wait3A_237 = arith.constant 0 : i32
      %dma_wait3A_238 = tpu.memref_slice %arg6[%arg0, %mul3A_231, %dma_wait3A_237] : memref<2x10240x128xf32, #tpu.memory_space<hbm>> -> memref<1x640x128xf32, #tpu.memory_space<hbm>>
      %dma_wait3A_239 = tpu.memref_squeeze %dma_wait3A_238 : memref<1x640x128xf32, #tpu.memory_space<hbm>> -> memref<640x128xf32, #tpu.memory_space<hbm>>
      %dma_wait3A_240 = arith.constant 0 : i32
      %dma_wait3A_241 = tpu.memref_slice %arg10[%mul3A_229, %dma_wait3A_240] : memref<10240x128xf32, #tpu.memory_space<vmem_shared>> -> memref<640x128xf32, #tpu.memory_space<vmem_shared>>
      tpu.wait_dma2 semaphore(%run_scoped3A : memref<!tpu.dma_semaphore, #tpu.memory_space<semaphore_mem>>) src(%dma_wait3A_241 : memref<640x128xf32, #tpu.memory_space<vmem_shared>>) dst(%dma_wait3A_239 : memref<640x128xf32, #tpu.memory_space<hbm>>)
      tpu.yield
    }) : () -> ()
    return
  }
}

module attributes {stable_mosaic.version = 14 : i64} {
  func.func @_norms_body(%arg0: memref<32x10000xf32, #tpu.memory_space<vmem>>, %arg1: memref<32x10000xf32, #tpu.memory_space<vmem>>, %arg2: memref<10000x128xf32, #tpu.memory_space<vmem>>, %arg3: memref<128x128xf32, #tpu.memory_space<vmem>>, %arg4: memref<10000x128xf32, #tpu.memory_space<vmem>>, %arg5: memref<10000x1xf32, #tpu.memory_space<vmem>>, %arg6: memref<10000x1xf32, #tpu.memory_space<vmem>>) attributes {dimension_semantics = [], scalar_prefetch = 0 : i64, scratch_operands = 0 : i64, tpu.core_type = #tpu.core_type<tc>} {
    %get3A = arith.constant 0 : index
    %get3A_0 = arith.constant 0 : index
    %get3A_1 = vector.load %arg0[%get3A, %get3A_0] : memref<32x10000xf32, #tpu.memory_space<vmem>>, vector<32x10000xf32>
    %reduce_sum3A = arith.constant dense<0.000000e+00> : vector<10000xf32>
    %reduce_sum3A_2 = vector.multi_reduction <add>, %get3A_1, %reduce_sum3A [0] : vector<32x10000xf32> to vector<10000xf32>
    %get3A_3 = arith.constant 0 : index
    %get3A_4 = arith.constant 0 : index
    %get3A_5 = vector.load %arg1[%get3A_3, %get3A_4] : memref<32x10000xf32, #tpu.memory_space<vmem>>, vector<32x10000xf32>
    %reduce_sum3A_6 = arith.constant dense<0.000000e+00> : vector<10000xf32>
    %reduce_sum3A_7 = vector.multi_reduction <add>, %get3A_5, %reduce_sum3A_6 [0] : vector<32x10000xf32> to vector<10000xf32>
    %gt3A = arith.constant 0.000000e+00 : f32
    %gt3A_8 = vector.broadcast %gt3A : f32 to vector<10000xf32>
    %gt3A_9 = arith.cmpf ogt, %reduce_sum3A_2, %gt3A_8 : vector<10000xf32>
    %max3A = arith.constant 1.000000e+00 : f32
    %max3A_10 = vector.broadcast %max3A : f32 to vector<10000xf32>
    %max3A_11 = arith.maximumf %reduce_sum3A_2, %max3A_10 : vector<10000xf32>
    %rsqrt3A = math.rsqrt %max3A_11 : vector<10000xf32>
    %jit3A = arith.constant 0.000000e+00 : f32
    %broadcast_in_dim3A = vector.broadcast %jit3A : f32 to vector<10000xf32>
    %select_n3A = arith.select %gt3A_9, %rsqrt3A, %broadcast_in_dim3A : vector<10000xi1>, vector<10000xf32>
    %gt3A_12 = arith.constant 0.000000e+00 : f32
    %gt3A_13 = vector.broadcast %gt3A_12 : f32 to vector<10000xf32>
    %gt3A_14 = arith.cmpf ogt, %reduce_sum3A_7, %gt3A_13 : vector<10000xf32>
    %max3A_15 = arith.constant 1.000000e+00 : f32
    %max3A_16 = vector.broadcast %max3A_15 : f32 to vector<10000xf32>
    %max3A_17 = arith.maximumf %reduce_sum3A_7, %max3A_16 : vector<10000xf32>
    %rsqrt3A_18 = math.rsqrt %max3A_17 : vector<10000xf32>
    %jit3A_19 = arith.constant 0.000000e+00 : f32
    %broadcast_in_dim3A_20 = vector.broadcast %jit3A_19 : f32 to vector<10000xf32>
    %select_n3A_21 = arith.select %gt3A_14, %rsqrt3A_18, %broadcast_in_dim3A_20 : vector<10000xi1>, vector<10000xf32>
    %broadcast_in_dim3A_22 = vector.shape_cast %select_n3A : vector<10000xf32> to vector<10000x1xf32>
    %swap3A = arith.constant 0 : index
    %swap3A_23 = arith.constant 0 : index
    %swap3A_24 = vector.load %arg5[%swap3A, %swap3A_23] : memref<10000x1xf32, #tpu.memory_space<vmem>>, vector<10000x1xf32>
    tpu.vector_store %arg5[%swap3A, %swap3A_23], %broadcast_in_dim3A_22 {strides = array<i32>} : memref<10000x1xf32, #tpu.memory_space<vmem>>, vector<10000x1xf32>,
    %broadcast_in_dim3A_25 = vector.shape_cast %select_n3A_21 : vector<10000xf32> to vector<10000x1xf32>
    %swap3A_26 = arith.constant 0 : index
    %swap3A_27 = arith.constant 0 : index
    %swap3A_28 = vector.load %arg6[%swap3A_26, %swap3A_27] : memref<10000x1xf32, #tpu.memory_space<vmem>>, vector<10000x1xf32>
    tpu.vector_store %arg6[%swap3A_26, %swap3A_27], %broadcast_in_dim3A_25 {strides = array<i32>} : memref<10000x1xf32, #tpu.memory_space<vmem>>, vector<10000x1xf32>,
    %get3A_29 = arith.constant 0 : index
    %get3A_30 = arith.constant 0 : index
    %get3A_31 = vector.load %arg2[%get3A_29, %get3A_30] : memref<10000x128xf32, #tpu.memory_space<vmem>>, vector<10000x128xf32>
    %broadcast_in_dim3A_32 = vector.shape_cast %select_n3A : vector<10000xf32> to vector<10000x1xf32>
    %mul3A = vector.broadcast %broadcast_in_dim3A_32 : vector<10000x1xf32> to vector<10000x128xf32>
    %mul3A_33 = arith.mulf %get3A_31, %mul3A : vector<10000x128xf32>
    %get3A_34 = arith.constant 0 : index
    %get3A_35 = arith.constant 0 : index
    %get3A_36 = vector.load %arg3[%get3A_34, %get3A_35] : memref<128x128xf32, #tpu.memory_space<vmem>>, vector<128x128xf32>
    %dot_general3A = arith.constant dense<0.000000e+00> : vector<10000x128xf32>
    %dot_general3A_37 = tpu.matmul %mul3A_33, %get3A_36, %dot_general3A {dimension_numbers = #tpu.dot_dimension_numbers<[1], [0], [0], [1], [0, 0, 1, 1], [], []>, transpose_lhs_hint = false} : vector<10000x128xf32>, vector<128x128xf32>, vector<10000x128xf32> -> vector<10000x128xf32>
    %swap3A_38 = arith.constant 0 : index
    %swap3A_39 = arith.constant 0 : index
    %swap3A_40 = vector.load %arg4[%swap3A_38, %swap3A_39] : memref<10000x128xf32, #tpu.memory_space<vmem>>, vector<10000x128xf32>
    tpu.vector_store %arg4[%swap3A_38, %swap3A_39], %dot_general3A_37 {strides = array<i32>} : memref<10000x128xf32, #tpu.memory_space<vmem>>, vector<10000x128xf32>,
    return
  }
}

module attributes {stable_mosaic.version = 14 : i64} {
  func.func @_mid_body(%arg0: memref<2x10240x128xf32, #tpu.memory_space<vmem>>, %arg1: memref<10000x1xf32, #tpu.memory_space<vmem>>, %arg2: memref<128xf32, #tpu.memory_space<vmem>>, %arg3: memref<10000x1xf32, #tpu.memory_space<vmem>>, %arg4: memref<128x128xf32, #tpu.memory_space<vmem>>, %arg5: memref<10000x128xf32, #tpu.memory_space<vmem>>) attributes {dimension_semantics = [], scalar_prefetch = 0 : i64, scratch_operands = 0 : i64, tpu.core_type = #tpu.core_type<tc>} {
    %get3A = arith.constant 0 : index
    %get3A_0 = arith.constant 0 : index
    %get3A_1 = arith.constant 0 : index
    %get3A_2 = vector.load %arg0[%get3A, %get3A_0, %get3A_1] : memref<2x10240x128xf32, #tpu.memory_space<vmem>>, vector<1x10000x128xf32>
    %get3A_3 = vector.shape_cast %get3A_2 : vector<1x10000x128xf32> to vector<10000x128xf32>
    %get3A_4 = arith.constant 1 : index
    %get3A_5 = arith.constant 0 : index
    %get3A_6 = arith.constant 0 : index
    %get3A_7 = vector.load %arg0[%get3A_4, %get3A_5, %get3A_6] : memref<2x10240x128xf32, #tpu.memory_space<vmem>>, vector<1x10000x128xf32>
    %get3A_8 = vector.shape_cast %get3A_7 : vector<1x10000x128xf32> to vector<10000x128xf32>
    %add3A = arith.addf %get3A_3, %get3A_8 : vector<10000x128xf32>
    %get3A_9 = arith.constant 0 : index
    %get3A_10 = arith.constant 0 : index
    %get3A_11 = vector.load %arg1[%get3A_9, %get3A_10] : memref<10000x1xf32, #tpu.memory_space<vmem>>, vector<10000x1xf32>
    %mul3A = vector.broadcast %get3A_11 : vector<10000x1xf32> to vector<10000x128xf32>
    %mul3A_12 = arith.mulf %add3A, %mul3A : vector<10000x128xf32>
    %get3A_13 = arith.constant 0 : index
    %get3A_14 = vector.load %arg2[%get3A_13] : memref<128xf32, #tpu.memory_space<vmem>>, vector<128xf32>
    %broadcast_in_dim3A = vector.shape_cast %get3A_14 : vector<128xf32> to vector<1x128xf32>
    %add3A_15 = vector.broadcast %broadcast_in_dim3A : vector<1x128xf32> to vector<10000x128xf32>
    %add3A_16 = arith.addf %mul3A_12, %add3A_15 : vector<10000x128xf32>
    %max3A = arith.constant 0.000000e+00 : f32
    %max3A_17 = vector.broadcast %max3A : f32 to vector<10000x128xf32>
    %max3A_18 = arith.maximumf %add3A_16, %max3A_17 : vector<10000x128xf32>
    %get3A_19 = arith.constant 0 : index
    %get3A_20 = arith.constant 0 : index
    %get3A_21 = vector.load %arg3[%get3A_19, %get3A_20] : memref<10000x1xf32, #tpu.memory_space<vmem>>, vector<10000x1xf32>
    %mul3A_22 = vector.broadcast %get3A_21 : vector<10000x1xf32> to vector<10000x128xf32>
    %mul3A_23 = arith.mulf %max3A_18, %mul3A_22 : vector<10000x128xf32>
    %get3A_24 = arith.constant 0 : index
    %get3A_25 = arith.constant 0 : index
    %get3A_26 = vector.load %arg4[%get3A_24, %get3A_25] : memref<128x128xf32, #tpu.memory_space<vmem>>, vector<128x128xf32>
    %dot_general3A = arith.constant dense<0.000000e+00> : vector<10000x128xf32>
    %dot_general3A_27 = tpu.matmul %mul3A_23, %get3A_26, %dot_general3A {dimension_numbers = #tpu.dot_dimension_numbers<[1], [0], [0], [1], [0, 0, 1, 1], [], []>, transpose_lhs_hint = false} : vector<10000x128xf32>, vector<128x128xf32>, vector<10000x128xf32> -> vector<10000x128xf32>
    %swap3A = arith.constant 0 : index
    %swap3A_28 = arith.constant 0 : index
    %swap3A_29 = vector.load %arg5[%swap3A, %swap3A_28] : memref<10000x128xf32, #tpu.memory_space<vmem>>, vector<10000x128xf32>
    tpu.vector_store %arg5[%swap3A, %swap3A_28], %dot_general3A_27 {strides = array<i32>} : memref<10000x128xf32, #tpu.memory_space<vmem>>, vector<10000x128xf32>,
    return
  }
}

module attributes {stable_mosaic.version = 14 : i64} {
  func.func @_fin_body(%arg0: memref<2x10240x128xf32, #tpu.memory_space<vmem>>, %arg1: memref<10000x1xf32, #tpu.memory_space<vmem>>, %arg2: memref<128xf32, #tpu.memory_space<vmem>>, %arg3: memref<10000x128xf32, #tpu.memory_space<vmem>>) attributes {dimension_semantics = [], scalar_prefetch = 0 : i64, scratch_operands = 0 : i64, tpu.core_type = #tpu.core_type<tc>} {
    %get3A = arith.constant 0 : index
    %get3A_0 = arith.constant 0 : index
    %get3A_1 = arith.constant 0 : index
    %get3A_2 = vector.load %arg0[%get3A, %get3A_0, %get3A_1] : memref<2x10240x128xf32, #tpu.memory_space<vmem>>, vector<1x10000x128xf32>
    %get3A_3 = vector.shape_cast %get3A_2 : vector<1x10000x128xf32> to vector<10000x128xf32>
    %get3A_4 = arith.constant 1 : index
    %get3A_5 = arith.constant 0 : index
    %get3A_6 = arith.constant 0 : index
    %get3A_7 = vector.load %arg0[%get3A_4, %get3A_5, %get3A_6] : memref<2x10240x128xf32, #tpu.memory_space<vmem>>, vector<1x10000x128xf32>
    %get3A_8 = vector.shape_cast %get3A_7 : vector<1x10000x128xf32> to vector<10000x128xf32>
    %add3A = arith.addf %get3A_3, %get3A_8 : vector<10000x128xf32>
    %get3A_9 = arith.constant 0 : index
    %get3A_10 = arith.constant 0 : index
    %get3A_11 = vector.load %arg1[%get3A_9, %get3A_10] : memref<10000x1xf32, #tpu.memory_space<vmem>>, vector<10000x1xf32>
    %mul3A = vector.broadcast %get3A_11 : vector<10000x1xf32> to vector<10000x128xf32>
    %mul3A_12 = arith.mulf %add3A, %mul3A : vector<10000x128xf32>
    %get3A_13 = arith.constant 0 : index
    %get3A_14 = vector.load %arg2[%get3A_13] : memref<128xf32, #tpu.memory_space<vmem>>, vector<128xf32>
    %broadcast_in_dim3A = vector.shape_cast %get3A_14 : vector<128xf32> to vector<1x128xf32>
    %add3A_15 = vector.broadcast %broadcast_in_dim3A : vector<1x128xf32> to vector<10000x128xf32>
    %add3A_16 = arith.addf %mul3A_12, %add3A_15 : vector<10000x128xf32>
    %swap3A = arith.constant 0 : index
    %swap3A_17 = arith.constant 0 : index
    %swap3A_18 = vector.load %arg3[%swap3A, %swap3A_17] : memref<10000x128xf32, #tpu.memory_space<vmem>>, vector<10000x128xf32>
    tpu.vector_store %arg3[%swap3A, %swap3A_17], %add3A_16 {strides = array<i32>} : memref<10000x128xf32, #tpu.memory_space<vmem>>, vector<10000x128xf32>,
    return
  }
}

</mosaic_0001>

<sc_bundles>
// kernel: kernel.11.cloned.1.call-start
scs
__scs_entry_jumppad:
0x0: {  	(pc) =	sbr.rel $0x88, $3  }
0x1: {  	(tag) =	ssettag $0x0;
	lr =	simm.s32 $0x1  }
0x2: {  	[smem:$0x3F9B] =	sst lr;
	_ =	strace $0xD0000000  }
0x3: {  	_ = 	snop  }
0x4: {  	_ = 	snop  }
0x5: {  	_ = 	snop  }
0x6: {  	_ = 	snop  }
0x7: {  	_ = 	snop  }
__scs_overlays_trampoline_lowered:
0x8: {  	[smem:$0x3FAA] =	sst s0  }
0x9: {  	[smem:$0x3FAB] =	sst s1  }
0xa: {  	[smem:$0x3FAC] =	sst s2  }
0xb: {  	[smem:$0x3FAD] =	sst s3  }
0xc: {  	[smem:$0x3FAE] =	sst s4  }
0xd: {  	[smem:$0x3FAF] =	sst s5  }
0xe: {  	[smem:$0x3FB0] =	sst s6  }
0xf: {  	[smem:$0x3FB1] =	sst s7  }
0x10: {  	[smem:$0x3FB2] =	sst s8  }
0x11: {  	[smem:$0x3FB3] =	sst s9;
	s0 =	simm.s32 @!p0 $0x0  }
0x12: {  	s1 =	sld [smem:$0x3F99];
	s0 =	simm.s32 @p0 $0x1  }
0x13: {  	[smem:$0x3FB4] =	sst s0;
	s0 =	simm.s32 @!p1 $0x0  }
0x14: {  	s2 =	sld [smem:$0x3F98];
	s0 =	simm.s32 @p1 $0x1  }
0x15: {  	[smem:$0x3FB5] =	sst s0;
	s0 =	simm.s32 @!p2 $0x0  }
0x16: {  	s3 =	sld [smem:$0x3FDB];
	s0 =	simm.s32 @p2 $0x1  }
0x17: {  	s4 =	simm.s32 $0x1BF5;
	[smem:$0x3FB7] =	sst s0  }
0x18: {  	s0 =	sld [smem:$0x3F9A];
	_ =	swait.ge [sflag:s4], $0x0  }
0x19: {  	s7 =	sld [smem:$0x3F9B]  }
0x1a: {  	s8 =	sadd.s32 $0xFFFFE003, lr  }
0x1b: {  	s9 =	sadd.s32 $0xFFFFFEF7, lr;
	s5 =	simm.s32 $0xFFFFFFFF;
	p2 =	slt.u32 s8, $0xFFFFF086  }
0x1c: {  	p1 =	slt.u32 s9, $0xF7A;
	s5 =	simm.s32 @!p2 $0x0  }
0x1d: {  	s5 =	simm.s32 @p1 $0x1;
	p0 =	seq.s32 s7, s2  }
0x1e: {  	s7 =	smul.u32 @!p0 $0xF7A, s2;
	p2 =	seq.s32 @!p0 s5, $0x0  }
0x1f: {  	s9 =	smul.u32 $0xF7A, s1;
	s8 =	simm.s32 @!p0 $0x1BF5;
	p2 =	por !p2, p0  }
0x20: {  	[sflag:s8] =	ssyncset.s32 @!p0 $0xFFFFF086;
	s6 =	sadd.s32 @!p0 s3, s7;
	s7 =	simm.s32 @!p0 $0x108  }
0x21: {  	s3 =	sadd.s32 s3, s9;
	s6 =	sadd.s32 @!p0 $0x88, s6;
	s7 =	simm.s32 @p2 $0x1082  }
0x22: {  	[simem:s7], [sflag:s8] =	dma.local @!p0 [hbm:s6], $0xF7A  }
0x23: {  	s9 =	sor.u32 $0xD0000000, s2;
	s6 =	simm.s32 $0x108;
	_ =	swait.ge @!p0 [sflag:s8], $0x0  }
0x24: {  	s3 =	sadd.s32 $0x88, s3;
	s6 =	simm.s32 @!p1 $0x1082;
	[sflag:s4] =	ssyncset.s32 $0xFFFFF086  }
0x25: {  	[simem:s6], [sflag:s4] =	dma.local [hbm:s3], $0xF7A  }
0x26: {  	[smem:$0x3F9B] =	sst s1;
	(tag) =	ssettag s2;
	_ =	strace s9  }
0x27: {  	s1 =	sld [smem:$0x3FAB]  }
0x28: {  	s2 =	sld [smem:$0x3FAC]  }
0x29: {  	s4 =	sld [smem:$0x3FAE]  }
0x2a: {  	p0 =	seq.s32 s5, $0x0;
	s5 =	sld [smem:$0x3FAF]  }
0x2b: {  	s6 =	sld [smem:$0x3FB0]  }
0x2c: {  	s7 =	sld [smem:$0x3FB1]  }
0x2d: {  	s3 =	simm.s32 $0x108;
	s8 =	sld [smem:$0x3FB2]  }
0x2e: {  	s3 =	simm.s32 @!p0 $0x1082;
	s9 =	sld [smem:$0x3FB3]  }
0x2f: {  	lr =	sadd.s32 s0, s3;
	s0 =	sld [smem:$0x3FAA]  }
0x30: {  	s3 =	sld [smem:$0x3FAD]  }
0x31: {  	[smem:$0x3FB6] =	sst s10  }
0x32: {  	s10 =	sld [smem:$0x3FB4];
	_ =	sdelay $0x3  }
0x33: {  	p0 =	seq.s32 s10, $0x1;
	s10 =	sld [smem:$0x3FB6];
	_ =	sdelay $0x3  }
0x34: {  	[smem:$0x3FB6] =	sst s10  }
0x35: {  	s10 =	sld [smem:$0x3FB5];
	_ =	sdelay $0x3  }
0x36: {  	p1 =	seq.s32 s10, $0x1;
	s10 =	sld [smem:$0x3FB6];
	_ =	sdelay $0x3  }
0x37: {  	[smem:$0x3FB6] =	sst s10  }
0x38: {  	s10 =	sld [smem:$0x3FB7]  }
0x39: {  	_ = 	snop;
	(pc) =	sbr.ind lr, $3  }
0x3a: {  	_ = 	snop  }
0x3b: {  	_ = 	snop  }
0x3c: {  	p2 =	seq.s32 s10, $0x1;
	s10 =	sld [smem:$0x3FB6]  }
0x3d: {  	_ =	shalt  }
0x3e: {  	_ =	shalt  }
0x3f: {  	_ =	shalt  }
0x40: {  	_ =	shalt  }
0x41: {  	_ =	shalt  }
0x42: {  	_ =	shalt  }
0x43: {  	_ =	shalt  }
0x44: {  	_ =	shalt  }
0x45: {  	_ =	shalt  }
0x46: {  	_ =	shalt  }
0x47: {  	_ =	shalt  }
0x48: {  	_ =	shalt  }
0x49: {  	_ =	shalt  }
0x4a: {  	_ =	shalt  }
0x4b: {  	_ =	shalt  }
0x4c: {  	_ =	shalt  }
0x4d: {  	_ =	shalt  }
0x4e: {  	_ =	shalt  }
0x4f: {  	_ =	shalt  }
0x50: {  	_ =	shalt  }
0x51: {  	_ =	shalt  }
0x52: {  	_ =	shalt  }
0x53: {  	_ =	shalt  }
0x54: {  	_ =	shalt  }
0x55: {  	_ =	shalt  }
0x56: {  	_ =	shalt  }
0x57: {  	_ =	shalt  }
0x58: {  	_ =	shalt  }
0x59: {  	_ =	shalt  }
0x5a: {  	_ =	shalt  }
0x5b: {  	_ =	shalt  }
0x5c: {  	_ =	shalt  }
0x5d: {  	_ =	shalt  }
0x5e: {  	_ =	shalt  }
0x5f: {  	_ =	shalt  }
0x60: {  	_ =	shalt  }
0x61: {  	_ =	shalt  }
0x62: {  	_ =	shalt  }
0x63: {  	_ =	shalt  }
0x64: {  	_ =	shalt  }
0x65: {  	_ =	shalt  }
0x66: {  	_ =	shalt  }
0x67: {  	_ =	shalt  }
0x68: {  	_ =	shalt  }
0x69: {  	_ =	shalt  }
0x6a: {  	_ =	shalt  }
0x6b: {  	_ =	shalt  }
0x6c: {  	_ =	shalt  }
0x6d: {  	_ =	shalt  }
0x6e: {  	_ =	shalt  }
0x6f: {  	_ =	shalt  }
0x70: {  	_ =	shalt  }
0x71: {  	_ =	shalt  }
0x72: {  	_ =	shalt  }
0x73: {  	_ =	shalt  }
0x74: {  	_ =	shalt  }
0x75: {  	_ =	shalt  }
0x76: {  	_ =	shalt  }
0x77: {  	_ =	shalt  }
0x78: {  	_ =	shalt  }
0x79: {  	_ =	shalt  }
0x7a: {  	_ =	shalt  }
0x7b: {  	_ =	shalt  }
0x7c: {  	_ =	shalt  }
0x7d: {  	_ =	shalt  }
0x7e: {  	_ =	shalt  }
0x7f: {  	_ =	shalt  }
0x80: {  	_ =	shalt  }
0x81: {  	_ =	shalt  }
0x82: {  	_ =	shalt  }
0x83: {  	_ =	shalt  }
0x84: {  	_ =	shalt  }
0x85: {  	_ =	shalt  }
0x86: {  	_ =	shalt  }
0x87: {  	_ =	shalt  }
.Lfunc_end0:
.L_simem_size_0:
called_computation.1_lowered:
.L_overlay_start_0:
0x88: {  	s2 =	sld [smem:$0x3FD9]  }
0x89: {  	s3 =	sld [smem:$0x3FFE];
	_ =	sdelay $0x1  }
0x8a: {  	s1 =	srdreg.scid  }
0x8b: {  	s0 =	sand.u32 $0x1, s1  }
0x8c: {  	s17 =	sshll.u32 s0, $0xA;
	s2 =	sadd.s32 s3, s2  }
0x8d: {  	s2 =	sadd.s32 s2, s17  }
0x8e: {  	[smem:$0x3FC2] =	sst s2  }
0x8f: {  	_ = 	snop  }
0x90: {  	s2 =	sld [smem:$0x3FD0];
	(tm) =	ssettm $0x1  }
0x91: {  	s18 =	sld [smem:$0x3FFB];
	_ =	sdelay $0x3  }
0x92: {  	_ =	strace s18  }
0x93: {  	s3 =	sld [smem:$0x3FFC];
	_ =	sdelay $0x3  }
0x94: {  	_ =	strace s3  }
0x95: {  	s3 =	sld [smem:$0x3FFD];
	_ =	sdelay $0x3  }
0x96: {  	_ =	strace s3  }
0x97: {  	_ =	strace $0x8FFFFFFF  }
0x98: {  	s19 =	sld [smem:$0x3FDB];
	_ =	sdelay $0x1  }
0x99: {  	s4 =	simm.s32 $_scs_section_size  }
0x9a: {  	s5 =	simm.s32 $_size__tile_overlayer_lowered;
	s6 =	simm.s32 $_tile_overlayer_lowered  }
0x9b: {  	s22 =	simm.s32 $0x1BFF;
	s21 =	sshll.u32 s6, $0x1;
	s3 =	sadd.s32 s4, s19  }
0x9c: {  	s7 =	simm.s32 $0x0;
	s20 =	sshll.u32 s5, $0x1;
	s5 =	sadd.s32 s21, s3  }
0x9d: {  	[timem:s7], [sflag:s22] =	dma.local [hbm:s5], s20  }
0x9e: {  	_ =	swait.ge [sflag:s22], s20  }
0x9f: {  	s4 =	ssub.s32 $0x0, s20;
	[sflag:s22] =	ssyncset.done $0x0  }
0xa0: {  	[sflag:s22] =	ssyncadd.s32 s4;
	_ =	sdelay $0x1  }
0xa1: {  	s23 =	simm.s32 $0x1B8B  }
0xa2: {  	_ =	swait.ge [sflag:s23], $0x1  }
0xa3: {  	[sflag:s23] =	ssyncset.done $0x0  }
0xa4: {  	s25 =	simm.s32 $0x1B8E;
	s24 =	sld [smem:$0x3FFE];
	[sflag:s23] =	ssyncadd.s32 $0xFFFFFFFF  }
0xa5: {  	s26 =	simm.s32 $execute0_lowered;
	[smem:$0x3FD2] =	sst s25  }
0xa6: {  	s5 =	sshll.u32 s26, $0x1;
	_ =	strace $0x80000049;
	[dreg:$0x1] =	wrdreg $0xFFFFFFFF  }
0xa7: {  	s28 =	simm.s32 $_size_execute0_lowered;
	s3 =	sadd.s32 s3, s5;
	[dreg:$0x0] =	wrdreg $0x0  }
0xa8: {  	s5 =	sshll.u32 s28, $0x1;
	[dreg:$0x2] =	wrdreg s3  }
0xa9: {  	[dreg:$0x3] =	wrdreg s5  }
0xaa: {  	[dreg:$0x4] =	wrdreg $0xC0  }
0xab: {  	_ =	task [dreg:s7], $0x5FFFF  }
0xac: {  	[dreg:$0x1] =	wrdreg $0xFFFFFFFF  }
0xad: {  	[dreg:$0x0] =	wrdreg $0x60  }
0xae: {  	[dreg:$0x2] =	wrdreg s2  }
0xaf: {  	[dreg:$0x3] =	wrdreg s24  }
0xb0: {  	[dreg:$0x4] =	wrdreg $0x76200  }
0xb1: {  	[dreg:$0x5] =	wrdreg $0x9  }
0xb2: {  	_ =	task.clear_ibuf [dreg:s7], $0x6FFFF;
	_ =	strace $0x90000049  }
0xb3: {  	s29 =	simm.s32 $0x9;
	_ =	strace $0x8000004B  }
0xb4: {  	_ =	swait.ge [sflag:s29], $0x1  }
0xb5: {  	[sflag:s29] =	ssyncadd.s32 $0xFFFFFFFF  }
0xb6: {  	_ =	strace $0x9000004B  }
0xb7: {  	_ =	sfence  }
0xb8: {  	s30 =	sld [smem:$0x0];
	_ =	sdelay $0x2  }
0xb9: {  	s31 =	sshll.u32 s1, $0xD;
	s1 =	sshrl.u32 s1, $0x2  }
0xba: {  	s3 =	sand.u32 $0x4000, s31;
	s1 =	sadd.s32 s1, s30  }
0xbb: {  	s0 =	sor.u32 s3, s0;
	s1 =	sshll.u32 s1, $0x11  }
0xbc: {  	s0 =	sor.u32 s1, s0  }
0xbd: {  	s0 =	sadd.s32 $0x8F2B, s0  }
0xbe: {  	[sflag:s0] =	ssyncadd.remote.s32 $0x1  }
0xbf: {  	_ =	sfence.sel $0xFFFF  }
0xc0: {  	[dreg:$0x0] =	wrdreg $0xFFFFFFFF;
	(pc) =	sbr.abs _section_cstart, $3  }
0xc1: {  	[dreg:$0x1] =	wrdreg $0xFFFFFFFF  }
0xc2: {  	_ =	task.clear_ibuf [dreg:s7], $0x2FFFF;
	_ =	strace $0x9FFFFFFF  }
0xc3: {  	(tm) =	ssettm $0x7FFFFFFF  }
tec
execute0_lowered:
.L_overlay_start_1:
0x0: {  	(tag) =	ssettag $0x1  }
0x1: {  	s2 =	rddreg [dreg:$0x0]  }
0x2: {  	s0 =	rddreg [dreg:$0x1];
	s1 =	srdreg.scid  }
0x3: {  	s3 =	rddreg [dreg:$0x2];
	s12 =	stileid.u32;
	s4 =	simm.s32 $0x0  }
0x4: {  	s10 =	simm.s32 $0xB;
	s14 =	simm.s32 $0x10;
	s15 =	simm.s32 $0x4E20  }
0x5: {  	s16 =	simm.s32 $0x5620;
	s18 =	simm.s32 $0x5E20;
	s20 =	simm.s32 $0x6620  }
0x6: {  	s22 =	simm.s32 $0x6E20;
	s23 =	simm.s32 $0x1;
	s24 =	simm.s32 $0x2  }
0x7: {  	s28 =	simm.s32 $0x5;
	s29 =	simm.s32 $0x6;
	s30 =	simm.s32 $0x7  }
0x8: {  	s31 =	simm.s32 $0x8;
	s17 =	simm.s32 $0x0;
	s1 =	sand.u32 $0x1, s1  }
0x9: {  	s8 =	smul.u32 $0x14000, s12;
	[smem:$0x7FF] =	sst s4;
	s26 =	sshll.u32 s12, $0x6  }
0xa: {  	s5 =	sshll.u32 s1, $0x4;
	s6 =	smul.u32 $0x140000, s1;
	s1 =	ssub.s32 $0x2, s1  }
0xb: {  	_ =	strace $0x8000004A;
	s5 =	sor.u32 s12, s5;
	s25 =	sshrl.u32 s1, $0x1  }
0xc: {  	s11 =	sadd.s32 s8, s3;
	s12 =	sor.u32 $0x1C0B, s26;
	s26 =	simm.s32 $0x4  }
0xd: {  	s5 =	smul.u32 $0x4E2, s5;
	s6 =	sadd.s32 s8, s6;
	s1 =	ssub.s32 s1, s25  }
0xe: {  	s13 =	sshrl.u32 s11, $0x3;
	s25 =	simm.s32 $0x3;
	s6 =	sshrl.u32 s6, $0x3  }
0xf: {  	s9 =	smax.u32 s1, $0x1;
	s1 =	simm.s32 $0xA;
	s7 =	sadd.s32 s5, s0  }
0x10: {  	s5 =	sadd.s32 $0x15600, s0;
	s0 =	sadd.s32 s6, s0;
	s6 =	sadd.s32 $0xB800, s7  }
0x11: {  	s7 =	sadd.s32 $0x1A00, s7;
	s8 =	sadd.s32 $0x17E00, s0;
	s0 =	simm.s32 $0x9  }
.LBB2_1:
0x12: {  	[tilespmem:s4], [sflag:$0xB] =	stream.linear.gather [hbm4b:s6+s4], $0x2710, $0x38;
	[tilespmem:$0x1B620] =	vst v63  }
0x13: {  	_ =	swait.ge [sflag:s10], $0x2710  }
0x14: {  	[sflag:s10] =	ssyncset.done $0x0  }
0x15: {  	s11 =	simm.s32 $0x2710;
	[sflag:s10] =	ssyncadd.s32 $0xFFFFD8F0  }
0x16: {  	[tilespmem:s11], [sflag:$0xB] =	stream.linear.gather [hbm4b:s7+s4], $0x2710, $0x38;
	[tilespmem:$0x1B620] =	vst v63  }
0x17: {  	_ =	swait.ge [sflag:s10], $0x2710  }
0x18: {  	[sflag:s10] =	ssyncset.done $0x0  }
0x19: {  	[sflag:s10] =	ssyncadd.s32 $0xFFFFD8F0  }
0x1a: {  	[spmem:s13], [sflag:s12] =	dma.local [hbm:s5], $0x2800  }
0x1b: {  	_ =	swait.ge [sflag:s10], $0x2800  }
0x1c: {  	[sflag:s10] =	ssyncset.done $0x0  }
0x1d: {  	[sflag:s10] =	ssyncadd.s32 $0xFFFFD800  }
0x1e: {  	[bflag:$0x0] =	sbarrier.arrive $0xFFFF  }
0x1f: {  	[tilespmem:s15], [sflag:$0x1] =	stream.indirect.gather [hbm4b:s2+s14], $0x80, s4, s14, $0xb8;
	[tilespmem:$0x1B620] =	vst v63  }
0x20: {  	_ = 	snop  }
0x21: {  	[tilespmem:s16], [sflag:$0x2] =	stream.indirect.gather [hbm4b:s2+s14], $0x80, s14, s14, $0xb8;
	[tilespmem:$0x1B620] =	vst v63  }
0x22: {  	s21 =	simm.s32 $0x20  }
0x23: {  	[tilespmem:s18], [sflag:$0x3] =	stream.indirect.gather [hbm4b:s2+s14], $0x80, s21, s14, $0xb8;
	[tilespmem:$0x1B620] =	vst v63  }
0x24: {  	s19 =	simm.s32 $0x30  }
0x25: {  	[tilespmem:s20], [sflag:$0x4] =	stream.indirect.gather [hbm4b:s2+s14], $0x80, s19, s14, $0xb8;
	[tilespmem:$0x1B620] =	vst v63  }
0x26: {  	s21 =	simm.s32 $0x40  }
0x27: {  	[tilespmem:s22], [sflag:$0x5] =	stream.indirect.gather [hbm4b:s2+s14], $0x80, s21, s14, $0xb8;
	[tilespmem:$0x1B620] =	vst v63  }
0x28: {  	_ =	swait.ge [sflag:s23], $0x800  }
0x29: {  	[sflag:s23] =	ssyncset.done $0x0  }
0x2a: {  	s19 =	simm.s32 $0x2710;
	[sflag:s23] =	ssyncadd.s32 $0xFFFFF800  }
0x2b: {  	[spmem:s3] =	stream.indirect.scatter.add.f32 [tilespmem:s15], [sflag:$0x6], $0x80, s19, s14, $0xb8;
	[tilespmem:$0x1B620] =	vst v63  }
0x2c: {  	_ =	swait.ge [sflag:s24], $0x800  }
0x2d: {  	[sflag:s24] =	ssyncset.done $0x0  }
0x2e: {  	s11 =	simm.s32 $0x2720;
	[sflag:s24] =	ssyncadd.s32 $0xFFFFF800  }
0x2f: {  	[spmem:s3] =	stream.indirect.scatter.add.f32 [tilespmem:s16], [sflag:$0x7], $0x80, s11, s14, $0xb8;
	[tilespmem:$0x1B620] =	vst v63  }
0x30: {  	_ =	swait.ge [sflag:s25], $0x800  }
0x31: {  	[sflag:s25] =	ssyncset.done $0x0  }
0x32: {  	s21 =	simm.s32 $0x2730;
	[sflag:s25] =	ssyncadd.s32 $0xFFFFF800  }
0x33: {  	[spmem:s3] =	stream.indirect.scatter.add.f32 [tilespmem:s18], [sflag:$0x8], $0x80, s21, s14, $0xb8;
	[tilespmem:$0x1B620] =	vst v63  }
0x34: {  	_ =	swait.ge [sflag:s26], $0x800  }
0x35: {  	[sflag:s26] =	ssyncset.done $0x0  }
0x36: {  	s11 =	simm.s32 $0x2740;
	[sflag:s26] =	ssyncadd.s32 $0xFFFFF800  }
0x37: {  	[spmem:s3] =	stream.indirect.scatter.add.f32 [tilespmem:s20], [sflag:$0x9], $0x80, s11, s14, $0xb8;
	[tilespmem:$0x1B620] =	vst v63  }
0x38: {  	_ =	swait.ge [sflag:s28], $0x800  }
0x39: {  	[sflag:s28] =	ssyncset.done $0x0  }
0x3a: {  	s21 =	simm.s32 $0x2750;
	[sflag:s28] =	ssyncadd.s32 $0xFFFFF800  }
0x3b: {  	[spmem:s3] =	stream.indirect.scatter.add.f32 [tilespmem:s22], [sflag:$0xA], $0x80, s21, s14, $0xb8;
	[tilespmem:$0x1B620] =	vst v63  }
0x3c: {  	_ =	swait.ge [sflag:s29], $0x800  }
0x3d: {  	[sflag:s29] =	ssyncset.done $0x0  }
0x3e: {  	s11 =	simm.s32 $0x50;
	[sflag:s29] =	ssyncadd.s32 $0xFFFFF800  }
0x3f: {  	[tilespmem:s15], [sflag:$0x1] =	stream.indirect.gather [hbm4b:s2+s14], $0x80, s11, s14, $0xb8;
	[tilespmem:$0x1B620] =	vst v63  }
0x40: {  	_ =	swait.ge [sflag:s30], $0x800  }
0x41: {  	[sflag:s30] =	ssyncset.done $0x0  }
0x42: {  	s21 =	simm.s32 $0x60;
	[sflag:s30] =	ssyncadd.s32 $0xFFFFF800  }
0x43: {  	[tilespmem:s16], [sflag:$0x2] =	stream.indirect.gather [hbm4b:s2+s14], $0x80, s21, s14, $0xb8;
	[tilespmem:$0x1B620] =	vst v63  }
0x44: {  	_ =	swait.ge [sflag:s31], $0x800  }
0x45: {  	[sflag:s31] =	ssyncset.done $0x0  }
0x46: {  	s11 =	simm.s32 $0x70;
	[sflag:s31] =	ssyncadd.s32 $0xFFFFF800  }
0x47: {  	[tilespmem:s18], [sflag:$0x3] =	stream.indirect.gather [hbm4b:s2+s14], $0x80, s11, s14, $0xb8;
	[tilespmem:$0x1B620] =	vst v63  }
0x48: {  	_ =	swait.ge [sflag:s0], $0x800  }
0x49: {  	[sflag:s0] =	ssyncset.done $0x0  }
0x4a: {  	s21 =	simm.s32 $0x80;
	[sflag:s0] =	ssyncadd.s32 $0xFFFFF800  }
0x4b: {  	[tilespmem:s20], [sflag:$0x4] =	stream.indirect.gather [hbm4b:s2+s14], $0x80, s21, s14, $0xb8;
	[tilespmem:$0x1B620] =	vst v63  }
0x4c: {  	_ =	swait.ge [sflag:s1], $0x800  }
0x4d: {  	[sflag:s1] =	ssyncset.done $0x0  }
0x4e: {  	s19 =	simm.s32 $0x140;
	s21 =	simm.s32 $0x90;
	[sflag:s1] =	ssyncadd.s32 $0xFFFFF800  }
.LBB2_2:
0x4f: {  	[tilespmem:s22], [sflag:$0x5] =	stream.indirect.gather [hbm4b:s2+s14], $0x80, s21, s14, $0xb8;
	[tilespmem:$0x1B620] =	vst v63  }
0x50: {  	s21 =	smov.u32 s19  }
0x51: {  	p0 =	sne.s32 s19, $0x99C0;
	s19 =	sadd.s32 $0x140, s19;
	_ =	swait.ge [sflag:s23], $0x800  }
0x52: {  	s21 =	sshra.s32 s21, $0x2;
	[sflag:s23] =	ssyncset.done $0x0  }
0x53: {  	s11 =	sadd.s32 $0x2710, s21;
	[sflag:s23] =	ssyncadd.s32 $0xFFFFF800  }
0x54: {  	[spmem:s3] =	stream.indirect.scatter.add.f32 [tilespmem:s15], [sflag:$0x6], $0x80, s11, s14, $0xb8;
	[tilespmem:$0x1B620] =	vst v63  }
0x55: {  	_ =	swait.ge [sflag:s24], $0x800  }
0x56: {  	[sflag:s24] =	ssyncset.done $0x0  }
0x57: {  	s11 =	sadd.s32 $0x2720, s21;
	[sflag:s24] =	ssyncadd.s32 $0xFFFFF800  }
0x58: {  	[spmem:s3] =	stream.indirect.scatter.add.f32 [tilespmem:s16], [sflag:$0x7], $0x80, s11, s14, $0xb8;
	[tilespmem:$0x1B620] =	vst v63  }
0x59: {  	_ =	swait.ge [sflag:s25], $0x800  }
0x5a: {  	[sflag:s25] =	ssyncset.done $0x0  }
0x5b: {  	s11 =	sadd.s32 $0x2730, s21;
	[sflag:s25] =	ssyncadd.s32 $0xFFFFF800  }
0x5c: {  	[spmem:s3] =	stream.indirect.scatter.add.f32 [tilespmem:s18], [sflag:$0x8], $0x80, s11, s14, $0xb8;
	[tilespmem:$0x1B620] =	vst v63  }
0x5d: {  	_ =	swait.ge [sflag:s26], $0x800  }
0x5e: {  	[sflag:s26] =	ssyncset.done $0x0  }
0x5f: {  	s11 =	sadd.s32 $0x2740, s21;
	[sflag:s26] =	ssyncadd.s32 $0xFFFFF800  }
0x60: {  	[spmem:s3] =	stream.indirect.scatter.add.f32 [tilespmem:s20], [sflag:$0x9], $0x80, s11, s14, $0xb8;
	[tilespmem:$0x1B620] =	vst v63  }
0x61: {  	_ =	swait.ge [sflag:s28], $0x800  }
0x62: {  	[sflag:s28] =	ssyncset.done $0x0  }
0x63: {  	s11 =	sadd.s32 $0x2750, s21;
	[sflag:s28] =	ssyncadd.s32 $0xFFFFF800  }
0x64: {  	[spmem:s3] =	stream.indirect.scatter.add.f32 [tilespmem:s22], [sflag:$0xA], $0x80, s11, s14, $0xb8;
	[tilespmem:$0x1B620] =	vst v63  }
0x65: {  	_ =	swait.ge [sflag:s29], $0x800  }
0x66: {  	[sflag:s29] =	ssyncset.done $0x0  }
0x67: {  	s11 =	sadd.s32 $0x50, s21;
	[sflag:s29] =	ssyncadd.s32 $0xFFFFF800  }
0x68: {  	[tilespmem:s15], [sflag:$0x1] =	stream.indirect.gather [hbm4b:s2+s14], $0x80, s11, s14, $0xb8;
	[tilespmem:$0x1B620] =	vst v63  }
0x69: {  	_ =	swait.ge [sflag:s30], $0x800  }
0x6a: {  	[sflag:s30] =	ssyncset.done $0x0  }
0x6b: {  	s11 =	sadd.s32 $0x60, s21;
	[sflag:s30] =	ssyncadd.s32 $0xFFFFF800  }
0x6c: {  	[tilespmem:s16], [sflag:$0x2] =	stream.indirect.gather [hbm4b:s2+s14], $0x80, s11, s14, $0xb8;
	[tilespmem:$0x1B620] =	vst v63  }
0x6d: {  	_ =	swait.ge [sflag:s31], $0x800  }
0x6e: {  	[sflag:s31] =	ssyncset.done $0x0  }
0x6f: {  	s11 =	sadd.s32 $0x70, s21;
	[sflag:s31] =	ssyncadd.s32 $0xFFFFF800  }
0x70: {  	[tilespmem:s18], [sflag:$0x3] =	stream.indirect.gather [hbm4b:s2+s14], $0x80, s11, s14, $0xb8;
	[tilespmem:$0x1B620] =	vst v63  }
0x71: {  	_ =	swait.ge [sflag:s0], $0x800  }
0x72: {  	[sflag:s0] =	ssyncset.done $0x0  }
.Ltmp0:
0x73: {  	s11 =	sadd.s32 $0x80, s21;
	[sflag:s0] =	ssyncadd.s32 $0xFFFFF800;
	(pc) =	sbr.rel @p0 .LBB2_2-.Ltmp0, $4  }
0x74: {  	[tilespmem:s20], [sflag:$0x4] =	stream.indirect.gather [hbm4b:s2+s14], $0x80, s11, s14, $0xb8;
	[tilespmem:$0x1B620] =	vst v63  }
0x75: {  	_ =	swait.ge [sflag:s1], $0x800  }
0x76: {  	[sflag:s1] =	ssyncset.done $0x0  }
0x77: {  	s21 =	sadd.s32 $0x90, s21;
	[sflag:s1] =	ssyncadd.s32 $0xFFFFF800  }
0x78: {  	[tilespmem:s22], [sflag:$0x5] =	stream.indirect.gather [hbm4b:s2+s14], $0x80, s21, s14, $0xb8;
	[tilespmem:$0x1B620] =	vst v63  }
0x79: {  	_ =	swait.ge [sflag:s23], $0x800  }
0x7a: {  	[sflag:s23] =	ssyncset.done $0x0  }
0x7b: {  	s11 =	simm.s32 $0x4DD0;
	[sflag:s23] =	ssyncadd.s32 $0xFFFFF800  }
0x7c: {  	[spmem:s3] =	stream.indirect.scatter.add.f32 [tilespmem:s15], [sflag:$0x6], $0x80, s11, s14, $0xb8;
	[tilespmem:$0x1B620] =	vst v63  }
0x7d: {  	_ =	swait.ge [sflag:s24], $0x800  }
0x7e: {  	[sflag:s24] =	ssyncset.done $0x0  }
0x7f: {  	s19 =	simm.s32 $0x4DE0;
	[sflag:s24] =	ssyncadd.s32 $0xFFFFF800  }
0x80: {  	[spmem:s3] =	stream.indirect.scatter.add.f32 [tilespmem:s16], [sflag:$0x7], $0x80, s19, s14, $0xb8;
	[tilespmem:$0x1B620] =	vst v63  }
0x81: {  	_ =	swait.ge [sflag:s25], $0x800  }
0x82: {  	[sflag:s25] =	ssyncset.done $0x0  }
0x83: {  	s21 =	simm.s32 $0x4DF0;
	[sflag:s25] =	ssyncadd.s32 $0xFFFFF800  }
0x84: {  	[spmem:s3] =	stream.indirect.scatter.add.f32 [tilespmem:s18], [sflag:$0x8], $0x80, s21, s14, $0xb8;
	[tilespmem:$0x1B620] =	vst v63  }
0x85: {  	_ =	swait.ge [sflag:s26], $0x800  }
0x86: {  	[sflag:s26] =	ssyncset.done $0x0  }
0x87: {  	s19 =	simm.s32 $0x4E00;
	[sflag:s26] =	ssyncadd.s32 $0xFFFFF800  }
0x88: {  	[spmem:s3] =	stream.indirect.scatter.add.f32 [tilespmem:s20], [sflag:$0x9], $0x80, s19, s14, $0xb8;
	[tilespmem:$0x1B620] =	vst v63  }
0x89: {  	_ =	swait.ge [sflag:s28], $0x800  }
0x8a: {  	[sflag:s28] =	ssyncset.done $0x0  }
0x8b: {  	s21 =	simm.s32 $0x4E10;
	[sflag:s28] =	ssyncadd.s32 $0xFFFFF800  }
0x8c: {  	[spmem:s3] =	stream.indirect.scatter.add.f32 [tilespmem:s22], [sflag:$0xA], $0x80, s21, s14, $0xb8;
	[tilespmem:$0x1B620] =	vst v63  }
0x8d: {  	_ =	swait.ge [sflag:s29], $0x800  }
0x8e: {  	[sflag:s29] =	ssyncset.done $0x0  }
0x8f: {  	[sflag:s29] =	ssyncadd.s32 $0xFFFFF800  }
0x90: {  	_ =	swait.ge [sflag:s30], $0x800  }
0x91: {  	[sflag:s30] =	ssyncset.done $0x0  }
0x92: {  	[sflag:s30] =	ssyncadd.s32 $0xFFFFF800  }
0x93: {  	_ =	swait.ge [sflag:s31], $0x800  }
0x94: {  	[sflag:s31] =	ssyncset.done $0x0  }
0x95: {  	[sflag:s31] =	ssyncadd.s32 $0xFFFFF800  }
0x96: {  	_ =	swait.ge [sflag:s0], $0x800  }
0x97: {  	[sflag:s0] =	ssyncset.done $0x0  }
0x98: {  	[sflag:s0] =	ssyncadd.s32 $0xFFFFF800  }
0x99: {  	_ =	swait.ge [sflag:s1], $0x800  }
0x9a: {  	s17 =	sadd.s32 $0x1, s17;
	[sflag:s1] =	ssyncset.done $0x0  }
0x9b: {  	p0 =	sne.s32 s17, s9;
	[sflag:s1] =	ssyncadd.s32 $0xFFFFF800  }
.Ltmp1:
0x9c: {  	[bflag:$0x0] =	sbarrier.arrive $0xFFFF;
	(pc) =	sbr.rel @p0 .LBB2_1-.Ltmp1, $4  }
0x9d: {  	[hbm:s8], [sflag:s12] =	dma.local [spmem:s13], $0x2800  }
0x9e: {  	_ =	swait.ge [sflag:s10], $0x2800  }
0x9f: {  	[sflag:s10] =	ssyncset.done $0x0  }
0xa0: {  	[sflag:s10] =	ssyncadd.s32 $0xFFFFD800  }
0xa1: {  	_ =	sfence.sel $0x180000  }
0xa2: {  	[bflag:$0x0] =	sbarrier.arrive $0xFFFF  }
0xa3: {  	_ =	strace $0x9000004A  }
0xa4: {  	s0 =	stileid.u32;
	[bflag:$0x2] =	sbarrier.arrive $0xFFFF  }
0xa5: {  	p0 =	sne.s32 s0, $0x0;
	s0 =	rddreg [dreg:$0x3]  }
0xa6: {  	s0 =	sadd.s32 @!p0 $0x100000, s0  }
0xa7: {  	[sflag:s0] =	ssyncadd.tile.s32 @!p0 $0x1;
	_ =	shalt  }
.Lfunc_end2:
_tile_overlayer_lowered:
.L_overlay_start_2:
0xa8: {  	(tag) =	ssettag $0x2  }
0xa9: {  	s0 =	rddreg [dreg:$0x0];
	s2 =	stileid.u32  }
0xaa: {  	s1 =	rddreg [dreg:$0x1];
	p0 =	sne.s32 s2, $0x0  }
0xab: {  	s3 =	rddreg [dreg:$0x2];
	[bflag:$0x3] =	sbarrier.arrive $0xFFFF;
	s2 =	simm.s32 @!p0 $0x1C0B  }
0xac: {  	[timem:s3], [sflag:s2] =	dma.local @!p0 [hbm:s0], s1  }
0xad: {  	s0 =	simm.s32 @!p0 $0xB  }
0xae: {  	_ =	swait.ge @!p0 [sflag:s0], s1  }
0xaf: {  	s1 =	ssub.s32 @!p0 $0x0, s1;
	[sflag:s0] =	ssyncset.done @!p0 $0x0  }
0xb0: {  	[sflag:s0] =	ssyncadd.s32 @!p0 s1  }
0xb1: {  	[bflag:$0x3] =	sbarrier.arrive $0xFFFF  }
0xb2: {  	_ =	shalt  }

// kernel: kernel.14.cloned.1.call-start
scs
__scs_entry_jumppad:
0x0: {  	(pc) =	sbr.rel $0x88, $3  }
0x1: {  	(tag) =	ssettag $0x0;
	lr =	simm.s32 $0x1  }
0x2: {  	[smem:$0x3F9B] =	sst lr;
	_ =	strace $0xD0000000  }
0x3: {  	_ = 	snop  }
0x4: {  	_ = 	snop  }
0x5: {  	_ = 	snop  }
0x6: {  	_ = 	snop  }
0x7: {  	_ = 	snop  }
__scs_overlays_trampoline_lowered:
0x8: {  	[smem:$0x3FAA] =	sst s0  }
0x9: {  	[smem:$0x3FAB] =	sst s1  }
0xa: {  	[smem:$0x3FAC] =	sst s2  }
0xb: {  	[smem:$0x3FAD] =	sst s3  }
0xc: {  	[smem:$0x3FAE] =	sst s4  }
0xd: {  	[smem:$0x3FAF] =	sst s5  }
0xe: {  	[smem:$0x3FB0] =	sst s6  }
0xf: {  	[smem:$0x3FB1] =	sst s7  }
0x10: {  	[smem:$0x3FB2] =	sst s8  }
0x11: {  	[smem:$0x3FB3] =	sst s9;
	s0 =	simm.s32 @!p0 $0x0  }
0x12: {  	s1 =	sld [smem:$0x3F99];
	s0 =	simm.s32 @p0 $0x1  }
0x13: {  	[smem:$0x3FB4] =	sst s0;
	s0 =	simm.s32 @!p1 $0x0  }
0x14: {  	s2 =	sld [smem:$0x3F98];
	s0 =	simm.s32 @p1 $0x1  }
0x15: {  	[smem:$0x3FB5] =	sst s0;
	s0 =	simm.s32 @!p2 $0x0  }
0x16: {  	s3 =	sld [smem:$0x3FDB];
	s0 =	simm.s32 @p2 $0x1  }
0x17: {  	s4 =	simm.s32 $0x1BF5;
	[smem:$0x3FB7] =	sst s0  }
0x18: {  	s0 =	sld [smem:$0x3F9A];
	_ =	swait.ge [sflag:s4], $0x0  }
0x19: {  	s7 =	sld [smem:$0x3F9B]  }
0x1a: {  	s8 =	sadd.s32 $0xFFFFE003, lr  }
0x1b: {  	s9 =	sadd.s32 $0xFFFFFEF7, lr;
	s5 =	simm.s32 $0xFFFFFFFF;
	p2 =	slt.u32 s8, $0xFFFFF086  }
0x1c: {  	p1 =	slt.u32 s9, $0xF7A;
	s5 =	simm.s32 @!p2 $0x0  }
0x1d: {  	s5 =	simm.s32 @p1 $0x1;
	p0 =	seq.s32 s7, s2  }
0x1e: {  	s7 =	smul.u32 @!p0 $0xF7A, s2;
	p2 =	seq.s32 @!p0 s5, $0x0  }
0x1f: {  	s9 =	smul.u32 $0xF7A, s1;
	s8 =	simm.s32 @!p0 $0x1BF5;
	p2 =	por !p2, p0  }
0x20: {  	[sflag:s8] =	ssyncset.s32 @!p0 $0xFFFFF086;
	s6 =	sadd.s32 @!p0 s3, s7;
	s7 =	simm.s32 @!p0 $0x108  }
0x21: {  	s3 =	sadd.s32 s3, s9;
	s6 =	sadd.s32 @!p0 $0x88, s6;
	s7 =	simm.s32 @p2 $0x1082  }
0x22: {  	[simem:s7], [sflag:s8] =	dma.local @!p0 [hbm:s6], $0xF7A  }
0x23: {  	s9 =	sor.u32 $0xD0000000, s2;
	s6 =	simm.s32 $0x108;
	_ =	swait.ge @!p0 [sflag:s8], $0x0  }
0x24: {  	s3 =	sadd.s32 $0x88, s3;
	s6 =	simm.s32 @!p1 $0x1082;
	[sflag:s4] =	ssyncset.s32 $0xFFFFF086  }
0x25: {  	[simem:s6], [sflag:s4] =	dma.local [hbm:s3], $0xF7A  }
0x26: {  	[smem:$0x3F9B] =	sst s1;
	(tag) =	ssettag s2;
	_ =	strace s9  }
0x27: {  	s1 =	sld [smem:$0x3FAB]  }
0x28: {  	s2 =	sld [smem:$0x3FAC]  }
0x29: {  	s4 =	sld [smem:$0x3FAE]  }
0x2a: {  	p0 =	seq.s32 s5, $0x0;
	s5 =	sld [smem:$0x3FAF]  }
0x2b: {  	s6 =	sld [smem:$0x3FB0]  }
0x2c: {  	s7 =	sld [smem:$0x3FB1]  }
0x2d: {  	s3 =	simm.s32 $0x108;
	s8 =	sld [smem:$0x3FB2]  }
0x2e: {  	s3 =	simm.s32 @!p0 $0x1082;
	s9 =	sld [smem:$0x3FB3]  }
0x2f: {  	lr =	sadd.s32 s0, s3;
	s0 =	sld [smem:$0x3FAA]  }
0x30: {  	s3 =	sld [smem:$0x3FAD]  }
0x31: {  	[smem:$0x3FB6] =	sst s10  }
0x32: {  	s10 =	sld [smem:$0x3FB4];
	_ =	sdelay $0x3  }
0x33: {  	p0 =	seq.s32 s10, $0x1;
	s10 =	sld [smem:$0x3FB6];
	_ =	sdelay $0x3  }
0x34: {  	[smem:$0x3FB6] =	sst s10  }
0x35: {  	s10 =	sld [smem:$0x3FB5];
	_ =	sdelay $0x3  }
0x36: {  	p1 =	seq.s32 s10, $0x1;
	s10 =	sld [smem:$0x3FB6];
	_ =	sdelay $0x3  }
0x37: {  	[smem:$0x3FB6] =	sst s10  }
0x38: {  	s10 =	sld [smem:$0x3FB7]  }
0x39: {  	_ = 	snop;
	(pc) =	sbr.ind lr, $3  }
0x3a: {  	_ = 	snop  }
0x3b: {  	_ = 	snop  }
0x3c: {  	p2 =	seq.s32 s10, $0x1;
	s10 =	sld [smem:$0x3FB6]  }
0x3d: {  	_ =	shalt  }
0x3e: {  	_ =	shalt  }
0x3f: {  	_ =	shalt  }
0x40: {  	_ =	shalt  }
0x41: {  	_ =	shalt  }
0x42: {  	_ =	shalt  }
0x43: {  	_ =	shalt  }
0x44: {  	_ =	shalt  }
0x45: {  	_ =	shalt  }
0x46: {  	_ =	shalt  }
0x47: {  	_ =	shalt  }
0x48: {  	_ =	shalt  }
0x49: {  	_ =	shalt  }
0x4a: {  	_ =	shalt  }
0x4b: {  	_ =	shalt  }
0x4c: {  	_ =	shalt  }
0x4d: {  	_ =	shalt  }
0x4e: {  	_ =	shalt  }
0x4f: {  	_ =	shalt  }
0x50: {  	_ =	shalt  }
0x51: {  	_ =	shalt  }
0x52: {  	_ =	shalt  }
0x53: {  	_ =	shalt  }
0x54: {  	_ =	shalt  }
0x55: {  	_ =	shalt  }
0x56: {  	_ =	shalt  }
0x57: {  	_ =	shalt  }
0x58: {  	_ =	shalt  }
0x59: {  	_ =	shalt  }
0x5a: {  	_ =	shalt  }
0x5b: {  	_ =	shalt  }
0x5c: {  	_ =	shalt  }
0x5d: {  	_ =	shalt  }
0x5e: {  	_ =	shalt  }
0x5f: {  	_ =	shalt  }
0x60: {  	_ =	shalt  }
0x61: {  	_ =	shalt  }
0x62: {  	_ =	shalt  }
0x63: {  	_ =	shalt  }
0x64: {  	_ =	shalt  }
0x65: {  	_ =	shalt  }
0x66: {  	_ =	shalt  }
0x67: {  	_ =	shalt  }
0x68: {  	_ =	shalt  }
0x69: {  	_ =	shalt  }
0x6a: {  	_ =	shalt  }
0x6b: {  	_ =	shalt  }
0x6c: {  	_ =	shalt  }
0x6d: {  	_ =	shalt  }
0x6e: {  	_ =	shalt  }
0x6f: {  	_ =	shalt  }
0x70: {  	_ =	shalt  }
0x71: {  	_ =	shalt  }
0x72: {  	_ =	shalt  }
0x73: {  	_ =	shalt  }
0x74: {  	_ =	shalt  }
0x75: {  	_ =	shalt  }
0x76: {  	_ =	shalt  }
0x77: {  	_ =	shalt  }
0x78: {  	_ =	shalt  }
0x79: {  	_ =	shalt  }
0x7a: {  	_ =	shalt  }
0x7b: {  	_ =	shalt  }
0x7c: {  	_ =	shalt  }
0x7d: {  	_ =	shalt  }
0x7e: {  	_ =	shalt  }
0x7f: {  	_ =	shalt  }
0x80: {  	_ =	shalt  }
0x81: {  	_ =	shalt  }
0x82: {  	_ =	shalt  }
0x83: {  	_ =	shalt  }
0x84: {  	_ =	shalt  }
0x85: {  	_ =	shalt  }
0x86: {  	_ =	shalt  }
0x87: {  	_ =	shalt  }
.Lfunc_end0:
.L_simem_size_0:
called_computation.2_lowered:
.L_overlay_start_0:
0x88: {  	s2 =	sld [smem:$0x3FD9]  }
0x89: {  	s3 =	sld [smem:$0x3FFE];
	_ =	sdelay $0x1  }
0x8a: {  	s1 =	srdreg.scid  }
0x8b: {  	s0 =	sand.u32 $0x1, s1  }
0x8c: {  	s17 =	sshll.u32 s0, $0xA;
	s2 =	sadd.s32 s3, s2  }
0x8d: {  	s2 =	sadd.s32 s2, s17  }
0x8e: {  	[smem:$0x3FC2] =	sst s2  }
0x8f: {  	_ = 	snop  }
0x90: {  	s2 =	sld [smem:$0x3FD0];
	(tm) =	ssettm $0x1  }
0x91: {  	s18 =	sld [smem:$0x3FFB];
	_ =	sdelay $0x3  }
0x92: {  	_ =	strace s18  }
0x93: {  	s3 =	sld [smem:$0x3FFC];
	_ =	sdelay $0x3  }
0x94: {  	_ =	strace s3  }
0x95: {  	s3 =	sld [smem:$0x3FFD];
	_ =	sdelay $0x3  }
0x96: {  	_ =	strace s3  }
0x97: {  	_ =	strace $0x8FFFFFFF  }
0x98: {  	s19 =	sld [smem:$0x3FDB];
	_ =	sdelay $0x1  }
0x99: {  	s4 =	simm.s32 $_scs_section_size  }
0x9a: {  	s5 =	simm.s32 $_size__tile_overlayer_lowered;
	s6 =	simm.s32 $_tile_overlayer_lowered  }
0x9b: {  	s22 =	simm.s32 $0x1BFF;
	s21 =	sshll.u32 s6, $0x1;
	s3 =	sadd.s32 s4, s19  }
0x9c: {  	s7 =	simm.s32 $0x0;
	s20 =	sshll.u32 s5, $0x1;
	s5 =	sadd.s32 s21, s3  }
0x9d: {  	[timem:s7], [sflag:s22] =	dma.local [hbm:s5], s20  }
0x9e: {  	_ =	swait.ge [sflag:s22], s20  }
0x9f: {  	s4 =	ssub.s32 $0x0, s20;
	[sflag:s22] =	ssyncset.done $0x0  }
0xa0: {  	[sflag:s22] =	ssyncadd.s32 s4;
	_ =	sdelay $0x1  }
0xa1: {  	s23 =	simm.s32 $0x1B8B  }
0xa2: {  	_ =	swait.ge [sflag:s23], $0x1  }
0xa3: {  	[sflag:s23] =	ssyncset.done $0x0  }
0xa4: {  	s25 =	simm.s32 $0x1B8E;
	s24 =	sld [smem:$0x3FFE];
	[sflag:s23] =	ssyncadd.s32 $0xFFFFFFFF  }
0xa5: {  	s26 =	simm.s32 $execute0_lowered;
	[smem:$0x3FD2] =	sst s25  }
0xa6: {  	s5 =	sshll.u32 s26, $0x1;
	_ =	strace $0x8000004C;
	[dreg:$0x1] =	wrdreg $0xFFFFFFFF  }
0xa7: {  	s28 =	simm.s32 $_size_execute0_lowered;
	s3 =	sadd.s32 s3, s5;
	[dreg:$0x0] =	wrdreg $0x0  }
0xa8: {  	s5 =	sshll.u32 s28, $0x1;
	[dreg:$0x2] =	wrdreg s3  }
0xa9: {  	[dreg:$0x3] =	wrdreg s5  }
0xaa: {  	[dreg:$0x4] =	wrdreg $0xC0  }
0xab: {  	_ =	task [dreg:s7], $0x5FFFF  }
0xac: {  	[dreg:$0x1] =	wrdreg $0xFFFFFFFF  }
0xad: {  	[dreg:$0x0] =	wrdreg $0x60  }
0xae: {  	[dreg:$0x2] =	wrdreg s2  }
0xaf: {  	[dreg:$0x3] =	wrdreg s24  }
0xb0: {  	[dreg:$0x4] =	wrdreg $0x76200  }
0xb1: {  	[dreg:$0x5] =	wrdreg $0x9  }
0xb2: {  	_ =	task.clear_ibuf [dreg:s7], $0x6FFFF;
	_ =	strace $0x9000004C  }
0xb3: {  	s29 =	simm.s32 $0x9;
	_ =	strace $0x8000004E  }
0xb4: {  	_ =	swait.ge [sflag:s29], $0x1  }
0xb5: {  	[sflag:s29] =	ssyncadd.s32 $0xFFFFFFFF  }
0xb6: {  	_ =	strace $0x9000004E  }
0xb7: {  	_ =	sfence  }
0xb8: {  	s30 =	sld [smem:$0x0];
	_ =	sdelay $0x2  }
0xb9: {  	s31 =	sshll.u32 s1, $0xD;
	s1 =	sshrl.u32 s1, $0x2  }
0xba: {  	s3 =	sand.u32 $0x4000, s31;
	s1 =	sadd.s32 s1, s30  }
0xbb: {  	s0 =	sor.u32 s3, s0;
	s1 =	sshll.u32 s1, $0x11  }
0xbc: {  	s0 =	sor.u32 s1, s0  }
0xbd: {  	s0 =	sadd.s32 $0x8F2B, s0  }
0xbe: {  	[sflag:s0] =	ssyncadd.remote.s32 $0x1  }
0xbf: {  	_ =	sfence.sel $0xFFFF  }
0xc0: {  	[dreg:$0x0] =	wrdreg $0xFFFFFFFF;
	(pc) =	sbr.abs _section_cstart, $3  }
0xc1: {  	[dreg:$0x1] =	wrdreg $0xFFFFFFFF  }
0xc2: {  	_ =	task.clear_ibuf [dreg:s7], $0x2FFFF;
	_ =	strace $0x9FFFFFFF  }
0xc3: {  	(tm) =	ssettm $0x7FFFFFFF  }
tec
execute0_lowered:
.L_overlay_start_1:
0x0: {  	(tag) =	ssettag $0x1  }
0x1: {  	s2 =	rddreg [dreg:$0x0]  }
0x2: {  	s0 =	rddreg [dreg:$0x1];
	s1 =	srdreg.scid  }
0x3: {  	s3 =	rddreg [dreg:$0x2];
	s12 =	stileid.u32;
	s4 =	simm.s32 $0x0  }
0x4: {  	s10 =	simm.s32 $0xB;
	s14 =	simm.s32 $0x10;
	s15 =	simm.s32 $0x4E20  }
0x5: {  	s16 =	simm.s32 $0x5620;
	s18 =	simm.s32 $0x5E20;
	s20 =	simm.s32 $0x6620  }
0x6: {  	s22 =	simm.s32 $0x6E20;
	s23 =	simm.s32 $0x1;
	s24 =	simm.s32 $0x2  }
0x7: {  	s28 =	simm.s32 $0x5;
	s29 =	simm.s32 $0x6;
	s30 =	simm.s32 $0x7  }
0x8: {  	s31 =	simm.s32 $0x8;
	s17 =	simm.s32 $0x0;
	s1 =	sand.u32 $0x1, s1  }
0x9: {  	s8 =	smul.u32 $0x14000, s12;
	[smem:$0x7FF] =	sst s4;
	s26 =	sshll.u32 s12, $0x6  }
0xa: {  	s5 =	sshll.u32 s1, $0x4;
	s6 =	smul.u32 $0x140000, s1;
	s1 =	ssub.s32 $0x2, s1  }
0xb: {  	_ =	strace $0x8000004D;
	s5 =	sor.u32 s12, s5;
	s25 =	sshrl.u32 s1, $0x1  }
0xc: {  	s11 =	sadd.s32 s8, s3;
	s12 =	sor.u32 $0x1C0B, s26;
	s26 =	simm.s32 $0x4  }
0xd: {  	s5 =	smul.u32 $0x4E2, s5;
	s6 =	sadd.s32 s8, s6;
	s1 =	ssub.s32 s1, s25  }
0xe: {  	s13 =	sshrl.u32 s11, $0x3;
	s25 =	simm.s32 $0x3;
	s6 =	sshrl.u32 s6, $0x3  }
0xf: {  	s9 =	smax.u32 s1, $0x1;
	s1 =	simm.s32 $0xA;
	s7 =	sadd.s32 s5, s0  }
0x10: {  	s5 =	sadd.s32 $0x15600, s0;
	s0 =	sadd.s32 s6, s0;
	s6 =	sadd.s32 $0xB800, s7  }
0x11: {  	s7 =	sadd.s32 $0x1A00, s7;
	s8 =	sadd.s32 $0x17E00, s0;
	s0 =	simm.s32 $0x9  }
.LBB2_1:
0x12: {  	[tilespmem:s4], [sflag:$0xB] =	stream.linear.gather [hbm4b:s6+s4], $0x2710, $0x38;
	[tilespmem:$0x1B620] =	vst v63  }
0x13: {  	_ =	swait.ge [sflag:s10], $0x2710  }
0x14: {  	[sflag:s10] =	ssyncset.done $0x0  }
0x15: {  	s11 =	simm.s32 $0x2710;
	[sflag:s10] =	ssyncadd.s32 $0xFFFFD8F0  }
0x16: {  	[tilespmem:s11], [sflag:$0xB] =	stream.linear.gather [hbm4b:s7+s4], $0x2710, $0x38;
	[tilespmem:$0x1B620] =	vst v63  }
0x17: {  	_ =	swait.ge [sflag:s10], $0x2710  }
0x18: {  	[sflag:s10] =	ssyncset.done $0x0  }
0x19: {  	[sflag:s10] =	ssyncadd.s32 $0xFFFFD8F0  }
0x1a: {  	[spmem:s13], [sflag:s12] =	dma.local [hbm:s5], $0x2800  }
0x1b: {  	_ =	swait.ge [sflag:s10], $0x2800  }
0x1c: {  	[sflag:s10] =	ssyncset.done $0x0  }
0x1d: {  	[sflag:s10] =	ssyncadd.s32 $0xFFFFD800  }
0x1e: {  	[bflag:$0x0] =	sbarrier.arrive $0xFFFF  }
0x1f: {  	[tilespmem:s15], [sflag:$0x1] =	stream.indirect.gather [hbm4b:s2+s14], $0x80, s4, s14, $0xb8;
	[tilespmem:$0x1B620] =	vst v63  }
0x20: {  	_ = 	snop  }
0x21: {  	[tilespmem:s16], [sflag:$0x2] =	stream.indirect.gather [hbm4b:s2+s14], $0x80, s14, s14, $0xb8;
	[tilespmem:$0x1B620] =	vst v63  }
0x22: {  	s21 =	simm.s32 $0x20  }
0x23: {  	[tilespmem:s18], [sflag:$0x3] =	stream.indirect.gather [hbm4b:s2+s14], $0x80, s21, s14, $0xb8;
	[tilespmem:$0x1B620] =	vst v63  }
0x24: {  	s19 =	simm.s32 $0x30  }
0x25: {  	[tilespmem:s20], [sflag:$0x4] =	stream.indirect.gather [hbm4b:s2+s14], $0x80, s19, s14, $0xb8;
	[tilespmem:$0x1B620] =	vst v63  }
0x26: {  	s21 =	simm.s32 $0x40  }
0x27: {  	[tilespmem:s22], [sflag:$0x5] =	stream.indirect.gather [hbm4b:s2+s14], $0x80, s21, s14, $0xb8;
	[tilespmem:$0x1B620] =	vst v63  }
0x28: {  	_ =	swait.ge [sflag:s23], $0x800  }
0x29: {  	[sflag:s23] =	ssyncset.done $0x0  }
0x2a: {  	s19 =	simm.s32 $0x2710;
	[sflag:s23] =	ssyncadd.s32 $0xFFFFF800  }
0x2b: {  	[spmem:s3] =	stream.indirect.scatter.add.f32 [tilespmem:s15], [sflag:$0x6], $0x80, s19, s14, $0xb8;
	[tilespmem:$0x1B620] =	vst v63  }
0x2c: {  	_ =	swait.ge [sflag:s24], $0x800  }
0x2d: {  	[sflag:s24] =	ssyncset.done $0x0  }
0x2e: {  	s11 =	simm.s32 $0x2720;
	[sflag:s24] =	ssyncadd.s32 $0xFFFFF800  }
0x2f: {  	[spmem:s3] =	stream.indirect.scatter.add.f32 [tilespmem:s16], [sflag:$0x7], $0x80, s11, s14, $0xb8;
	[tilespmem:$0x1B620] =	vst v63  }
0x30: {  	_ =	swait.ge [sflag:s25], $0x800  }
0x31: {  	[sflag:s25] =	ssyncset.done $0x0  }
0x32: {  	s21 =	simm.s32 $0x2730;
	[sflag:s25] =	ssyncadd.s32 $0xFFFFF800  }
0x33: {  	[spmem:s3] =	stream.indirect.scatter.add.f32 [tilespmem:s18], [sflag:$0x8], $0x80, s21, s14, $0xb8;
	[tilespmem:$0x1B620] =	vst v63  }
0x34: {  	_ =	swait.ge [sflag:s26], $0x800  }
0x35: {  	[sflag:s26] =	ssyncset.done $0x0  }
0x36: {  	s11 =	simm.s32 $0x2740;
	[sflag:s26] =	ssyncadd.s32 $0xFFFFF800  }
0x37: {  	[spmem:s3] =	stream.indirect.scatter.add.f32 [tilespmem:s20], [sflag:$0x9], $0x80, s11, s14, $0xb8;
	[tilespmem:$0x1B620] =	vst v63  }
0x38: {  	_ =	swait.ge [sflag:s28], $0x800  }
0x39: {  	[sflag:s28] =	ssyncset.done $0x0  }
0x3a: {  	s21 =	simm.s32 $0x2750;
	[sflag:s28] =	ssyncadd.s32 $0xFFFFF800  }
0x3b: {  	[spmem:s3] =	stream.indirect.scatter.add.f32 [tilespmem:s22], [sflag:$0xA], $0x80, s21, s14, $0xb8;
	[tilespmem:$0x1B620] =	vst v63  }
0x3c: {  	_ =	swait.ge [sflag:s29], $0x800  }
0x3d: {  	[sflag:s29] =	ssyncset.done $0x0  }
0x3e: {  	s11 =	simm.s32 $0x50;
	[sflag:s29] =	ssyncadd.s32 $0xFFFFF800  }
0x3f: {  	[tilespmem:s15], [sflag:$0x1] =	stream.indirect.gather [hbm4b:s2+s14], $0x80, s11, s14, $0xb8;
	[tilespmem:$0x1B620] =	vst v63  }
0x40: {  	_ =	swait.ge [sflag:s30], $0x800  }
0x41: {  	[sflag:s30] =	ssyncset.done $0x0  }
0x42: {  	s21 =	simm.s32 $0x60;
	[sflag:s30] =	ssyncadd.s32 $0xFFFFF800  }
0x43: {  	[tilespmem:s16], [sflag:$0x2] =	stream.indirect.gather [hbm4b:s2+s14], $0x80, s21, s14, $0xb8;
	[tilespmem:$0x1B620] =	vst v63  }
0x44: {  	_ =	swait.ge [sflag:s31], $0x800  }
0x45: {  	[sflag:s31] =	ssyncset.done $0x0  }
0x46: {  	s11 =	simm.s32 $0x70;
	[sflag:s31] =	ssyncadd.s32 $0xFFFFF800  }
0x47: {  	[tilespmem:s18], [sflag:$0x3] =	stream.indirect.gather [hbm4b:s2+s14], $0x80, s11, s14, $0xb8;
	[tilespmem:$0x1B620] =	vst v63  }
0x48: {  	_ =	swait.ge [sflag:s0], $0x800  }
0x49: {  	[sflag:s0] =	ssyncset.done $0x0  }
0x4a: {  	s21 =	simm.s32 $0x80;
	[sflag:s0] =	ssyncadd.s32 $0xFFFFF800  }
0x4b: {  	[tilespmem:s20], [sflag:$0x4] =	stream.indirect.gather [hbm4b:s2+s14], $0x80, s21, s14, $0xb8;
	[tilespmem:$0x1B620] =	vst v63  }
0x4c: {  	_ =	swait.ge [sflag:s1], $0x800  }
0x4d: {  	[sflag:s1] =	ssyncset.done $0x0  }
0x4e: {  	s19 =	simm.s32 $0x140;
	s21 =	simm.s32 $0x90;
	[sflag:s1] =	ssyncadd.s32 $0xFFFFF800  }
.LBB2_2:
0x4f: {  	[tilespmem:s22], [sflag:$0x5] =	stream.indirect.gather [hbm4b:s2+s14], $0x80, s21, s14, $0xb8;
	[tilespmem:$0x1B620] =	vst v63  }
0x50: {  	s21 =	smov.u32 s19  }
0x51: {  	p0 =	sne.s32 s19, $0x99C0;
	s19 =	sadd.s32 $0x140, s19;
	_ =	swait.ge [sflag:s23], $0x800  }
0x52: {  	s21 =	sshra.s32 s21, $0x2;
	[sflag:s23] =	ssyncset.done $0x0  }
0x53: {  	s11 =	sadd.s32 $0x2710, s21;
	[sflag:s23] =	ssyncadd.s32 $0xFFFFF800  }
0x54: {  	[spmem:s3] =	stream.indirect.scatter.add.f32 [tilespmem:s15], [sflag:$0x6], $0x80, s11, s14, $0xb8;
	[tilespmem:$0x1B620] =	vst v63  }
0x55: {  	_ =	swait.ge [sflag:s24], $0x800  }
0x56: {  	[sflag:s24] =	ssyncset.done $0x0  }
0x57: {  	s11 =	sadd.s32 $0x2720, s21;
	[sflag:s24] =	ssyncadd.s32 $0xFFFFF800  }
0x58: {  	[spmem:s3] =	stream.indirect.scatter.add.f32 [tilespmem:s16], [sflag:$0x7], $0x80, s11, s14, $0xb8;
	[tilespmem:$0x1B620] =	vst v63  }
0x59: {  	_ =	swait.ge [sflag:s25], $0x800  }
0x5a: {  	[sflag:s25] =	ssyncset.done $0x0  }
0x5b: {  	s11 =	sadd.s32 $0x2730, s21;
	[sflag:s25] =	ssyncadd.s32 $0xFFFFF800  }
0x5c: {  	[spmem:s3] =	stream.indirect.scatter.add.f32 [tilespmem:s18], [sflag:$0x8], $0x80, s11, s14, $0xb8;
	[tilespmem:$0x1B620] =	vst v63  }
0x5d: {  	_ =	swait.ge [sflag:s26], $0x800  }
0x5e: {  	[sflag:s26] =	ssyncset.done $0x0  }
0x5f: {  	s11 =	sadd.s32 $0x2740, s21;
	[sflag:s26] =	ssyncadd.s32 $0xFFFFF800  }
0x60: {  	[spmem:s3] =	stream.indirect.scatter.add.f32 [tilespmem:s20], [sflag:$0x9], $0x80, s11, s14, $0xb8;
	[tilespmem:$0x1B620] =	vst v63  }
0x61: {  	_ =	swait.ge [sflag:s28], $0x800  }
0x62: {  	[sflag:s28] =	ssyncset.done $0x0  }
0x63: {  	s11 =	sadd.s32 $0x2750, s21;
	[sflag:s28] =	ssyncadd.s32 $0xFFFFF800  }
0x64: {  	[spmem:s3] =	stream.indirect.scatter.add.f32 [tilespmem:s22], [sflag:$0xA], $0x80, s11, s14, $0xb8;
	[tilespmem:$0x1B620] =	vst v63  }
0x65: {  	_ =	swait.ge [sflag:s29], $0x800  }
0x66: {  	[sflag:s29] =	ssyncset.done $0x0  }
0x67: {  	s11 =	sadd.s32 $0x50, s21;
	[sflag:s29] =	ssyncadd.s32 $0xFFFFF800  }
0x68: {  	[tilespmem:s15], [sflag:$0x1] =	stream.indirect.gather [hbm4b:s2+s14], $0x80, s11, s14, $0xb8;
	[tilespmem:$0x1B620] =	vst v63  }
0x69: {  	_ =	swait.ge [sflag:s30], $0x800  }
0x6a: {  	[sflag:s30] =	ssyncset.done $0x0  }
0x6b: {  	s11 =	sadd.s32 $0x60, s21;
	[sflag:s30] =	ssyncadd.s32 $0xFFFFF800  }
0x6c: {  	[tilespmem:s16], [sflag:$0x2] =	stream.indirect.gather [hbm4b:s2+s14], $0x80, s11, s14, $0xb8;
	[tilespmem:$0x1B620] =	vst v63  }
0x6d: {  	_ =	swait.ge [sflag:s31], $0x800  }
0x6e: {  	[sflag:s31] =	ssyncset.done $0x0  }
0x6f: {  	s11 =	sadd.s32 $0x70, s21;
	[sflag:s31] =	ssyncadd.s32 $0xFFFFF800  }
0x70: {  	[tilespmem:s18], [sflag:$0x3] =	stream.indirect.gather [hbm4b:s2+s14], $0x80, s11, s14, $0xb8;
	[tilespmem:$0x1B620] =	vst v63  }
0x71: {  	_ =	swait.ge [sflag:s0], $0x800  }
0x72: {  	[sflag:s0] =	ssyncset.done $0x0  }
.Ltmp0:
0x73: {  	s11 =	sadd.s32 $0x80, s21;
	[sflag:s0] =	ssyncadd.s32 $0xFFFFF800;
	(pc) =	sbr.rel @p0 .LBB2_2-.Ltmp0, $4  }
0x74: {  	[tilespmem:s20], [sflag:$0x4] =	stream.indirect.gather [hbm4b:s2+s14], $0x80, s11, s14, $0xb8;
	[tilespmem:$0x1B620] =	vst v63  }
0x75: {  	_ =	swait.ge [sflag:s1], $0x800  }
0x76: {  	[sflag:s1] =	ssyncset.done $0x0  }
0x77: {  	s21 =	sadd.s32 $0x90, s21;
	[sflag:s1] =	ssyncadd.s32 $0xFFFFF800  }
0x78: {  	[tilespmem:s22], [sflag:$0x5] =	stream.indirect.gather [hbm4b:s2+s14], $0x80, s21, s14, $0xb8;
	[tilespmem:$0x1B620] =	vst v63  }
0x79: {  	_ =	swait.ge [sflag:s23], $0x800  }
0x7a: {  	[sflag:s23] =	ssyncset.done $0x0  }
0x7b: {  	s11 =	simm.s32 $0x4DD0;
	[sflag:s23] =	ssyncadd.s32 $0xFFFFF800  }
0x7c: {  	[spmem:s3] =	stream.indirect.scatter.add.f32 [tilespmem:s15], [sflag:$0x6], $0x80, s11, s14, $0xb8;
	[tilespmem:$0x1B620] =	vst v63  }
0x7d: {  	_ =	swait.ge [sflag:s24], $0x800  }
0x7e: {  	[sflag:s24] =	ssyncset.done $0x0  }
0x7f: {  	s19 =	simm.s32 $0x4DE0;
	[sflag:s24] =	ssyncadd.s32 $0xFFFFF800  }
0x80: {  	[spmem:s3] =	stream.indirect.scatter.add.f32 [tilespmem:s16], [sflag:$0x7], $0x80, s19, s14, $0xb8;
	[tilespmem:$0x1B620] =	vst v63  }
0x81: {  	_ =	swait.ge [sflag:s25], $0x800  }
0x82: {  	[sflag:s25] =	ssyncset.done $0x0  }
0x83: {  	s21 =	simm.s32 $0x4DF0;
	[sflag:s25] =	ssyncadd.s32 $0xFFFFF800  }
0x84: {  	[spmem:s3] =	stream.indirect.scatter.add.f32 [tilespmem:s18], [sflag:$0x8], $0x80, s21, s14, $0xb8;
	[tilespmem:$0x1B620] =	vst v63  }
0x85: {  	_ =	swait.ge [sflag:s26], $0x800  }
0x86: {  	[sflag:s26] =	ssyncset.done $0x0  }
0x87: {  	s19 =	simm.s32 $0x4E00;
	[sflag:s26] =	ssyncadd.s32 $0xFFFFF800  }
0x88: {  	[spmem:s3] =	stream.indirect.scatter.add.f32 [tilespmem:s20], [sflag:$0x9], $0x80, s19, s14, $0xb8;
	[tilespmem:$0x1B620] =	vst v63  }
0x89: {  	_ =	swait.ge [sflag:s28], $0x800  }
0x8a: {  	[sflag:s28] =	ssyncset.done $0x0  }
0x8b: {  	s21 =	simm.s32 $0x4E10;
	[sflag:s28] =	ssyncadd.s32 $0xFFFFF800  }
0x8c: {  	[spmem:s3] =	stream.indirect.scatter.add.f32 [tilespmem:s22], [sflag:$0xA], $0x80, s21, s14, $0xb8;
	[tilespmem:$0x1B620] =	vst v63  }
0x8d: {  	_ =	swait.ge [sflag:s29], $0x800  }
0x8e: {  	[sflag:s29] =	ssyncset.done $0x0  }
0x8f: {  	[sflag:s29] =	ssyncadd.s32 $0xFFFFF800  }
0x90: {  	_ =	swait.ge [sflag:s30], $0x800  }
0x91: {  	[sflag:s30] =	ssyncset.done $0x0  }
0x92: {  	[sflag:s30] =	ssyncadd.s32 $0xFFFFF800  }
0x93: {  	_ =	swait.ge [sflag:s31], $0x800  }
0x94: {  	[sflag:s31] =	ssyncset.done $0x0  }
0x95: {  	[sflag:s31] =	ssyncadd.s32 $0xFFFFF800  }
0x96: {  	_ =	swait.ge [sflag:s0], $0x800  }
0x97: {  	[sflag:s0] =	ssyncset.done $0x0  }
0x98: {  	[sflag:s0] =	ssyncadd.s32 $0xFFFFF800  }
0x99: {  	_ =	swait.ge [sflag:s1], $0x800  }
0x9a: {  	s17 =	sadd.s32 $0x1, s17;
	[sflag:s1] =	ssyncset.done $0x0  }
0x9b: {  	p0 =	sne.s32 s17, s9;
	[sflag:s1] =	ssyncadd.s32 $0xFFFFF800  }
.Ltmp1:
0x9c: {  	[bflag:$0x0] =	sbarrier.arrive $0xFFFF;
	(pc) =	sbr.rel @p0 .LBB2_1-.Ltmp1, $4  }
0x9d: {  	[hbm:s8], [sflag:s12] =	dma.local [spmem:s13], $0x2800  }
0x9e: {  	_ =	swait.ge [sflag:s10], $0x2800  }
0x9f: {  	[sflag:s10] =	ssyncset.done $0x0  }
0xa0: {  	[sflag:s10] =	ssyncadd.s32 $0xFFFFD800  }
0xa1: {  	_ =	sfence.sel $0x180000  }
0xa2: {  	[bflag:$0x0] =	sbarrier.arrive $0xFFFF  }
0xa3: {  	_ =	strace $0x9000004D  }
0xa4: {  	s0 =	stileid.u32;
	[bflag:$0x2] =	sbarrier.arrive $0xFFFF  }
0xa5: {  	p0 =	sne.s32 s0, $0x0;
	s0 =	rddreg [dreg:$0x3]  }
0xa6: {  	s0 =	sadd.s32 @!p0 $0x100000, s0  }
0xa7: {  	[sflag:s0] =	ssyncadd.tile.s32 @!p0 $0x1;
	_ =	shalt  }
.Lfunc_end2:
_tile_overlayer_lowered:
.L_overlay_start_2:
0xa8: {  	(tag) =	ssettag $0x2  }
0xa9: {  	s0 =	rddreg [dreg:$0x0];
	s2 =	stileid.u32  }
0xaa: {  	s1 =	rddreg [dreg:$0x1];
	p0 =	sne.s32 s2, $0x0  }
0xab: {  	s3 =	rddreg [dreg:$0x2];
	[bflag:$0x3] =	sbarrier.arrive $0xFFFF;
	s2 =	simm.s32 @!p0 $0x1C0B  }
0xac: {  	[timem:s3], [sflag:s2] =	dma.local @!p0 [hbm:s0], s1  }
0xad: {  	s0 =	simm.s32 @!p0 $0xB  }
0xae: {  	_ =	swait.ge @!p0 [sflag:s0], s1  }
0xaf: {  	s1 =	ssub.s32 @!p0 $0x0, s1;
	[sflag:s0] =	ssyncset.done @!p0 $0x0  }
0xb0: {  	[sflag:s0] =	ssyncadd.s32 @!p0 s1  }
0xb1: {  	[bflag:$0x3] =	sbarrier.arrive $0xFFFF  }
0xb2: {  	_ =	shalt  }

// kernel: kernel.8.cloned.1.call-start
scs
__scs_entry_jumppad:
0x0: {  	(pc) =	sbr.rel $0x88, $3  }
0x1: {  	(tag) =	ssettag $0x0;
	lr =	simm.s32 $0x1  }
0x2: {  	[smem:$0x3F9B] =	sst lr;
	_ =	strace $0xD0000000  }
0x3: {  	_ = 	snop  }
0x4: {  	_ = 	snop  }
0x5: {  	_ = 	snop  }
0x6: {  	_ = 	snop  }
0x7: {  	_ = 	snop  }
__scs_overlays_trampoline_lowered:
0x8: {  	[smem:$0x3FAA] =	sst s0  }
0x9: {  	[smem:$0x3FAB] =	sst s1  }
0xa: {  	[smem:$0x3FAC] =	sst s2  }
0xb: {  	[smem:$0x3FAD] =	sst s3  }
0xc: {  	[smem:$0x3FAE] =	sst s4  }
0xd: {  	[smem:$0x3FAF] =	sst s5  }
0xe: {  	[smem:$0x3FB0] =	sst s6  }
0xf: {  	[smem:$0x3FB1] =	sst s7  }
0x10: {  	[smem:$0x3FB2] =	sst s8  }
0x11: {  	[smem:$0x3FB3] =	sst s9;
	s0 =	simm.s32 @!p0 $0x0  }
0x12: {  	s1 =	sld [smem:$0x3F99];
	s0 =	simm.s32 @p0 $0x1  }
0x13: {  	[smem:$0x3FB4] =	sst s0;
	s0 =	simm.s32 @!p1 $0x0  }
0x14: {  	s2 =	sld [smem:$0x3F98];
	s0 =	simm.s32 @p1 $0x1  }
0x15: {  	[smem:$0x3FB5] =	sst s0;
	s0 =	simm.s32 @!p2 $0x0  }
0x16: {  	s3 =	sld [smem:$0x3FDB];
	s0 =	simm.s32 @p2 $0x1  }
0x17: {  	s4 =	simm.s32 $0x1BF5;
	[smem:$0x3FB7] =	sst s0  }
0x18: {  	s0 =	sld [smem:$0x3F9A];
	_ =	swait.ge [sflag:s4], $0x0  }
0x19: {  	s7 =	sld [smem:$0x3F9B]  }
0x1a: {  	s8 =	sadd.s32 $0xFFFFE003, lr  }
0x1b: {  	s9 =	sadd.s32 $0xFFFFFEF7, lr;
	s5 =	simm.s32 $0xFFFFFFFF;
	p2 =	slt.u32 s8, $0xFFFFF086  }
0x1c: {  	p1 =	slt.u32 s9, $0xF7A;
	s5 =	simm.s32 @!p2 $0x0  }
0x1d: {  	s5 =	simm.s32 @p1 $0x1;
	p0 =	seq.s32 s7, s2  }
0x1e: {  	s7 =	smul.u32 @!p0 $0xF7A, s2;
	p2 =	seq.s32 @!p0 s5, $0x0  }
0x1f: {  	s9 =	smul.u32 $0xF7A, s1;
	s8 =	simm.s32 @!p0 $0x1BF5;
	p2 =	por !p2, p0  }
0x20: {  	[sflag:s8] =	ssyncset.s32 @!p0 $0xFFFFF086;
	s6 =	sadd.s32 @!p0 s3, s7;
	s7 =	simm.s32 @!p0 $0x108  }
0x21: {  	s3 =	sadd.s32 s3, s9;
	s6 =	sadd.s32 @!p0 $0x88, s6;
	s7 =	simm.s32 @p2 $0x1082  }
0x22: {  	[simem:s7], [sflag:s8] =	dma.local @!p0 [hbm:s6], $0xF7A  }
0x23: {  	s9 =	sor.u32 $0xD0000000, s2;
	s6 =	simm.s32 $0x108;
	_ =	swait.ge @!p0 [sflag:s8], $0x0  }
0x24: {  	s3 =	sadd.s32 $0x88, s3;
	s6 =	simm.s32 @!p1 $0x1082;
	[sflag:s4] =	ssyncset.s32 $0xFFFFF086  }
0x25: {  	[simem:s6], [sflag:s4] =	dma.local [hbm:s3], $0xF7A  }
0x26: {  	[smem:$0x3F9B] =	sst s1;
	(tag) =	ssettag s2;
	_ =	strace s9  }
0x27: {  	s1 =	sld [smem:$0x3FAB]  }
0x28: {  	s2 =	sld [smem:$0x3FAC]  }
0x29: {  	s4 =	sld [smem:$0x3FAE]  }
0x2a: {  	p0 =	seq.s32 s5, $0x0;
	s5 =	sld [smem:$0x3FAF]  }
0x2b: {  	s6 =	sld [smem:$0x3FB0]  }
0x2c: {  	s7 =	sld [smem:$0x3FB1]  }
0x2d: {  	s3 =	simm.s32 $0x108;
	s8 =	sld [smem:$0x3FB2]  }
0x2e: {  	s3 =	simm.s32 @!p0 $0x1082;
	s9 =	sld [smem:$0x3FB3]  }
0x2f: {  	lr =	sadd.s32 s0, s3;
	s0 =	sld [smem:$0x3FAA]  }
0x30: {  	s3 =	sld [smem:$0x3FAD]  }
0x31: {  	[smem:$0x3FB6] =	sst s10  }
0x32: {  	s10 =	sld [smem:$0x3FB4];
	_ =	sdelay $0x3  }
0x33: {  	p0 =	seq.s32 s10, $0x1;
	s10 =	sld [smem:$0x3FB6];
	_ =	sdelay $0x3  }
0x34: {  	[smem:$0x3FB6] =	sst s10  }
0x35: {  	s10 =	sld [smem:$0x3FB5];
	_ =	sdelay $0x3  }
0x36: {  	p1 =	seq.s32 s10, $0x1;
	s10 =	sld [smem:$0x3FB6];
	_ =	sdelay $0x3  }
0x37: {  	[smem:$0x3FB6] =	sst s10  }
0x38: {  	s10 =	sld [smem:$0x3FB7]  }
0x39: {  	_ = 	snop;
	(pc) =	sbr.ind lr, $3  }
0x3a: {  	_ = 	snop  }
0x3b: {  	_ = 	snop  }
0x3c: {  	p2 =	seq.s32 s10, $0x1;
	s10 =	sld [smem:$0x3FB6]  }
0x3d: {  	_ =	shalt  }
0x3e: {  	_ =	shalt  }
0x3f: {  	_ =	shalt  }
0x40: {  	_ =	shalt  }
0x41: {  	_ =	shalt  }
0x42: {  	_ =	shalt  }
0x43: {  	_ =	shalt  }
0x44: {  	_ =	shalt  }
0x45: {  	_ =	shalt  }
0x46: {  	_ =	shalt  }
0x47: {  	_ =	shalt  }
0x48: {  	_ =	shalt  }
0x49: {  	_ =	shalt  }
0x4a: {  	_ =	shalt  }
0x4b: {  	_ =	shalt  }
0x4c: {  	_ =	shalt  }
0x4d: {  	_ =	shalt  }
0x4e: {  	_ =	shalt  }
0x4f: {  	_ =	shalt  }
0x50: {  	_ =	shalt  }
0x51: {  	_ =	shalt  }
0x52: {  	_ =	shalt  }
0x53: {  	_ =	shalt  }
0x54: {  	_ =	shalt  }
0x55: {  	_ =	shalt  }
0x56: {  	_ =	shalt  }
0x57: {  	_ =	shalt  }
0x58: {  	_ =	shalt  }
0x59: {  	_ =	shalt  }
0x5a: {  	_ =	shalt  }
0x5b: {  	_ =	shalt  }
0x5c: {  	_ =	shalt  }
0x5d: {  	_ =	shalt  }
0x5e: {  	_ =	shalt  }
0x5f: {  	_ =	shalt  }
0x60: {  	_ =	shalt  }
0x61: {  	_ =	shalt  }
0x62: {  	_ =	shalt  }
0x63: {  	_ =	shalt  }
0x64: {  	_ =	shalt  }
0x65: {  	_ =	shalt  }
0x66: {  	_ =	shalt  }
0x67: {  	_ =	shalt  }
0x68: {  	_ =	shalt  }
0x69: {  	_ =	shalt  }
0x6a: {  	_ =	shalt  }
0x6b: {  	_ =	shalt  }
0x6c: {  	_ =	shalt  }
0x6d: {  	_ =	shalt  }
0x6e: {  	_ =	shalt  }
0x6f: {  	_ =	shalt  }
0x70: {  	_ =	shalt  }
0x71: {  	_ =	shalt  }
0x72: {  	_ =	shalt  }
0x73: {  	_ =	shalt  }
0x74: {  	_ =	shalt  }
0x75: {  	_ =	shalt  }
0x76: {  	_ =	shalt  }
0x77: {  	_ =	shalt  }
0x78: {  	_ =	shalt  }
0x79: {  	_ =	shalt  }
0x7a: {  	_ =	shalt  }
0x7b: {  	_ =	shalt  }
0x7c: {  	_ =	shalt  }
0x7d: {  	_ =	shalt  }
0x7e: {  	_ =	shalt  }
0x7f: {  	_ =	shalt  }
0x80: {  	_ =	shalt  }
0x81: {  	_ =	shalt  }
0x82: {  	_ =	shalt  }
0x83: {  	_ =	shalt  }
0x84: {  	_ =	shalt  }
0x85: {  	_ =	shalt  }
0x86: {  	_ =	shalt  }
0x87: {  	_ =	shalt  }
.Lfunc_end0:
.L_simem_size_0:
called_computation_lowered:
.L_overlay_start_0:
0x88: {  	s2 =	sld [smem:$0x3FD9]  }
0x89: {  	s3 =	sld [smem:$0x3FFE];
	_ =	sdelay $0x1  }
0x8a: {  	s1 =	srdreg.scid  }
0x8b: {  	s0 =	sand.u32 $0x1, s1  }
0x8c: {  	s17 =	sshll.u32 s0, $0xA;
	s2 =	sadd.s32 s3, s2  }
0x8d: {  	s2 =	sadd.s32 s2, s17  }
0x8e: {  	[smem:$0x3FC2] =	sst s2  }
0x8f: {  	_ = 	snop  }
0x90: {  	s2 =	sld [smem:$0x3FD0];
	(tm) =	ssettm $0x1  }
0x91: {  	s18 =	sld [smem:$0x3FFB];
	_ =	sdelay $0x3  }
0x92: {  	_ =	strace s18  }
0x93: {  	s3 =	sld [smem:$0x3FFC];
	_ =	sdelay $0x3  }
0x94: {  	_ =	strace s3  }
0x95: {  	s3 =	sld [smem:$0x3FFD];
	_ =	sdelay $0x3  }
0x96: {  	_ =	strace s3  }
0x97: {  	_ =	strace $0x8FFFFFFF  }
0x98: {  	s19 =	sld [smem:$0x3FDB];
	_ =	sdelay $0x1  }
0x99: {  	s4 =	simm.s32 $_scs_section_size  }
0x9a: {  	s5 =	simm.s32 $_size__tile_overlayer_lowered;
	s6 =	simm.s32 $_tile_overlayer_lowered  }
0x9b: {  	s22 =	simm.s32 $0x1BFF;
	s21 =	sshll.u32 s6, $0x1;
	s3 =	sadd.s32 s4, s19  }
0x9c: {  	s7 =	simm.s32 $0x0;
	s20 =	sshll.u32 s5, $0x1;
	s5 =	sadd.s32 s21, s3  }
0x9d: {  	[timem:s7], [sflag:s22] =	dma.local [hbm:s5], s20  }
0x9e: {  	_ =	swait.ge [sflag:s22], s20  }
0x9f: {  	s4 =	ssub.s32 $0x0, s20;
	[sflag:s22] =	ssyncset.done $0x0  }
0xa0: {  	[sflag:s22] =	ssyncadd.s32 s4;
	_ =	sdelay $0x1  }
0xa1: {  	s23 =	simm.s32 $0x1B8B  }
0xa2: {  	_ =	swait.ge [sflag:s23], $0x1  }
0xa3: {  	[sflag:s23] =	ssyncset.done $0x0  }
0xa4: {  	s25 =	simm.s32 $0x1B8E;
	s24 =	sld [smem:$0x3FFE];
	[sflag:s23] =	ssyncadd.s32 $0xFFFFFFFF  }
0xa5: {  	s26 =	simm.s32 $execute0_lowered;
	[smem:$0x3FD2] =	sst s25  }
0xa6: {  	s5 =	sshll.u32 s26, $0x1;
	_ =	strace $0x80000046;
	[dreg:$0x1] =	wrdreg $0xFFFFFFFF  }
0xa7: {  	s28 =	simm.s32 $_size_execute0_lowered;
	s3 =	sadd.s32 s3, s5;
	[dreg:$0x0] =	wrdreg $0x0  }
0xa8: {  	s5 =	sshll.u32 s28, $0x1;
	[dreg:$0x2] =	wrdreg s3  }
0xa9: {  	[dreg:$0x3] =	wrdreg s5  }
0xaa: {  	[dreg:$0x4] =	wrdreg $0xC0  }
0xab: {  	_ =	task [dreg:s7], $0x5FFFF  }
0xac: {  	[dreg:$0x1] =	wrdreg $0xFFFFFFFF  }
0xad: {  	[dreg:$0x0] =	wrdreg $0x60  }
0xae: {  	[dreg:$0x2] =	wrdreg s24  }
0xaf: {  	[dreg:$0x3] =	wrdreg s2  }
0xb0: {  	[dreg:$0x4] =	wrdreg $0x9  }
0xb1: {  	_ =	task.clear_ibuf [dreg:s7], $0x5FFFF;
	_ =	strace $0x90000046  }
0xb2: {  	s29 =	simm.s32 $0x9;
	_ =	strace $0x80000048  }
0xb3: {  	_ =	swait.ge [sflag:s29], $0x1  }
0xb4: {  	[sflag:s29] =	ssyncadd.s32 $0xFFFFFFFF  }
0xb5: {  	_ =	strace $0x90000048  }
0xb6: {  	_ =	sfence  }
0xb7: {  	s30 =	sld [smem:$0x0];
	_ =	sdelay $0x2  }
0xb8: {  	s31 =	sshll.u32 s1, $0xD;
	s1 =	sshrl.u32 s1, $0x2  }
0xb9: {  	s3 =	sand.u32 $0x4000, s31;
	s1 =	sadd.s32 s1, s30  }
0xba: {  	s0 =	sor.u32 s3, s0;
	s1 =	sshll.u32 s1, $0x11  }
0xbb: {  	s0 =	sor.u32 s1, s0  }
0xbc: {  	s0 =	sadd.s32 $0x8F2B, s0  }
0xbd: {  	[sflag:s0] =	ssyncadd.remote.s32 $0x1  }
0xbe: {  	_ =	sfence.sel $0xFFFF  }
0xbf: {  	[dreg:$0x0] =	wrdreg $0xFFFFFFFF;
	(pc) =	sbr.abs _section_cstart, $3  }
0xc0: {  	[dreg:$0x1] =	wrdreg $0xFFFFFFFF  }
0xc1: {  	_ =	task.clear_ibuf [dreg:s7], $0x2FFFF;
	_ =	strace $0x9FFFFFFF  }
0xc2: {  	(tm) =	ssettm $0x7FFFFFFF  }
0xc3: {  	_ =	shalt  }
tec
execute0_lowered:
.L_overlay_start_1:
0x0: {  	(tag) =	ssettag $0x1  }
0x1: {  	s0 =	srdreg.scid;
	s4 =	rddreg [dreg:$0x0]  }
0x2: {  	s5 =	rddreg [dreg:$0x1];
	s2 =	simm.s32 $0x0;
	s3 =	sand.u32 $0x1, s0  }
0x3: {  	s9 =	simm.s32 $0x2710;
	s0 =	stileid.u32;
	s1 =	sshll.u32 s3, $0x4  }
0x4: {  	s10 =	simm.s32 $0x4E20;
	s11 =	simm.s32 $0x7530;
	s1 =	sor.u32 s0, s1  }
0x5: {  	[smem:$0x7FF] =	sst s2;
	s3 =	ssub.s32 $0x2, s3;
	s6 =	smul.u32 $0x4E2, s1  }
0x6: {  	s12 =	simm.s32 $0x0;
	s31 =	sshrl.u32 s3, $0x1;
	s1 =	rddreg [dreg:$0x2]  }
0x7: {  	_ =	strace $0x80000047;
	s8 =	ssub.s32 s3, s31;
	s7 =	sadd.s32 s6, s4  }
0x8: {  	s5 =	sadd.s32 s5, s6;
	s3 =	sadd.s32 $0xB800, s7;
	s4 =	sadd.s32 $0x1A00, s7  }
0x9: {  	v0 =	vimm.f32 $0.0e+00;
	v1 =	vimm.f32 $1.000000000e+00;
	s6 =	sadd.s32 $0x15600, s7;
	s7 =	smax.u32 s8, $0x1;
	s8 =	simm.s32 $0x1  }
.LBB2_1:
0xa: {  	[tilespmem:s2], [sflag:$0x1] =	stream.linear.gather [hbm4b:s3+s2], $0x2710, $0x38;
	[tilespmem:$0x9C40] =	vst v63  }
0xb: {  	_ =	swait.ge [sflag:s8], $0x2710  }
0xc: {  	[sflag:s8] =	ssyncset.done $0x0  }
0xd: {  	[sflag:s8] =	ssyncadd.s32 $0xFFFFD8F0  }
0xe: {  	[tilespmem:s9], [sflag:$0x1] =	stream.linear.gather [hbm4b:s4+s2], $0x2710, $0x38;
	[tilespmem:$0x9C40] =	vst v63  }
0xf: {  	_ =	swait.ge [sflag:s8], $0x2710  }
0x10: {  	[sflag:s8] =	ssyncset.done $0x0  }
0x11: {  	s13 =	simm.s32 $0x0;
	[sflag:s8] =	ssyncadd.s32 $0xFFFFD8F0  }
.LBB2_2:
0x12: {  	p0 =	sne.s32 s13, $0x9C00  }
.Ltmp0:
0x13: {  	_ = 	snop;
	(pc) =	sbr.rel @p0 .LBB2_2-.Ltmp0, $4  }
0x14: {  	_ = 	snop  }
0x15: {  	s14 =	sshra.s32 s13, $0x2  }
0x16: {  	[tilespmem:s14+$0x4E20] =	vst v0  }
0x17: {  	s13 =	sadd.s32 $0x40, s13;
	[tilespmem:s14+$0x7530] =	vst v0  }
0x18: {  	s14 =	simm.s32 $0x0;
	s13 =	simm.s32 $0x40  }
.LBB2_4:
0x19: {  	p0 =	sne.s32 s13, $0x9C00;
	v2 =	vld [tilespmem:s14+$0x0];
	_ =	sdelay $0x7  }
0x1a: {  	[tilespmem:v2+s10+$0x0] =	vst.idx.add.f32.msk $0xffff, v1  }
0x1b: {  	v2 =	vld [tilespmem:s14+$0x2710];
	_ =	sdelay $0x3  }
.Ltmp1:
0x1c: {  	(pc) =	sbr.rel @p0 .LBB2_4-.Ltmp1, $2  }
0x1d: {  	_ =	sdelay $0x2  }
0x1e: {  	s14 =	sshra.s32 s13, $0x2;
	s13 =	sadd.s32 $0x40, s13;
	[tilespmem:v2+s11+$0x0] =	vst.idx.add.f32.msk $0xffff, v1  }
0x1f: {  	v2 =	vld [tilespmem:s14+$0x0];
	_ =	sdelay $0x7  }
0x20: {  	[tilespmem:v2+s10+$0x0] =	vst.idx.add.f32.msk $0xffff, v1  }
0x21: {  	v2 =	vld [tilespmem:s14+$0x2710];
	_ =	sdelay $0x7  }
0x22: {  	[tilespmem:v2+s11+$0x0] =	vst.idx.add.f32.msk $0xffff, v1  }
0x23: {  	[hbm4b:s5+s2] =	stream.linear.scatter [tilespmem:s10], [sflag:$0x1], $0x2710, $0x38;
	[tilespmem:$0x9C40] =	vst v63  }
0x24: {  	s12 =	sadd.s32 $0x1, s12;
	_ =	swait.ge [sflag:s8], $0x2710  }
0x25: {  	p0 =	sne.s32 s12, s7;
	[sflag:s8] =	ssyncset.done $0x0  }
.Ltmp2:
0x26: {  	[sflag:s8] =	ssyncadd.s32 $0xFFFFD8F0;
	(pc) =	sbr.rel @p0 .LBB2_1-.Ltmp2, $4  }
0x27: {  	[hbm4b:s6+s2] =	stream.linear.scatter [tilespmem:s11], [sflag:$0x1], $0x2710, $0x38;
	[tilespmem:$0x9C40] =	vst v63  }
0x28: {  	_ =	swait.ge [sflag:s8], $0x2710  }
0x29: {  	[sflag:s8] =	ssyncset.done $0x0  }
0x2a: {  	[sflag:s8] =	ssyncadd.s32 $0xFFFFD8F0  }
0x2b: {  	_ =	sfence.sel $0x180000  }
0x2c: {  	[bflag:$0x0] =	sbarrier.arrive $0xFFFF  }
0x2d: {  	p0 =	sne.s32 s0, $0x0;
	_ =	strace $0x90000047  }
0x2e: {  	s0 =	sadd.s32 @!p0 $0x100000, s1;
	[bflag:$0x2] =	sbarrier.arrive $0xFFFF  }
0x2f: {  	[sflag:s0] =	ssyncadd.tile.s32 @!p0 $0x1;
	_ =	shalt  }
.Lfunc_end2:
_tile_overlayer_lowered:
.L_overlay_start_2:
0x30: {  	(tag) =	ssettag $0x2  }
0x31: {  	s0 =	rddreg [dreg:$0x0];
	s2 =	stileid.u32  }
0x32: {  	s1 =	rddreg [dreg:$0x1];
	p0 =	sne.s32 s2, $0x0  }
0x33: {  	s3 =	rddreg [dreg:$0x2];
	[bflag:$0x3] =	sbarrier.arrive $0xFFFF;
	s2 =	simm.s32 @!p0 $0x1C01  }
0x34: {  	[timem:s3], [sflag:s2] =	dma.local @!p0 [hbm:s0], s1  }
0x35: {  	s0 =	simm.s32 @!p0 $0x1  }
0x36: {  	_ =	swait.ge @!p0 [sflag:s0], s1  }
0x37: {  	s1 =	ssub.s32 @!p0 $0x0, s1;
	[sflag:s0] =	ssyncset.done @!p0 $0x0  }
0x38: {  	[sflag:s0] =	ssyncadd.s32 @!p0 s1  }
0x39: {  	[bflag:$0x3] =	sbarrier.arrive $0xFFFF  }
0x3a: {  	_ =	shalt  }

</sc_bundles>
